<compile_context>
chip_gen: v7x
topology: tpu7x:2x2x1
jax: 0.10.2.dev20260603
libtpu: 0.0.44.dev20260713+nightly
codegen_flags: <defaults>
</compile_context>

<pallas_src>
import jax
import jax.numpy as jnp
from jax import lax
from jax.experimental import pallas as pl
from jax.experimental.pallas import tpu as pltpu
from jax.experimental.pallas import tpu_sc as plsc

NC = 2
NS = 16
NW = NC * NS
L = 16

IMAX = 2**31 - 1

XROWS_PER_W = 2
XCHUNK = 4096
XNCHUNK = 32768 // XCHUNK
XTOT = XROWS_PER_W * XNCHUNK
YGROUPS = 8
YCHUNK = 512
YNCHUNK = 4096 // YCHUNK
YB = 128
YBPC = YCHUNK // YB
YNBLK = 4096 // YB
ZBLK = 64
ZNBLK = 2048 // ZBLK


def _insert2_desc(a, ia, b, ib, v, iv):
    gt1 = v > a
    gt2 = v > b
    na = jnp.where(gt1, v, a)
    nia = jnp.where(gt1, iv, ia)
    nb = jnp.where(gt1, a, jnp.where(gt2, v, b))
    nib = jnp.where(gt1, ia, jnp.where(gt2, iv, ib))
    return na, nia, nb, nib


def _insert3_desc(t0, i0, t1, i1, t2, i2, v, iv):
    c0 = v > t0
    c1 = v > t1
    c2 = v > t2
    nt2 = jnp.where(c2, jnp.where(c1, t1, v), t2)
    ni2 = jnp.where(c2, jnp.where(c1, i1, iv), i2)
    nt1 = jnp.where(c1, jnp.where(c0, t0, v), t1)
    ni1 = jnp.where(c1, jnp.where(c0, i0, iv), i1)
    nt0 = jnp.where(c0, v, t0)
    ni0 = jnp.where(c0, iv, i0)
    return nt0, ni0, nt1, ni1, nt2, ni2


def _insert4_asc(t0, i0, t1, i1, t2, i2, t3, i3, v, iv):
    c0 = v < t0
    c1 = v < t1
    c2 = v < t2
    c3 = v < t3
    nt3 = jnp.where(c3, jnp.where(c2, t2, v), t3)
    ni3 = jnp.where(c3, jnp.where(c2, i2, iv), i3)
    nt2 = jnp.where(c2, jnp.where(c1, t1, v), t2)
    ni2 = jnp.where(c2, jnp.where(c1, i1, iv), i2)
    nt1 = jnp.where(c1, jnp.where(c0, t0, v), t1)
    ni1 = jnp.where(c1, jnp.where(c0, i0, iv), i1)
    nt0 = jnp.where(c0, v, t0)
    ni0 = jnp.where(c0, iv, i0)
    return nt0, ni0, nt1, ni1, nt2, ni2, nt3, ni3


def _bcast_reduce(v, op, iota):
    for d in (8, 4, 2, 1):
        perm = jnp.bitwise_xor(iota, d)
        v = op(v, v.at[perm].get(mode="promise_in_bounds"))
    return v


def _sc_body(x_hbm, y_hbm, z_hbm, xv_o, xi_o, yv_o, yi_o, zv_o, zi_o,
             xbuf, ybuf, btab, zbuf, zsv, zsi, obf, obi, sems):
    c = lax.axis_index("c")
    s = lax.axis_index("s")
    w = s * NC + c
    iota = lax.iota(jnp.int32, L)
    ninf = jnp.full((L,), -jnp.inf, jnp.float32)
    pinf = jnp.full((L,), jnp.inf, jnp.float32)
    zero_i = jnp.zeros((L,), jnp.int32)

    phase_x = jax.named_scope("phase_x"); phase_x.__enter__()
    def xsrc(t):
        row = w * XROWS_PER_W + t // XNCHUNK
        return x_hbm.at[row, pl.ds((t % XNCHUNK) * XCHUNK, XCHUNK)]

    pltpu.async_copy(xsrc(0), xbuf.at[0], sems.at[0])

    xres_v = jnp.zeros((L,), jnp.float32)
    xres_i = jnp.zeros((L,), jnp.int32)
    for rr in range(XROWS_PER_W):

        def xchunk(ch, carry):
            a, ia, b, ib = carry
            t = rr * XNCHUNK + ch
            cur = t & 1
            pltpu.make_async_copy(xsrc(t), xbuf.at[cur], sems.at[cur]).wait()

            @pl.when(t + 1 < XTOT)
            def _prefetch():
                pltpu.async_copy(xsrc(t + 1), xbuf.at[1 - cur], sems.at[1 - cur])

            base = ch * XCHUNK

            def xstep(i, carry):
                a, ia, b, ib = carry
                v = xbuf[cur, pl.ds(i * L, L)]
                iv = iota + (base + i * L)
                return _insert2_desc(a, ia, b, ib, v, iv)

            return lax.fori_loop(0, XCHUNK // L, xstep, (a, ia, b, ib))

        a, ia, b, ib = lax.fori_loop(
            0, XNCHUNK, xchunk, (ninf, zero_i, ninf, zero_i))
        m1 = _bcast_reduce(a, jnp.maximum, iota)
        im1 = _bcast_reduce(jnp.where(a == m1, ia, IMAX), jnp.minimum, iota)
        cnd = jnp.where(ia == im1, b, a)
        icnd = jnp.where(ia == im1, ib, ia)
        m2 = _bcast_reduce(cnd, jnp.maximum, iota)
        im2 = _bcast_reduce(jnp.where(cnd == m2, icnd, IMAX), jnp.minimum, iota)
        xres_v = jnp.where(iota == 2 * rr, m1, jnp.where(iota == 2 * rr + 1, m2, xres_v))
        xres_i = jnp.where(iota == 2 * rr, im1, jnp.where(iota == 2 * rr + 1, im2, xres_i))
    obf[pl.ds(0, L)] = xres_v
    obi[pl.ds(0, L)] = xres_i
    pltpu.sync_copy(obf.at[pl.ds(0, L)], xv_o.at[pl.ds(w * L, L)])
    pltpu.sync_copy(obi.at[pl.ds(0, L)], xi_o.at[pl.ds(w * L, L)])

    phase_x.__exit__(None, None, None)
    phase_y = jax.named_scope("phase_y"); phase_y.__enter__()

    def ygroup(g, _):
        r0 = w * (YGROUPS * L) + g * L

        for ch in range(YNCHUNK):
            pltpu.async_copy(
                y_hbm.at[pl.ds(r0, L), pl.ds(ch * YCHUNK, YCHUNK)],
                ybuf.at[:, pl.ds(ch * YCHUNK, YCHUNK)], sems.at[0])

        def ychunk(ch, _):
            pltpu.make_async_copy(
                y_hbm.at[pl.ds(r0, L), pl.ds(ch * YCHUNK, YCHUNK)],
                ybuf.at[:, pl.ds(ch * YCHUNK, YCHUNK)], sems.at[0]).wait()

            def yrow(rr, _):
                def yblock(b, _):
                    cb = ch * YCHUNK + b * YB
                    m0 = jnp.minimum(ybuf[rr, pl.ds(cb, L)],
                                     ybuf[rr, pl.ds(cb + L, L)])
                    m1 = jnp.minimum(ybuf[rr, pl.ds(cb + 2 * L, L)],
                                     ybuf[rr, pl.ds(cb + 3 * L, L)])
                    m2 = jnp.minimum(ybuf[rr, pl.ds(cb + 4 * L, L)],
                                     ybuf[rr, pl.ds(cb + 5 * L, L)])
                    m3 = jnp.minimum(ybuf[rr, pl.ds(cb + 6 * L, L)],
                                     ybuf[rr, pl.ds(cb + 7 * L, L)])
                    bm = _bcast_reduce(
                        jnp.minimum(jnp.minimum(m0, m1), jnp.minimum(m2, m3)),
                        jnp.minimum, iota)
                    plsc.store_scatter(
                        btab, [jnp.full((L,), ch * YBPC + b, jnp.int32), iota],
                        bm, mask=iota == rr)
                    return _

                lax.fori_loop(0, YBPC, yblock, 0)
                return _

            lax.fori_loop(0, L, yrow, 0)
            return _

        lax.fori_loop(0, YNCHUNK, ychunk, 0)

        def ysel(blk, carry):
            t0, i0, t1, i1, t2, i2, t3, i3 = carry
            bm = btab[blk]
            bi = jnp.full((L,), blk, jnp.int32)
            return _insert4_asc(t0, i0, t1, i1, t2, i2, t3, i3, bm, bi)

        sel = lax.fori_loop(
            0, YNBLK, ysel,
            (pinf, zero_i, pinf, zero_i, pinf, zero_i, pinf, zero_i))
        b0, b1, b2, b3 = sel[1], sel[3], sel[5], sel[7]
        b0, b1 = jnp.minimum(b0, b1), jnp.maximum(b0, b1)
        b2, b3 = jnp.minimum(b2, b3), jnp.maximum(b2, b3)
        b0, b2 = jnp.minimum(b0, b2), jnp.maximum(b0, b2)
        b1, b3 = jnp.minimum(b1, b3), jnp.maximum(b1, b3)
        b1, b2 = jnp.minimum(b1, b2), jnp.maximum(b1, b2)

        st = (pinf, zero_i, pinf, zero_i, pinf, zero_i, pinf, zero_i)
        for bk in (b0, b1, b2, b3):
            cbase = bk * YB

            def yfine(j, carry, cbase=cbase):
                t0, i0, t1, i1, t2, i2, t3, i3 = carry
                iv = cbase + j
                v = plsc.load_gather(ybuf, [iota, iv])
                return _insert4_asc(t0, i0, t1, i1, t2, i2, t3, i3, v, iv)

            st = lax.fori_loop(0, YB, yfine, st)
        t0, i0, t1, i1, t2, i2, t3, i3 = st
        for k, (tk, ik) in enumerate(((t0, i0), (t1, i1), (t2, i2), (t3, i3))):
            plsc.store_scatter(obf, [iota * 4 + k], tk)
            plsc.store_scatter(obi, [iota * 4 + k], ik)
        pltpu.sync_copy(obf, yv_o.at[pl.ds(r0 * 4, 4 * L)])
        pltpu.sync_copy(obi, yi_o.at[pl.ds(r0 * 4, 4 * L)])
        return _

    lax.fori_loop(0, YGROUPS, ygroup, 0)

    phase_y.__exit__(None, None, None)
    phase_z = jax.named_scope("phase_z"); phase_z.__enter__()
    def zinit(i, _):
        zsv[pl.ds(i * L, L)] = ninf
        zsi[pl.ds(i * L, L)] = zero_i
        return _

    lax.fori_loop(0, 3 * 128 // L, zinit, 0)

    def zsrc(t):
        return z_hbm.at[pl.ds(t * ZBLK, ZBLK), pl.ds(w * 128, 128)]

    pltpu.async_copy(zsrc(0), zbuf.at[0], sems.at[0])

    def zblock(blk, _):
        cur = blk & 1
        pltpu.make_async_copy(zsrc(blk), zbuf.at[cur], sems.at[cur]).wait()

        @pl.when(blk + 1 < ZNBLK)
        def _prefetch():
            pltpu.async_copy(zsrc(blk + 1), zbuf.at[1 - cur], sems.at[1 - cur])

        rbase = blk * ZBLK

        def zgroup(g, _):
            t0 = zsv[pl.ds(0 * 128 + g * L, L)]
            t1 = zsv[pl.ds(1 * 128 + g * L, L)]
            t2 = zsv[pl.ds(2 * 128 + g * L, L)]
            i0 = zsi[pl.ds(0 * 128 + g * L, L)]
            i1 = zsi[pl.ds(1 * 128 + g * L, L)]
            i2 = zsi[pl.ds(2 * 128 + g * L, L)]

            v0 = zbuf[cur, 0, pl.ds(g * L, L)]

            def zstep(r, carry):
                t0, i0, t1, i1, t2, i2, v = carry
                rn = jnp.minimum(r + 1, ZBLK - 1)
                vnext = zbuf[cur, rn, pl.ds(g * L, L)]
                iv = jnp.full((L,), rbase + r, jnp.int32)
                out = _insert3_desc(t0, i0, t1, i1, t2, i2, v, iv)
                return out + (vnext,)

            t0, i0, t1, i1, t2, i2, _vlast = lax.fori_loop(
                0, ZBLK, zstep, (t0, i0, t1, i1, t2, i2, v0))
            zsv[pl.ds(0 * 128 + g * L, L)] = t0
            zsv[pl.ds(1 * 128 + g * L, L)] = t1
            zsv[pl.ds(2 * 128 + g * L, L)] = t2
            zsi[pl.ds(0 * 128 + g * L, L)] = i0
            zsi[pl.ds(1 * 128 + g * L, L)] = i1
            zsi[pl.ds(2 * 128 + g * L, L)] = i2
            return _

        lax.fori_loop(0, 8, zgroup, 0)
        return _

    lax.fori_loop(0, ZNBLK, zblock, 0)
    pltpu.sync_copy(zsv, zv_o.at[pl.ds(w * 384, 384)])
    pltpu.sync_copy(zsi, zi_o.at[pl.ds(w * 384, 384)])
    phase_z.__exit__(None, None, None)


@jax.jit
def _sc_topk(x, y2d, z):
    mesh = plsc.VectorSubcoreMesh(core_axis_name="c", subcore_axis_name="s")
    f = pl.kernel(
        _sc_body,
        mesh=mesh,
        out_type=[
            jax.ShapeDtypeStruct((NW * L,), jnp.float32),
            jax.ShapeDtypeStruct((NW * L,), jnp.int32),
            jax.ShapeDtypeStruct((4096 * 4,), jnp.float32),
            jax.ShapeDtypeStruct((4096 * 4,), jnp.int32),
            jax.ShapeDtypeStruct((NW * 384,), jnp.float32),
            jax.ShapeDtypeStruct((NW * 384,), jnp.int32),
        ],
        scratch_types=[
            pltpu.VMEM((2, XCHUNK), jnp.float32),
            pltpu.VMEM((L, 4096), jnp.float32),
            pltpu.VMEM((YNBLK, L), jnp.float32),
            pltpu.VMEM((2, ZBLK, 128), jnp.float32),
            pltpu.VMEM((384,), jnp.float32),
            pltpu.VMEM((384,), jnp.int32),
            pltpu.VMEM((4 * L,), jnp.float32),
            pltpu.VMEM((4 * L,), jnp.int32),
            pltpu.SemaphoreType.DMA((3,)),
        ],
        compiler_params=pltpu.CompilerParams(needs_layout_passes=False),
    )
    return f(x, y2d, z)


def kernel(x, y, z):
    y2d = y.reshape(4096, 4096)
    xv, xi, yv, yi, zv, zi = _sc_topk(x, y2d, z)
    x_values = xv.reshape(NW, L)[:, :4].reshape(64, 2)
    x_indices = xi.reshape(NW, L)[:, :4].reshape(64, 2).astype(jnp.int64)
    y_values = yv.reshape(32, 16, 8, 4)
    y_indices = yi.reshape(32, 16, 8, 4).astype(jnp.int64)
    z_values = zv.reshape(NW, 3, 128).transpose(1, 0, 2).reshape(3, 4096)
    z_indices = zi.reshape(NW, 3, 128).transpose(1, 0, 2).reshape(3, 4096).astype(jnp.int64)
    return (x_values, x_indices, y_values, y_indices, z_values, z_indices)

# --- scband reference (transcript-rebuilt; emitter-appended) ---
"""Pipeline reference for scband-model-30270929502231 (READ-ONLY COPY).

The authoritative reference and input builder live on the scoring server;
editing this copy changes nothing except your own understanding.
"""

import jax, jax.numpy as jnp
import numpy as np
from jax import lax


def setup_inputs(seed: int = 0) -> dict:
    key = jax.random.key(seed)
    k1, k2, k3 = jax.random.split(key, 3)
    x = jax.random.normal(k1, (64, 32768), dtype=jnp.float32)
    y = jax.random.normal(k2, (32, 16, 8, 4096), dtype=jnp.float32)
    z = jax.random.normal(k3, (2048, 4096), dtype=jnp.float32)
    return {"x": x, "y": y, "z": z}


def reference(x, y, z):
    # torch.topk(x, 2, dim=1, largest=True, sorted=True)
    x_values, x_indices = lax.top_k(x, 2)
    # torch.topk(y, 4, dim=3, largest=False, sorted=True)
    # smallest-k ascending == negate, take largest-k descending, negate back
    neg_y_vals, y_indices = lax.top_k(-y, 4)
    y_values = -neg_y_vals
    # torch.topk(z, 3, dim=0, largest=True, sorted=True)
    z_moved = jnp.moveaxis(z, 0, -1)
    zv, zi = lax.top_k(z_moved, 3)
    z_values = jnp.moveaxis(zv, -1, 0)
    z_indices = jnp.moveaxis(zi, -1, 0)
    return (x_values, x_indices.astype(jnp.int64),
            y_values, y_indices.astype(jnp.int64),
            z_values, z_indices.astype(jnp.int64))

if __name__ == "__main__":
    import jax
    _d = setup_inputs()
    print(jax.jit(kernel)(*tuple(_d.values())))

</pallas_src>

<mosaic_0001>
#map = affine_map<(d0, d1) -> (0, 0)>
#map1 = affine_map<(d0, d1) -> (0)>
module attributes {stable_mosaic.version = 14 : i64} {
  func.func @_sc_body(%arg0: i32, %arg1: i32, %arg2: memref<64x32768xf32, #tpu.memory_space<hbm>>, %arg3: memref<4096x4096xf32, #tpu.memory_space<hbm>>, %arg4: memref<2048x4096xf32, #tpu.memory_space<hbm>>, %arg5: memref<512xf32, #tpu.memory_space<hbm>>, %arg6: memref<512xi32, #tpu.memory_space<hbm>>, %arg7: memref<16384xf32, #tpu.memory_space<hbm>>, %arg8: memref<16384xi32, #tpu.memory_space<hbm>>, %arg9: memref<12288xf32, #tpu.memory_space<hbm>>, %arg10: memref<12288xi32, #tpu.memory_space<hbm>>, %arg11: memref<2x4096xf32, #tpu.memory_space<vmem>>, %arg12: memref<16x4096xf32, #tpu.memory_space<vmem>>, %arg13: memref<32x16xf32, #tpu.memory_space<vmem>>, %arg14: memref<2x64x128xf32, #tpu.memory_space<vmem>>, %arg15: memref<384xf32, #tpu.memory_space<vmem>>, %arg16: memref<384xi32, #tpu.memory_space<vmem>>, %arg17: memref<64xf32, #tpu.memory_space<vmem>>, %arg18: memref<64xi32, #tpu.memory_space<vmem>>, %arg19: memref<3x!tpu.dma_semaphore, #tpu.memory_space<semaphore_mem>>) attributes {dimension_semantics = [#tpu.dimension_semantics<core_parallel>, #tpu.dimension_semantics<subcore_parallel>], iteration_bounds = array<i64: 2, 16>, scalar_prefetch = 0 : i64, scratch_operands = 9 : i64, tpu.core_type = #tpu.core_type<sc_vector_subcore>, window_params = [{transform_indices = #map}, {transform_indices = #map}, {transform_indices = #map}, {transform_indices = #map1}, {transform_indices = #map1}, {transform_indices = #map1}, {transform_indices = #map1}, {transform_indices = #map1}, {transform_indices = #map1}]} {
    %mul3A = arith.constant 2 : i32
    %mul3A_0 = arith.muli %arg1, %mul3A : i32
    %add3A = arith.addi %mul3A_0, %arg0 : i32
    %iota3A = tpu.iota {dimensions = array<i32: 0>} : vector<16xi32>
    %broadcast_in_dim3A = arith.constant 0xFF800000 : f32
    %broadcast_in_dim3A_1 = vector.broadcast %broadcast_in_dim3A : f32 to vector<16xf32>
    %broadcast_in_dim3A_2 = arith.constant 0x7F800000 : f32
    %broadcast_in_dim3A_3 = vector.broadcast %broadcast_in_dim3A_2 : f32 to vector<16xf32>
    %broadcast_in_dim3A_4 = arith.constant 0 : i32
    %broadcast_in_dim3A_5 = vector.broadcast %broadcast_in_dim3A_4 : i32 to vector<16xi32>
    "tpu.trace_start"() <{level = 10 : i32, message = "phase_x"}> : () -> ()
    %mul3A_6 = arith.constant 2 : i32
    %mul3A_7 = arith.muli %add3A, %mul3A_6 : i32
    %add3A_8 = arith.constant 0 : i32
    %add3A_9 = arith.addi %mul3A_7, %add3A_8 : i32
    %dma_start3A = arith.constant 0 : i32
    %dma_start3A_10 = arith.constant 0 : i32
    %dma_start3A_11 = arith.constant 0 : i32
    %dma_start3A_12 = tpu.memref_slice %arg11[%dma_start3A, %dma_start3A_11] : memref<2x4096xf32, #tpu.memory_space<vmem>> -> memref<1x4096xf32, #tpu.memory_space<vmem>>
    %dma_start3A_13 = tpu.memref_squeeze %dma_start3A_12 : memref<1x4096xf32, #tpu.memory_space<vmem>> -> memref<4096xf32, #tpu.memory_space<vmem>>
    %dma_start3A_14 = arith.constant 0 : i32
    %dma_start3A_15 = tpu.memref_slice %arg2[%add3A_9, %dma_start3A_14] : memref<64x32768xf32, #tpu.memory_space<hbm>> -> memref<1x4096xf32, #tpu.memory_space<hbm>>
    %dma_start3A_16 = tpu.memref_squeeze %dma_start3A_15 : memref<1x4096xf32, #tpu.memory_space<hbm>> -> memref<4096xf32, #tpu.memory_space<hbm>>
    %dma_start3A_17 = tpu.memref_slice %arg19[%dma_start3A_10] : memref<3x!tpu.dma_semaphore, #tpu.memory_space<semaphore_mem>> -> memref<1x!tpu.dma_semaphore, #tpu.memory_space<semaphore_mem>>
    %dma_start3A_18 = tpu.memref_squeeze %dma_start3A_17 : memref<1x!tpu.dma_semaphore, #tpu.memory_space<semaphore_mem>> -> memref<!tpu.dma_semaphore, #tpu.memory_space<semaphore_mem>>
    %dma_start3A_19 = arith.constant 0 : i32
    %dma_start3A_20 = tpu.memref_slice %arg11[%dma_start3A, %dma_start3A_19] : memref<2x4096xf32, #tpu.memory_space<vmem>> -> memref<1x4096xf32, #tpu.memory_space<vmem>>
    %dma_start3A_21 = tpu.memref_squeeze %dma_start3A_20 : memref<1x4096xf32, #tpu.memory_space<vmem>> -> memref<4096xf32, #tpu.memory_space<vmem>>
    %dma_start3A_22 = arith.constant 0 : i32
    %dma_start3A_23 = tpu.memref_slice %arg2[%add3A_9, %dma_start3A_22] : memref<64x32768xf32, #tpu.memory_space<hbm>> -> memref<1x4096xf32, #tpu.memory_space<hbm>>
    %dma_start3A_24 = tpu.memref_squeeze %dma_start3A_23 : memref<1x4096xf32, #tpu.memory_space<hbm>> -> memref<4096xf32, #tpu.memory_space<hbm>>
    tpu.enqueue_dma source(%dma_start3A_24 : memref<4096xf32, #tpu.memory_space<hbm>>) target(%dma_start3A_21 : memref<4096xf32, #tpu.memory_space<vmem>>) target_semaphore(%dma_start3A_18 : memref<!tpu.dma_semaphore, #tpu.memory_space<semaphore_mem>>)
    %broadcast_in_dim3A_25 = arith.constant 0.000000e+00 : f32
    %broadcast_in_dim3A_26 = vector.broadcast %broadcast_in_dim3A_25 : f32 to vector<16xf32>
    %broadcast_in_dim3A_27 = arith.constant 0 : i32
    %broadcast_in_dim3A_28 = vector.broadcast %broadcast_in_dim3A_27 : i32 to vector<16xi32>
    %scan3A = arith.constant 0 : i32
    %scan3A_29 = arith.constant 8 : i32
    %scan3A_30 = arith.addi %scan3A, %scan3A_29 : i32
    %scan3A_31 = arith.constant 1 : i32
    %scan3A_32:4 = scf.for %scan3A_583 = %scan3A to %scan3A_30 step %scan3A_31 iter_args(%scan3A_584 = %broadcast_in_dim3A_1, %scan3A_585 = %broadcast_in_dim3A_5, %scan3A_586 = %broadcast_in_dim3A_1, %scan3A_587 = %broadcast_in_dim3A_5) -> (vector<16xf32>, vector<16xi32>, vector<16xf32>, vector<16xi32>)  : i32 {
      %add3A_588 = arith.constant 0 : i32
      %add3A_589 = arith.addi %add3A_588, %scan3A_583 : i32
      %and3A = arith.constant 1 : i32
      %and3A_590 = arith.andi %add3A_589, %and3A : i32
      %mul3A_591 = arith.constant 2 : i32
      %mul3A_592 = arith.muli %add3A, %mul3A_591 : i32
      %jit3A_593 = arith.constant 8 : i32
      %div3A = arith.divsi %add3A_589, %jit3A_593 : i32
      %sign3A = arith.constant 0 : i32
      %sign3A_594 = arith.cmpi sgt, %add3A_589, %sign3A : i32
      %sign3A_595 = arith.extui %sign3A_594 : i1 to i32
      %sign3A_596 = arith.constant 0 : i32
      %sign3A_597 = arith.cmpi slt, %add3A_589, %sign3A_596 : i32
      %sign3A_598 = arith.extui %sign3A_597 : i1 to i32
      %sign3A_599 = arith.subi %sign3A_595, %sign3A_598 : i32
      %sign3A_600 = arith.constant 0 : i32
      %sign3A_601 = arith.cmpi sgt, %jit3A_593, %sign3A_600 : i32
      %sign3A_602 = arith.extui %sign3A_601 : i1 to i32
      %sign3A_603 = arith.constant 0 : i32
      %sign3A_604 = arith.cmpi slt, %jit3A_593, %sign3A_603 : i32
      %sign3A_605 = arith.extui %sign3A_604 : i1 to i32
      %sign3A_606 = arith.subi %sign3A_602, %sign3A_605 : i32
      %ne3A = arith.cmpi ne, %sign3A_599, %sign3A_606 : i32
      %rem3A = arith.remsi %add3A_589, %jit3A_593 : i32
      %ne3A_607 = arith.constant 0 : i32
      %ne3A_608 = arith.cmpi ne, %rem3A, %ne3A_607 : i32
      %and3A_609 = arith.andi %ne3A, %ne3A_608 : i1
      %sub3A = arith.constant 1 : i32
      %sub3A_610 = arith.subi %div3A, %sub3A : i32
      %select_n3A_611 = arith.select %and3A_609, %sub3A_610, %div3A : i32
      %add3A_612 = arith.addi %mul3A_592, %select_n3A_611 : i32
      %jit3A_613 = arith.constant 8 : i32
      %eq3A_614 = arith.constant 0 : i32
      %eq3A_615 = arith.cmpi eq, %jit3A_613, %eq3A_614 : i32
      %jit3A_616 = arith.constant 1 : i32
      %select_n3A_617 = arith.select %eq3A_615, %jit3A_616, %jit3A_613 : i32
      %rem3A_618 = arith.remsi %add3A_589, %select_n3A_617 : i32
      %ne3A_619 = arith.constant 0 : i32
      %ne3A_620 = arith.cmpi ne, %rem3A_618, %ne3A_619 : i32
      %lt3A_621 = arith.constant 0 : i32
      %lt3A_622 = arith.cmpi slt, %rem3A_618, %lt3A_621 : i32
      %lt3A_623 = arith.constant 0 : i32
      %lt3A_624 = arith.cmpi slt, %select_n3A_617, %lt3A_623 : i32
      %ne3A_625 = arith.xori %lt3A_622, %lt3A_624 : i1
      %and3A_626 = arith.andi %ne3A_625, %ne3A_620 : i1
      %add3A_627 = arith.addi %rem3A_618, %select_n3A_617 : i32
      %select_n3A_628 = arith.select %and3A_626, %add3A_627, %rem3A_618 : i32
      %mul3A_629 = arith.constant 4096 : i32
      %mul3A_630 = arith.muli %select_n3A_628, %mul3A_629 : i32
      %dma_wait3A = arith.constant 0 : i32
      %dma_wait3A_631 = tpu.memref_slice %arg11[%and3A_590, %dma_wait3A] : memref<2x4096xf32, #tpu.memory_space<vmem>> -> memref<1x4096xf32, #tpu.memory_space<vmem>>
      %dma_wait3A_632 = tpu.memref_squeeze %dma_wait3A_631 : memref<1x4096xf32, #tpu.memory_space<vmem>> -> memref<4096xf32, #tpu.memory_space<vmem>>
      %dma_wait3A_633 = tpu.memref_slice %arg2[%add3A_612, %mul3A_630] : memref<64x32768xf32, #tpu.memory_space<hbm>> -> memref<1x4096xf32, #tpu.memory_space<hbm>>
      %dma_wait3A_634 = tpu.memref_squeeze %dma_wait3A_633 : memref<1x4096xf32, #tpu.memory_space<hbm>> -> memref<4096xf32, #tpu.memory_space<hbm>>
      %dma_wait3A_635 = tpu.memref_slice %arg19[%and3A_590] : memref<3x!tpu.dma_semaphore, #tpu.memory_space<semaphore_mem>> -> memref<1x!tpu.dma_semaphore, #tpu.memory_space<semaphore_mem>>
      %dma_wait3A_636 = tpu.memref_squeeze %dma_wait3A_635 : memref<1x!tpu.dma_semaphore, #tpu.memory_space<semaphore_mem>> -> memref<!tpu.dma_semaphore, #tpu.memory_space<semaphore_mem>>
      %dma_wait3A_637 = arith.constant 0 : i32
      %dma_wait3A_638 = tpu.memref_slice %arg11[%and3A_590, %dma_wait3A_637] : memref<2x4096xf32, #tpu.memory_space<vmem>> -> memref<1x4096xf32, #tpu.memory_space<vmem>>
      %dma_wait3A_639 = tpu.memref_squeeze %dma_wait3A_638 : memref<1x4096xf32, #tpu.memory_space<vmem>> -> memref<4096xf32, #tpu.memory_space<vmem>>
      %dma_wait3A_640 = tpu.memref_slice %arg2[%add3A_612, %mul3A_630] : memref<64x32768xf32, #tpu.memory_space<hbm>> -> memref<1x4096xf32, #tpu.memory_space<hbm>>
      %dma_wait3A_641 = tpu.memref_squeeze %dma_wait3A_640 : memref<1x4096xf32, #tpu.memory_space<hbm>> -> memref<4096xf32, #tpu.memory_space<hbm>>
      tpu.wait_dma2 semaphore(%dma_wait3A_636 : memref<!tpu.dma_semaphore, #tpu.memory_space<semaphore_mem>>) src(%dma_wait3A_641 : memref<4096xf32, #tpu.memory_space<hbm>>) dst(%dma_wait3A_639 : memref<4096xf32, #tpu.memory_space<vmem>>)
      %add3A_642 = arith.constant 1 : i32
      %add3A_643 = arith.addi %add3A_589, %add3A_642 : i32
      %lt3A_644 = arith.constant 16 : i32
      %lt3A_645 = arith.cmpi slt, %add3A_643, %lt3A_644 : i32
      %convert_element_type3A = arith.extui %lt3A_645 : i1 to i32
      %cond3A = arith.constant 0 : i32
      %cond3A_646 = arith.cmpi ne, %convert_element_type3A, %cond3A : i32
      scf.if %cond3A_646 {
        %add3A_655 = arith.constant 1 : i32
        %add3A_656 = arith.addi %add3A_589, %add3A_655 : i32
        %mul3A_657 = arith.constant 2 : i32
        %mul3A_658 = arith.muli %add3A, %mul3A_657 : i32
        %jit3A_659 = arith.constant 8 : i32
        %div3A_660 = arith.divsi %add3A_656, %jit3A_659 : i32
        %sign3A_661 = arith.constant 0 : i32
        %sign3A_662 = arith.cmpi sgt, %add3A_656, %sign3A_661 : i32
        %sign3A_663 = arith.extui %sign3A_662 : i1 to i32
        %sign3A_664 = arith.constant 0 : i32
        %sign3A_665 = arith.cmpi slt, %add3A_656, %sign3A_664 : i32
        %sign3A_666 = arith.extui %sign3A_665 : i1 to i32
        %sign3A_667 = arith.subi %sign3A_663, %sign3A_666 : i32
        %sign3A_668 = arith.constant 0 : i32
        %sign3A_669 = arith.cmpi sgt, %jit3A_659, %sign3A_668 : i32
        %sign3A_670 = arith.extui %sign3A_669 : i1 to i32
        %sign3A_671 = arith.constant 0 : i32
        %sign3A_672 = arith.cmpi slt, %jit3A_659, %sign3A_671 : i32
        %sign3A_673 = arith.extui %sign3A_672 : i1 to i32
        %sign3A_674 = arith.subi %sign3A_670, %sign3A_673 : i32
        %ne3A_675 = arith.cmpi ne, %sign3A_667, %sign3A_674 : i32
        %rem3A_676 = arith.remsi %add3A_656, %jit3A_659 : i32
        %ne3A_677 = arith.constant 0 : i32
        %ne3A_678 = arith.cmpi ne, %rem3A_676, %ne3A_677 : i32
        %and3A_679 = arith.andi %ne3A_675, %ne3A_678 : i1
        %sub3A_680 = arith.constant 1 : i32
        %sub3A_681 = arith.subi %div3A_660, %sub3A_680 : i32
        %select_n3A_682 = arith.select %and3A_679, %sub3A_681, %div3A_660 : i32
        %add3A_683 = arith.addi %mul3A_658, %select_n3A_682 : i32
        %jit3A_684 = arith.constant 8 : i32
        %eq3A_685 = arith.constant 0 : i32
        %eq3A_686 = arith.cmpi eq, %jit3A_684, %eq3A_685 : i32
        %jit3A_687 = arith.constant 1 : i32
        %select_n3A_688 = arith.select %eq3A_686, %jit3A_687, %jit3A_684 : i32
        %rem3A_689 = arith.remsi %add3A_656, %select_n3A_688 : i32
        %ne3A_690 = arith.constant 0 : i32
        %ne3A_691 = arith.cmpi ne, %rem3A_689, %ne3A_690 : i32
        %lt3A_692 = arith.constant 0 : i32
        %lt3A_693 = arith.cmpi slt, %rem3A_689, %lt3A_692 : i32
        %lt3A_694 = arith.constant 0 : i32
        %lt3A_695 = arith.cmpi slt, %select_n3A_688, %lt3A_694 : i32
        %ne3A_696 = arith.xori %lt3A_693, %lt3A_695 : i1
        %and3A_697 = arith.andi %ne3A_696, %ne3A_691 : i1
        %add3A_698 = arith.addi %rem3A_689, %select_n3A_688 : i32
        %select_n3A_699 = arith.select %and3A_697, %add3A_698, %rem3A_689 : i32
        %mul3A_700 = arith.constant 4096 : i32
        %mul3A_701 = arith.muli %select_n3A_699, %mul3A_700 : i32
        %sub3A_702 = arith.constant 1 : i32
        %sub3A_703 = arith.subi %sub3A_702, %and3A_590 : i32
        %sub3A_704 = arith.constant 1 : i32
        %sub3A_705 = arith.subi %sub3A_704, %and3A_590 : i32
        %dma_start3A_706 = arith.constant 0 : i32
        %dma_start3A_707 = tpu.memref_slice %arg11[%sub3A_703, %dma_start3A_706] : memref<2x4096xf32, #tpu.memory_space<vmem>> -> memref<1x4096xf32, #tpu.memory_space<vmem>>
        %dma_start3A_708 = tpu.memref_squeeze %dma_start3A_707 : memref<1x4096xf32, #tpu.memory_space<vmem>> -> memref<4096xf32, #tpu.memory_space<vmem>>
        %dma_start3A_709 = tpu.memref_slice %arg2[%add3A_683, %mul3A_701] : memref<64x32768xf32, #tpu.memory_space<hbm>> -> memref<1x4096xf32, #tpu.memory_space<hbm>>
        %dma_start3A_710 = tpu.memref_squeeze %dma_start3A_709 : memref<1x4096xf32, #tpu.memory_space<hbm>> -> memref<4096xf32, #tpu.memory_space<hbm>>
        %dma_start3A_711 = tpu.memref_slice %arg19[%sub3A_705] : memref<3x!tpu.dma_semaphore, #tpu.memory_space<semaphore_mem>> -> memref<1x!tpu.dma_semaphore, #tpu.memory_space<semaphore_mem>>
        %dma_start3A_712 = tpu.memref_squeeze %dma_start3A_711 : memref<1x!tpu.dma_semaphore, #tpu.memory_space<semaphore_mem>> -> memref<!tpu.dma_semaphore, #tpu.memory_space<semaphore_mem>>
        %dma_start3A_713 = arith.constant 0 : i32
        %dma_start3A_714 = tpu.memref_slice %arg11[%sub3A_703, %dma_start3A_713] : memref<2x4096xf32, #tpu.memory_space<vmem>> -> memref<1x4096xf32, #tpu.memory_space<vmem>>
        %dma_start3A_715 = tpu.memref_squeeze %dma_start3A_714 : memref<1x4096xf32, #tpu.memory_space<vmem>> -> memref<4096xf32, #tpu.memory_space<vmem>>
        %dma_start3A_716 = tpu.memref_slice %arg2[%add3A_683, %mul3A_701] : memref<64x32768xf32, #tpu.memory_space<hbm>> -> memref<1x4096xf32, #tpu.memory_space<hbm>>
        %dma_start3A_717 = tpu.memref_squeeze %dma_start3A_716 : memref<1x4096xf32, #tpu.memory_space<hbm>> -> memref<4096xf32, #tpu.memory_space<hbm>>
        tpu.enqueue_dma source(%dma_start3A_717 : memref<4096xf32, #tpu.memory_space<hbm>>) target(%dma_start3A_715 : memref<4096xf32, #tpu.memory_space<vmem>>) target_semaphore(%dma_start3A_712 : memref<!tpu.dma_semaphore, #tpu.memory_space<semaphore_mem>>)
      } else {
      }
      %mul3A_647 = arith.constant 4096 : i32
      %mul3A_648 = arith.muli %scan3A_583, %mul3A_647 : i32
      %scan3A_649 = arith.constant 0 : i32
      %scan3A_650 = arith.constant 256 : i32
      %scan3A_651 = arith.addi %scan3A_649, %scan3A_650 : i32
      %scan3A_652 = arith.constant 1 : i32
      %scan3A_653:4 = scf.for %scan3A_655 = %scan3A_649 to %scan3A_651 step %scan3A_652 iter_args(%scan3A_656 = %scan3A_584, %scan3A_657 = %scan3A_585, %scan3A_658 = %scan3A_586, %scan3A_659 = %scan3A_587) -> (vector<16xf32>, vector<16xi32>, vector<16xf32>, vector<16xi32>)  : i32 {
        %mul3A_660 = arith.constant 16 : i32
        %mul3A_661 = arith.muli %scan3A_655, %mul3A_660 : i32
        %get3A = arith.index_cast %and3A_590 : i32 to index
        %get3A_662 = arith.index_cast %mul3A_661 : i32 to index
        %get3A_663 = tpu.vector_load %arg11[%get3A, %get3A_662] {strides = array<i32>} : memref<2x4096xf32, #tpu.memory_space<vmem>>, vector<16xf32>,
        %mul3A_664 = arith.constant 16 : i32
        %mul3A_665 = arith.muli %scan3A_655, %mul3A_664 : i32
        %add3A_666 = arith.addi %mul3A_648, %mul3A_665 : i32
        %add3A_667 = vector.broadcast %add3A_666 : i32 to vector<16xi32>
        %add3A_668 = arith.addi %iota3A, %add3A_667 : vector<16xi32>
        %gt3A = arith.cmpf ogt, %get3A_663, %scan3A_656 : vector<16xf32>
        %gt3A_669 = arith.cmpf ogt, %get3A_663, %scan3A_658 : vector<16xf32>
        %select_n3A_670 = arith.select %gt3A, %get3A_663, %scan3A_656 : vector<16xi1>, vector<16xf32>
        %select_n3A_671 = arith.select %gt3A, %add3A_668, %scan3A_657 : vector<16xi1>, vector<16xi32>
        %select_n3A_672 = arith.select %gt3A_669, %get3A_663, %scan3A_658 : vector<16xi1>, vector<16xf32>
        %select_n3A_673 = arith.select %gt3A, %scan3A_656, %select_n3A_672 : vector<16xi1>, vector<16xf32>
        %select_n3A_674 = arith.select %gt3A_669, %add3A_668, %scan3A_659 : vector<16xi1>, vector<16xi32>
        %select_n3A_675 = arith.select %gt3A, %scan3A_657, %select_n3A_674 : vector<16xi1>, vector<16xi32>
        scf.yield %select_n3A_670, %select_n3A_671, %select_n3A_673, %select_n3A_675 : vector<16xf32>, vector<16xi32>, vector<16xf32>, vector<16xi32>
      }
      %scan3A_654 = arith.constant 256 : i32
      scf.yield %scan3A_653#0, %scan3A_653#1, %scan3A_653#2, %scan3A_653#3 : vector<16xf32>, vector<16xi32>, vector<16xf32>, vector<16xi32>
    }
    %scan3A_33 = arith.constant 8 : i32
    %xor3A = arith.constant 8 : i32
    %xor3A_34 = vector.broadcast %xor3A : i32 to vector<16xi32>
    %xor3A_35 = arith.xori %iota3A, %xor3A_34 : vector<16xi32>
    %lt3A = arith.constant 0 : i32
    %lt3A_36 = vector.broadcast %lt3A : i32 to vector<16xi32>
    %lt3A_37 = arith.cmpi slt, %xor3A_35, %lt3A_36 : vector<16xi32>
    %add3A_38 = arith.constant 16 : i32
    %add3A_39 = vector.broadcast %add3A_38 : i32 to vector<16xi32>
    %add3A_40 = arith.addi %xor3A_35, %add3A_39 : vector<16xi32>
    %select_n3A = arith.select %lt3A_37, %add3A_40, %xor3A_35 : vector<16xi1>, vector<16xi32>
    %broadcast_in_dim3A_41 = vector.shape_cast %select_n3A : vector<16xi32> to vector<16x1xi32>
    %gather3A = vector.shape_cast %broadcast_in_dim3A_41 : vector<16x1xi32> to vector<16xi32>
    %gather3A_42 = tpu.dynamic_gather %scan3A_32#0[%gather3A] in [0] : vector<16xf32>, vector<16xi32> -> vector<16xf32>
    %max3A = arith.maximumf %scan3A_32#0, %gather3A_42 : vector<16xf32>
    %xor3A_43 = arith.constant 4 : i32
    %xor3A_44 = vector.broadcast %xor3A_43 : i32 to vector<16xi32>
    %xor3A_45 = arith.xori %iota3A, %xor3A_44 : vector<16xi32>
    %lt3A_46 = arith.constant 0 : i32
    %lt3A_47 = vector.broadcast %lt3A_46 : i32 to vector<16xi32>
    %lt3A_48 = arith.cmpi slt, %xor3A_45, %lt3A_47 : vector<16xi32>
    %add3A_49 = arith.constant 16 : i32
    %add3A_50 = vector.broadcast %add3A_49 : i32 to vector<16xi32>
    %add3A_51 = arith.addi %xor3A_45, %add3A_50 : vector<16xi32>
    %select_n3A_52 = arith.select %lt3A_48, %add3A_51, %xor3A_45 : vector<16xi1>, vector<16xi32>
    %broadcast_in_dim3A_53 = vector.shape_cast %select_n3A_52 : vector<16xi32> to vector<16x1xi32>
    %gather3A_54 = vector.shape_cast %broadcast_in_dim3A_53 : vector<16x1xi32> to vector<16xi32>
    %gather3A_55 = tpu.dynamic_gather %max3A[%gather3A_54] in [0] : vector<16xf32>, vector<16xi32> -> vector<16xf32>
    %max3A_56 = arith.maximumf %max3A, %gather3A_55 : vector<16xf32>
    %xor3A_57 = arith.constant 2 : i32
    %xor3A_58 = vector.broadcast %xor3A_57 : i32 to vector<16xi32>
    %xor3A_59 = arith.xori %iota3A, %xor3A_58 : vector<16xi32>
    %lt3A_60 = arith.constant 0 : i32
    %lt3A_61 = vector.broadcast %lt3A_60 : i32 to vector<16xi32>
    %lt3A_62 = arith.cmpi slt, %xor3A_59, %lt3A_61 : vector<16xi32>
    %add3A_63 = arith.constant 16 : i32
    %add3A_64 = vector.broadcast %add3A_63 : i32 to vector<16xi32>
    %add3A_65 = arith.addi %xor3A_59, %add3A_64 : vector<16xi32>
    %select_n3A_66 = arith.select %lt3A_62, %add3A_65, %xor3A_59 : vector<16xi1>, vector<16xi32>
    %broadcast_in_dim3A_67 = vector.shape_cast %select_n3A_66 : vector<16xi32> to vector<16x1xi32>
    %gather3A_68 = vector.shape_cast %broadcast_in_dim3A_67 : vector<16x1xi32> to vector<16xi32>
    %gather3A_69 = tpu.dynamic_gather %max3A_56[%gather3A_68] in [0] : vector<16xf32>, vector<16xi32> -> vector<16xf32>
    %max3A_70 = arith.maximumf %max3A_56, %gather3A_69 : vector<16xf32>
    %xor3A_71 = arith.constant 1 : i32
    %xor3A_72 = vector.broadcast %xor3A_71 : i32 to vector<16xi32>
    %xor3A_73 = arith.xori %iota3A, %xor3A_72 : vector<16xi32>
    %lt3A_74 = arith.constant 0 : i32
    %lt3A_75 = vector.broadcast %lt3A_74 : i32 to vector<16xi32>
    %lt3A_76 = arith.cmpi slt, %xor3A_73, %lt3A_75 : vector<16xi32>
    %add3A_77 = arith.constant 16 : i32
    %add3A_78 = vector.broadcast %add3A_77 : i32 to vector<16xi32>
    %add3A_79 = arith.addi %xor3A_73, %add3A_78 : vector<16xi32>
    %select_n3A_80 = arith.select %lt3A_76, %add3A_79, %xor3A_73 : vector<16xi1>, vector<16xi32>
    %broadcast_in_dim3A_81 = vector.shape_cast %select_n3A_80 : vector<16xi32> to vector<16x1xi32>
    %gather3A_82 = vector.shape_cast %broadcast_in_dim3A_81 : vector<16x1xi32> to vector<16xi32>
    %gather3A_83 = tpu.dynamic_gather %max3A_70[%gather3A_82] in [0] : vector<16xf32>, vector<16xi32> -> vector<16xf32>
    %max3A_84 = arith.maximumf %max3A_70, %gather3A_83 : vector<16xf32>
    %eq3A = arith.cmpf oeq, %scan3A_32#0, %max3A_84 : vector<16xf32>
    %jit3A = arith.constant 2147483647 : i32
    %broadcast_in_dim3A_85 = vector.broadcast %jit3A : i32 to vector<16xi32>
    %select_n3A_86 = arith.select %eq3A, %scan3A_32#1, %broadcast_in_dim3A_85 : vector<16xi1>, vector<16xi32>
    %xor3A_87 = arith.constant 8 : i32
    %xor3A_88 = vector.broadcast %xor3A_87 : i32 to vector<16xi32>
    %xor3A_89 = arith.xori %iota3A, %xor3A_88 : vector<16xi32>
    %lt3A_90 = arith.constant 0 : i32
    %lt3A_91 = vector.broadcast %lt3A_90 : i32 to vector<16xi32>
    %lt3A_92 = arith.cmpi slt, %xor3A_89, %lt3A_91 : vector<16xi32>
    %add3A_93 = arith.constant 16 : i32
    %add3A_94 = vector.broadcast %add3A_93 : i32 to vector<16xi32>
    %add3A_95 = arith.addi %xor3A_89, %add3A_94 : vector<16xi32>
    %select_n3A_96 = arith.select %lt3A_92, %add3A_95, %xor3A_89 : vector<16xi1>, vector<16xi32>
    %broadcast_in_dim3A_97 = vector.shape_cast %select_n3A_96 : vector<16xi32> to vector<16x1xi32>
    %gather3A_98 = vector.shape_cast %broadcast_in_dim3A_97 : vector<16x1xi32> to vector<16xi32>
    %gather3A_99 = tpu.dynamic_gather %select_n3A_86[%gather3A_98] in [0] : vector<16xi32>, vector<16xi32> -> vector<16xi32>
    %min3A = arith.minsi %select_n3A_86, %gather3A_99 : vector<16xi32>
    %xor3A_100 = arith.constant 4 : i32
    %xor3A_101 = vector.broadcast %xor3A_100 : i32 to vector<16xi32>
    %xor3A_102 = arith.xori %iota3A, %xor3A_101 : vector<16xi32>
    %lt3A_103 = arith.constant 0 : i32
    %lt3A_104 = vector.broadcast %lt3A_103 : i32 to vector<16xi32>
    %lt3A_105 = arith.cmpi slt, %xor3A_102, %lt3A_104 : vector<16xi32>
    %add3A_106 = arith.constant 16 : i32
    %add3A_107 = vector.broadcast %add3A_106 : i32 to vector<16xi32>
    %add3A_108 = arith.addi %xor3A_102, %add3A_107 : vector<16xi32>
    %select_n3A_109 = arith.select %lt3A_105, %add3A_108, %xor3A_102 : vector<16xi1>, vector<16xi32>
    %broadcast_in_dim3A_110 = vector.shape_cast %select_n3A_109 : vector<16xi32> to vector<16x1xi32>
    %gather3A_111 = vector.shape_cast %broadcast_in_dim3A_110 : vector<16x1xi32> to vector<16xi32>
    %gather3A_112 = tpu.dynamic_gather %min3A[%gather3A_111] in [0] : vector<16xi32>, vector<16xi32> -> vector<16xi32>
    %min3A_113 = arith.minsi %min3A, %gather3A_112 : vector<16xi32>
    %xor3A_114 = arith.constant 2 : i32
    %xor3A_115 = vector.broadcast %xor3A_114 : i32 to vector<16xi32>
    %xor3A_116 = arith.xori %iota3A, %xor3A_115 : vector<16xi32>
    %lt3A_117 = arith.constant 0 : i32
    %lt3A_118 = vector.broadcast %lt3A_117 : i32 to vector<16xi32>
    %lt3A_119 = arith.cmpi slt, %xor3A_116, %lt3A_118 : vector<16xi32>
    %add3A_120 = arith.constant 16 : i32
    %add3A_121 = vector.broadcast %add3A_120 : i32 to vector<16xi32>
    %add3A_122 = arith.addi %xor3A_116, %add3A_121 : vector<16xi32>
    %select_n3A_123 = arith.select %lt3A_119, %add3A_122, %xor3A_116 : vector<16xi1>, vector<16xi32>
    %broadcast_in_dim3A_124 = vector.shape_cast %select_n3A_123 : vector<16xi32> to vector<16x1xi32>
    %gather3A_125 = vector.shape_cast %broadcast_in_dim3A_124 : vector<16x1xi32> to vector<16xi32>
    %gather3A_126 = tpu.dynamic_gather %min3A_113[%gather3A_125] in [0] : vector<16xi32>, vector<16xi32> -> vector<16xi32>
    %min3A_127 = arith.minsi %min3A_113, %gather3A_126 : vector<16xi32>
    %xor3A_128 = arith.constant 1 : i32
    %xor3A_129 = vector.broadcast %xor3A_128 : i32 to vector<16xi32>
    %xor3A_130 = arith.xori %iota3A, %xor3A_129 : vector<16xi32>
    %lt3A_131 = arith.constant 0 : i32
    %lt3A_132 = vector.broadcast %lt3A_131 : i32 to vector<16xi32>
    %lt3A_133 = arith.cmpi slt, %xor3A_130, %lt3A_132 : vector<16xi32>
    %add3A_134 = arith.constant 16 : i32
    %add3A_135 = vector.broadcast %add3A_134 : i32 to vector<16xi32>
    %add3A_136 = arith.addi %xor3A_130, %add3A_135 : vector<16xi32>
    %select_n3A_137 = arith.select %lt3A_133, %add3A_136, %xor3A_130 : vector<16xi1>, vector<16xi32>
    %broadcast_in_dim3A_138 = vector.shape_cast %select_n3A_137 : vector<16xi32> to vector<16x1xi32>
    %gather3A_139 = vector.shape_cast %broadcast_in_dim3A_138 : vector<16x1xi32> to vector<16xi32>
    %gather3A_140 = tpu.dynamic_gather %min3A_127[%gather3A_139] in [0] : vector<16xi32>, vector<16xi32> -> vector<16xi32>
    %min3A_141 = arith.minsi %min3A_127, %gather3A_140 : vector<16xi32>
    %eq3A_142 = arith.cmpi eq, %scan3A_32#1, %min3A_141 : vector<16xi32>
    %select_n3A_143 = arith.select %eq3A_142, %scan3A_32#2, %scan3A_32#0 : vector<16xi1>, vector<16xf32>
    %eq3A_144 = arith.cmpi eq, %scan3A_32#1, %min3A_141 : vector<16xi32>
    %select_n3A_145 = arith.select %eq3A_144, %scan3A_32#3, %scan3A_32#1 : vector<16xi1>, vector<16xi32>
    %xor3A_146 = arith.constant 8 : i32
    %xor3A_147 = vector.broadcast %xor3A_146 : i32 to vector<16xi32>
    %xor3A_148 = arith.xori %iota3A, %xor3A_147 : vector<16xi32>
    %lt3A_149 = arith.constant 0 : i32
    %lt3A_150 = vector.broadcast %lt3A_149 : i32 to vector<16xi32>
    %lt3A_151 = arith.cmpi slt, %xor3A_148, %lt3A_150 : vector<16xi32>
    %add3A_152 = arith.constant 16 : i32
    %add3A_153 = vector.broadcast %add3A_152 : i32 to vector<16xi32>
    %add3A_154 = arith.addi %xor3A_148, %add3A_153 : vector<16xi32>
    %select_n3A_155 = arith.select %lt3A_151, %add3A_154, %xor3A_148 : vector<16xi1>, vector<16xi32>
    %broadcast_in_dim3A_156 = vector.shape_cast %select_n3A_155 : vector<16xi32> to vector<16x1xi32>
    %gather3A_157 = vector.shape_cast %broadcast_in_dim3A_156 : vector<16x1xi32> to vector<16xi32>
    %gather3A_158 = tpu.dynamic_gather %select_n3A_143[%gather3A_157] in [0] : vector<16xf32>, vector<16xi32> -> vector<16xf32>
    %max3A_159 = arith.maximumf %select_n3A_143, %gather3A_158 : vector<16xf32>
    %xor3A_160 = arith.constant 4 : i32
    %xor3A_161 = vector.broadcast %xor3A_160 : i32 to vector<16xi32>
    %xor3A_162 = arith.xori %iota3A, %xor3A_161 : vector<16xi32>
    %lt3A_163 = arith.constant 0 : i32
    %lt3A_164 = vector.broadcast %lt3A_163 : i32 to vector<16xi32>
    %lt3A_165 = arith.cmpi slt, %xor3A_162, %lt3A_164 : vector<16xi32>
    %add3A_166 = arith.constant 16 : i32
    %add3A_167 = vector.broadcast %add3A_166 : i32 to vector<16xi32>
    %add3A_168 = arith.addi %xor3A_162, %add3A_167 : vector<16xi32>
    %select_n3A_169 = arith.select %lt3A_165, %add3A_168, %xor3A_162 : vector<16xi1>, vector<16xi32>
    %broadcast_in_dim3A_170 = vector.shape_cast %select_n3A_169 : vector<16xi32> to vector<16x1xi32>
    %gather3A_171 = vector.shape_cast %broadcast_in_dim3A_170 : vector<16x1xi32> to vector<16xi32>
    %gather3A_172 = tpu.dynamic_gather %max3A_159[%gather3A_171] in [0] : vector<16xf32>, vector<16xi32> -> vector<16xf32>
    %max3A_173 = arith.maximumf %max3A_159, %gather3A_172 : vector<16xf32>
    %xor3A_174 = arith.constant 2 : i32
    %xor3A_175 = vector.broadcast %xor3A_174 : i32 to vector<16xi32>
    %xor3A_176 = arith.xori %iota3A, %xor3A_175 : vector<16xi32>
    %lt3A_177 = arith.constant 0 : i32
    %lt3A_178 = vector.broadcast %lt3A_177 : i32 to vector<16xi32>
    %lt3A_179 = arith.cmpi slt, %xor3A_176, %lt3A_178 : vector<16xi32>
    %add3A_180 = arith.constant 16 : i32
    %add3A_181 = vector.broadcast %add3A_180 : i32 to vector<16xi32>
    %add3A_182 = arith.addi %xor3A_176, %add3A_181 : vector<16xi32>
    %select_n3A_183 = arith.select %lt3A_179, %add3A_182, %xor3A_176 : vector<16xi1>, vector<16xi32>
    %broadcast_in_dim3A_184 = vector.shape_cast %select_n3A_183 : vector<16xi32> to vector<16x1xi32>
    %gather3A_185 = vector.shape_cast %broadcast_in_dim3A_184 : vector<16x1xi32> to vector<16xi32>
    %gather3A_186 = tpu.dynamic_gather %max3A_173[%gather3A_185] in [0] : vector<16xf32>, vector<16xi32> -> vector<16xf32>
    %max3A_187 = arith.maximumf %max3A_173, %gather3A_186 : vector<16xf32>
    %xor3A_188 = arith.constant 1 : i32
    %xor3A_189 = vector.broadcast %xor3A_188 : i32 to vector<16xi32>
    %xor3A_190 = arith.xori %iota3A, %xor3A_189 : vector<16xi32>
    %lt3A_191 = arith.constant 0 : i32
    %lt3A_192 = vector.broadcast %lt3A_191 : i32 to vector<16xi32>
    %lt3A_193 = arith.cmpi slt, %xor3A_190, %lt3A_192 : vector<16xi32>
    %add3A_194 = arith.constant 16 : i32
    %add3A_195 = vector.broadcast %add3A_194 : i32 to vector<16xi32>
    %add3A_196 = arith.addi %xor3A_190, %add3A_195 : vector<16xi32>
    %select_n3A_197 = arith.select %lt3A_193, %add3A_196, %xor3A_190 : vector<16xi1>, vector<16xi32>
    %broadcast_in_dim3A_198 = vector.shape_cast %select_n3A_197 : vector<16xi32> to vector<16x1xi32>
    %gather3A_199 = vector.shape_cast %broadcast_in_dim3A_198 : vector<16x1xi32> to vector<16xi32>
    %gather3A_200 = tpu.dynamic_gather %max3A_187[%gather3A_199] in [0] : vector<16xf32>, vector<16xi32> -> vector<16xf32>
    %max3A_201 = arith.maximumf %max3A_187, %gather3A_200 : vector<16xf32>
    %eq3A_202 = arith.cmpf oeq, %select_n3A_143, %max3A_201 : vector<16xf32>
    %jit3A_203 = arith.constant 2147483647 : i32
    %broadcast_in_dim3A_204 = vector.broadcast %jit3A_203 : i32 to vector<16xi32>
    %select_n3A_205 = arith.select %eq3A_202, %select_n3A_145, %broadcast_in_dim3A_204 : vector<16xi1>, vector<16xi32>
    %xor3A_206 = arith.constant 8 : i32
    %xor3A_207 = vector.broadcast %xor3A_206 : i32 to vector<16xi32>
    %xor3A_208 = arith.xori %iota3A, %xor3A_207 : vector<16xi32>
    %lt3A_209 = arith.constant 0 : i32
    %lt3A_210 = vector.broadcast %lt3A_209 : i32 to vector<16xi32>
    %lt3A_211 = arith.cmpi slt, %xor3A_208, %lt3A_210 : vector<16xi32>
    %add3A_212 = arith.constant 16 : i32
    %add3A_213 = vector.broadcast %add3A_212 : i32 to vector<16xi32>
    %add3A_214 = arith.addi %xor3A_208, %add3A_213 : vector<16xi32>
    %select_n3A_215 = arith.select %lt3A_211, %add3A_214, %xor3A_208 : vector<16xi1>, vector<16xi32>
    %broadcast_in_dim3A_216 = vector.shape_cast %select_n3A_215 : vector<16xi32> to vector<16x1xi32>
    %gather3A_217 = vector.shape_cast %broadcast_in_dim3A_216 : vector<16x1xi32> to vector<16xi32>
    %gather3A_218 = tpu.dynamic_gather %select_n3A_205[%gather3A_217] in [0] : vector<16xi32>, vector<16xi32> -> vector<16xi32>
    %min3A_219 = arith.minsi %select_n3A_205, %gather3A_218 : vector<16xi32>
    %xor3A_220 = arith.constant 4 : i32
    %xor3A_221 = vector.broadcast %xor3A_220 : i32 to vector<16xi32>
    %xor3A_222 = arith.xori %iota3A, %xor3A_221 : vector<16xi32>
    %lt3A_223 = arith.constant 0 : i32
    %lt3A_224 = vector.broadcast %lt3A_223 : i32 to vector<16xi32>
    %lt3A_225 = arith.cmpi slt, %xor3A_222, %lt3A_224 : vector<16xi32>
    %add3A_226 = arith.constant 16 : i32
    %add3A_227 = vector.broadcast %add3A_226 : i32 to vector<16xi32>
    %add3A_228 = arith.addi %xor3A_222, %add3A_227 : vector<16xi32>
    %select_n3A_229 = arith.select %lt3A_225, %add3A_228, %xor3A_222 : vector<16xi1>, vector<16xi32>
    %broadcast_in_dim3A_230 = vector.shape_cast %select_n3A_229 : vector<16xi32> to vector<16x1xi32>
    %gather3A_231 = vector.shape_cast %broadcast_in_dim3A_230 : vector<16x1xi32> to vector<16xi32>
    %gather3A_232 = tpu.dynamic_gather %min3A_219[%gather3A_231] in [0] : vector<16xi32>, vector<16xi32> -> vector<16xi32>
    %min3A_233 = arith.minsi %min3A_219, %gather3A_232 : vector<16xi32>
    %xor3A_234 = arith.constant 2 : i32
    %xor3A_235 = vector.broadcast %xor3A_234 : i32 to vector<16xi32>
    %xor3A_236 = arith.xori %iota3A, %xor3A_235 : vector<16xi32>
    %lt3A_237 = arith.constant 0 : i32
    %lt3A_238 = vector.broadcast %lt3A_237 : i32 to vector<16xi32>
    %lt3A_239 = arith.cmpi slt, %xor3A_236, %lt3A_238 : vector<16xi32>
    %add3A_240 = arith.constant 16 : i32
    %add3A_241 = vector.broadcast %add3A_240 : i32 to vector<16xi32>
    %add3A_242 = arith.addi %xor3A_236, %add3A_241 : vector<16xi32>
    %select_n3A_243 = arith.select %lt3A_239, %add3A_242, %xor3A_236 : vector<16xi1>, vector<16xi32>
    %broadcast_in_dim3A_244 = vector.shape_cast %select_n3A_243 : vector<16xi32> to vector<16x1xi32>
    %gather3A_245 = vector.shape_cast %broadcast_in_dim3A_244 : vector<16x1xi32> to vector<16xi32>
    %gather3A_246 = tpu.dynamic_gather %min3A_233[%gather3A_245] in [0] : vector<16xi32>, vector<16xi32> -> vector<16xi32>
    %min3A_247 = arith.minsi %min3A_233, %gather3A_246 : vector<16xi32>
    %xor3A_248 = arith.constant 1 : i32
    %xor3A_249 = vector.broadcast %xor3A_248 : i32 to vector<16xi32>
    %xor3A_250 = arith.xori %iota3A, %xor3A_249 : vector<16xi32>
    %lt3A_251 = arith.constant 0 : i32
    %lt3A_252 = vector.broadcast %lt3A_251 : i32 to vector<16xi32>
    %lt3A_253 = arith.cmpi slt, %xor3A_250, %lt3A_252 : vector<16xi32>
    %add3A_254 = arith.constant 16 : i32
    %add3A_255 = vector.broadcast %add3A_254 : i32 to vector<16xi32>
    %add3A_256 = arith.addi %xor3A_250, %add3A_255 : vector<16xi32>
    %select_n3A_257 = arith.select %lt3A_253, %add3A_256, %xor3A_250 : vector<16xi1>, vector<16xi32>
    %broadcast_in_dim3A_258 = vector.shape_cast %select_n3A_257 : vector<16xi32> to vector<16x1xi32>
    %gather3A_259 = vector.shape_cast %broadcast_in_dim3A_258 : vector<16x1xi32> to vector<16xi32>
    %gather3A_260 = tpu.dynamic_gather %min3A_247[%gather3A_259] in [0] : vector<16xi32>, vector<16xi32> -> vector<16xi32>
    %min3A_261 = arith.minsi %min3A_247, %gather3A_260 : vector<16xi32>
    %eq3A_262 = arith.constant 0 : i32
    %eq3A_263 = vector.broadcast %eq3A_262 : i32 to vector<16xi32>
    %eq3A_264 = arith.cmpi eq, %iota3A, %eq3A_263 : vector<16xi32>
    %eq3A_265 = arith.constant 1 : i32
    %eq3A_266 = vector.broadcast %eq3A_265 : i32 to vector<16xi32>
    %eq3A_267 = arith.cmpi eq, %iota3A, %eq3A_266 : vector<16xi32>
    %select_n3A_268 = arith.select %eq3A_267, %max3A_201, %broadcast_in_dim3A_26 : vector<16xi1>, vector<16xf32>
    %select_n3A_269 = arith.select %eq3A_264, %max3A_84, %select_n3A_268 : vector<16xi1>, vector<16xf32>
    %eq3A_270 = arith.constant 0 : i32
    %eq3A_271 = vector.broadcast %eq3A_270 : i32 to vector<16xi32>
    %eq3A_272 = arith.cmpi eq, %iota3A, %eq3A_271 : vector<16xi32>
    %eq3A_273 = arith.constant 1 : i32
    %eq3A_274 = vector.broadcast %eq3A_273 : i32 to vector<16xi32>
    %eq3A_275 = arith.cmpi eq, %iota3A, %eq3A_274 : vector<16xi32>
    %select_n3A_276 = arith.select %eq3A_275, %min3A_261, %broadcast_in_dim3A_28 : vector<16xi1>, vector<16xi32>
    %select_n3A_277 = arith.select %eq3A_272, %min3A_141, %select_n3A_276 : vector<16xi1>, vector<16xi32>
    %scan3A_278 = arith.constant 0 : i32
    %scan3A_279 = arith.constant 8 : i32
    %scan3A_280 = arith.addi %scan3A_278, %scan3A_279 : i32
    %scan3A_281 = arith.constant 1 : i32
    %scan3A_282:4 = scf.for %scan3A_583 = %scan3A_278 to %scan3A_280 step %scan3A_281 iter_args(%scan3A_584 = %broadcast_in_dim3A_1, %scan3A_585 = %broadcast_in_dim3A_5, %scan3A_586 = %broadcast_in_dim3A_1, %scan3A_587 = %broadcast_in_dim3A_5) -> (vector<16xf32>, vector<16xi32>, vector<16xf32>, vector<16xi32>)  : i32 {
      %add3A_588 = arith.constant 8 : i32
      %add3A_589 = arith.addi %add3A_588, %scan3A_583 : i32
      %and3A = arith.constant 1 : i32
      %and3A_590 = arith.andi %add3A_589, %and3A : i32
      %mul3A_591 = arith.constant 2 : i32
      %mul3A_592 = arith.muli %add3A, %mul3A_591 : i32
      %jit3A_593 = arith.constant 8 : i32
      %div3A = arith.divsi %add3A_589, %jit3A_593 : i32
      %sign3A = arith.constant 0 : i32
      %sign3A_594 = arith.cmpi sgt, %add3A_589, %sign3A : i32
      %sign3A_595 = arith.extui %sign3A_594 : i1 to i32
      %sign3A_596 = arith.constant 0 : i32
      %sign3A_597 = arith.cmpi slt, %add3A_589, %sign3A_596 : i32
      %sign3A_598 = arith.extui %sign3A_597 : i1 to i32
      %sign3A_599 = arith.subi %sign3A_595, %sign3A_598 : i32
      %sign3A_600 = arith.constant 0 : i32
      %sign3A_601 = arith.cmpi sgt, %jit3A_593, %sign3A_600 : i32
      %sign3A_602 = arith.extui %sign3A_601 : i1 to i32
      %sign3A_603 = arith.constant 0 : i32
      %sign3A_604 = arith.cmpi slt, %jit3A_593, %sign3A_603 : i32
      %sign3A_605 = arith.extui %sign3A_604 : i1 to i32
      %sign3A_606 = arith.subi %sign3A_602, %sign3A_605 : i32
      %ne3A = arith.cmpi ne, %sign3A_599, %sign3A_606 : i32
      %rem3A = arith.remsi %add3A_589, %jit3A_593 : i32
      %ne3A_607 = arith.constant 0 : i32
      %ne3A_608 = arith.cmpi ne, %rem3A, %ne3A_607 : i32
      %and3A_609 = arith.andi %ne3A, %ne3A_608 : i1
      %sub3A = arith.constant 1 : i32
      %sub3A_610 = arith.subi %div3A, %sub3A : i32
      %select_n3A_611 = arith.select %and3A_609, %sub3A_610, %div3A : i32
      %add3A_612 = arith.addi %mul3A_592, %select_n3A_611 : i32
      %jit3A_613 = arith.constant 8 : i32
      %eq3A_614 = arith.constant 0 : i32
      %eq3A_615 = arith.cmpi eq, %jit3A_613, %eq3A_614 : i32
      %jit3A_616 = arith.constant 1 : i32
      %select_n3A_617 = arith.select %eq3A_615, %jit3A_616, %jit3A_613 : i32
      %rem3A_618 = arith.remsi %add3A_589, %select_n3A_617 : i32
      %ne3A_619 = arith.constant 0 : i32
      %ne3A_620 = arith.cmpi ne, %rem3A_618, %ne3A_619 : i32
      %lt3A_621 = arith.constant 0 : i32
      %lt3A_622 = arith.cmpi slt, %rem3A_618, %lt3A_621 : i32
      %lt3A_623 = arith.constant 0 : i32
      %lt3A_624 = arith.cmpi slt, %select_n3A_617, %lt3A_623 : i32
      %ne3A_625 = arith.xori %lt3A_622, %lt3A_624 : i1
      %and3A_626 = arith.andi %ne3A_625, %ne3A_620 : i1
      %add3A_627 = arith.addi %rem3A_618, %select_n3A_617 : i32
      %select_n3A_628 = arith.select %and3A_626, %add3A_627, %rem3A_618 : i32
      %mul3A_629 = arith.constant 4096 : i32
      %mul3A_630 = arith.muli %select_n3A_628, %mul3A_629 : i32
      %dma_wait3A = arith.constant 0 : i32
      %dma_wait3A_631 = tpu.memref_slice %arg11[%and3A_590, %dma_wait3A] : memref<2x4096xf32, #tpu.memory_space<vmem>> -> memref<1x4096xf32, #tpu.memory_space<vmem>>
      %dma_wait3A_632 = tpu.memref_squeeze %dma_wait3A_631 : memref<1x4096xf32, #tpu.memory_space<vmem>> -> memref<4096xf32, #tpu.memory_space<vmem>>
      %dma_wait3A_633 = tpu.memref_slice %arg2[%add3A_612, %mul3A_630] : memref<64x32768xf32, #tpu.memory_space<hbm>> -> memref<1x4096xf32, #tpu.memory_space<hbm>>
      %dma_wait3A_634 = tpu.memref_squeeze %dma_wait3A_633 : memref<1x4096xf32, #tpu.memory_space<hbm>> -> memref<4096xf32, #tpu.memory_space<hbm>>
      %dma_wait3A_635 = tpu.memref_slice %arg19[%and3A_590] : memref<3x!tpu.dma_semaphore, #tpu.memory_space<semaphore_mem>> -> memref<1x!tpu.dma_semaphore, #tpu.memory_space<semaphore_mem>>
      %dma_wait3A_636 = tpu.memref_squeeze %dma_wait3A_635 : memref<1x!tpu.dma_semaphore, #tpu.memory_space<semaphore_mem>> -> memref<!tpu.dma_semaphore, #tpu.memory_space<semaphore_mem>>
      %dma_wait3A_637 = arith.constant 0 : i32
      %dma_wait3A_638 = tpu.memref_slice %arg11[%and3A_590, %dma_wait3A_637] : memref<2x4096xf32, #tpu.memory_space<vmem>> -> memref<1x4096xf32, #tpu.memory_space<vmem>>
      %dma_wait3A_639 = tpu.memref_squeeze %dma_wait3A_638 : memref<1x4096xf32, #tpu.memory_space<vmem>> -> memref<4096xf32, #tpu.memory_space<vmem>>
      %dma_wait3A_640 = tpu.memref_slice %arg2[%add3A_612, %mul3A_630] : memref<64x32768xf32, #tpu.memory_space<hbm>> -> memref<1x4096xf32, #tpu.memory_space<hbm>>
      %dma_wait3A_641 = tpu.memref_squeeze %dma_wait3A_640 : memref<1x4096xf32, #tpu.memory_space<hbm>> -> memref<4096xf32, #tpu.memory_space<hbm>>
      tpu.wait_dma2 semaphore(%dma_wait3A_636 : memref<!tpu.dma_semaphore, #tpu.memory_space<semaphore_mem>>) src(%dma_wait3A_641 : memref<4096xf32, #tpu.memory_space<hbm>>) dst(%dma_wait3A_639 : memref<4096xf32, #tpu.memory_space<vmem>>)
      %add3A_642 = arith.constant 1 : i32
      %add3A_643 = arith.addi %add3A_589, %add3A_642 : i32
      %lt3A_644 = arith.constant 16 : i32
      %lt3A_645 = arith.cmpi slt, %add3A_643, %lt3A_644 : i32
      %convert_element_type3A = arith.extui %lt3A_645 : i1 to i32
      %cond3A = arith.constant 0 : i32
      %cond3A_646 = arith.cmpi ne, %convert_element_type3A, %cond3A : i32
      scf.if %cond3A_646 {
        %add3A_655 = arith.constant 1 : i32
        %add3A_656 = arith.addi %add3A_589, %add3A_655 : i32
        %mul3A_657 = arith.constant 2 : i32
        %mul3A_658 = arith.muli %add3A, %mul3A_657 : i32
        %jit3A_659 = arith.constant 8 : i32
        %div3A_660 = arith.divsi %add3A_656, %jit3A_659 : i32
        %sign3A_661 = arith.constant 0 : i32
        %sign3A_662 = arith.cmpi sgt, %add3A_656, %sign3A_661 : i32
        %sign3A_663 = arith.extui %sign3A_662 : i1 to i32
        %sign3A_664 = arith.constant 0 : i32
        %sign3A_665 = arith.cmpi slt, %add3A_656, %sign3A_664 : i32
        %sign3A_666 = arith.extui %sign3A_665 : i1 to i32
        %sign3A_667 = arith.subi %sign3A_663, %sign3A_666 : i32
        %sign3A_668 = arith.constant 0 : i32
        %sign3A_669 = arith.cmpi sgt, %jit3A_659, %sign3A_668 : i32
        %sign3A_670 = arith.extui %sign3A_669 : i1 to i32
        %sign3A_671 = arith.constant 0 : i32
        %sign3A_672 = arith.cmpi slt, %jit3A_659, %sign3A_671 : i32
        %sign3A_673 = arith.extui %sign3A_672 : i1 to i32
        %sign3A_674 = arith.subi %sign3A_670, %sign3A_673 : i32
        %ne3A_675 = arith.cmpi ne, %sign3A_667, %sign3A_674 : i32
        %rem3A_676 = arith.remsi %add3A_656, %jit3A_659 : i32
        %ne3A_677 = arith.constant 0 : i32
        %ne3A_678 = arith.cmpi ne, %rem3A_676, %ne3A_677 : i32
        %and3A_679 = arith.andi %ne3A_675, %ne3A_678 : i1
        %sub3A_680 = arith.constant 1 : i32
        %sub3A_681 = arith.subi %div3A_660, %sub3A_680 : i32
        %select_n3A_682 = arith.select %and3A_679, %sub3A_681, %div3A_660 : i32
        %add3A_683 = arith.addi %mul3A_658, %select_n3A_682 : i32
        %jit3A_684 = arith.constant 8 : i32
        %eq3A_685 = arith.constant 0 : i32
        %eq3A_686 = arith.cmpi eq, %jit3A_684, %eq3A_685 : i32
        %jit3A_687 = arith.constant 1 : i32
        %select_n3A_688 = arith.select %eq3A_686, %jit3A_687, %jit3A_684 : i32
        %rem3A_689 = arith.remsi %add3A_656, %select_n3A_688 : i32
        %ne3A_690 = arith.constant 0 : i32
        %ne3A_691 = arith.cmpi ne, %rem3A_689, %ne3A_690 : i32
        %lt3A_692 = arith.constant 0 : i32
        %lt3A_693 = arith.cmpi slt, %rem3A_689, %lt3A_692 : i32
        %lt3A_694 = arith.constant 0 : i32
        %lt3A_695 = arith.cmpi slt, %select_n3A_688, %lt3A_694 : i32
        %ne3A_696 = arith.xori %lt3A_693, %lt3A_695 : i1
        %and3A_697 = arith.andi %ne3A_696, %ne3A_691 : i1
        %add3A_698 = arith.addi %rem3A_689, %select_n3A_688 : i32
        %select_n3A_699 = arith.select %and3A_697, %add3A_698, %rem3A_689 : i32
        %mul3A_700 = arith.constant 4096 : i32
        %mul3A_701 = arith.muli %select_n3A_699, %mul3A_700 : i32
        %sub3A_702 = arith.constant 1 : i32
        %sub3A_703 = arith.subi %sub3A_702, %and3A_590 : i32
        %sub3A_704 = arith.constant 1 : i32
        %sub3A_705 = arith.subi %sub3A_704, %and3A_590 : i32
        %dma_start3A_706 = arith.constant 0 : i32
        %dma_start3A_707 = tpu.memref_slice %arg11[%sub3A_703, %dma_start3A_706] : memref<2x4096xf32, #tpu.memory_space<vmem>> -> memref<1x4096xf32, #tpu.memory_space<vmem>>
        %dma_start3A_708 = tpu.memref_squeeze %dma_start3A_707 : memref<1x4096xf32, #tpu.memory_space<vmem>> -> memref<4096xf32, #tpu.memory_space<vmem>>
        %dma_start3A_709 = tpu.memref_slice %arg2[%add3A_683, %mul3A_701] : memref<64x32768xf32, #tpu.memory_space<hbm>> -> memref<1x4096xf32, #tpu.memory_space<hbm>>
        %dma_start3A_710 = tpu.memref_squeeze %dma_start3A_709 : memref<1x4096xf32, #tpu.memory_space<hbm>> -> memref<4096xf32, #tpu.memory_space<hbm>>
        %dma_start3A_711 = tpu.memref_slice %arg19[%sub3A_705] : memref<3x!tpu.dma_semaphore, #tpu.memory_space<semaphore_mem>> -> memref<1x!tpu.dma_semaphore, #tpu.memory_space<semaphore_mem>>
        %dma_start3A_712 = tpu.memref_squeeze %dma_start3A_711 : memref<1x!tpu.dma_semaphore, #tpu.memory_space<semaphore_mem>> -> memref<!tpu.dma_semaphore, #tpu.memory_space<semaphore_mem>>
        %dma_start3A_713 = arith.constant 0 : i32
        %dma_start3A_714 = tpu.memref_slice %arg11[%sub3A_703, %dma_start3A_713] : memref<2x4096xf32, #tpu.memory_space<vmem>> -> memref<1x4096xf32, #tpu.memory_space<vmem>>
        %dma_start3A_715 = tpu.memref_squeeze %dma_start3A_714 : memref<1x4096xf32, #tpu.memory_space<vmem>> -> memref<4096xf32, #tpu.memory_space<vmem>>
        %dma_start3A_716 = tpu.memref_slice %arg2[%add3A_683, %mul3A_701] : memref<64x32768xf32, #tpu.memory_space<hbm>> -> memref<1x4096xf32, #tpu.memory_space<hbm>>
        %dma_start3A_717 = tpu.memref_squeeze %dma_start3A_716 : memref<1x4096xf32, #tpu.memory_space<hbm>> -> memref<4096xf32, #tpu.memory_space<hbm>>
        tpu.enqueue_dma source(%dma_start3A_717 : memref<4096xf32, #tpu.memory_space<hbm>>) target(%dma_start3A_715 : memref<4096xf32, #tpu.memory_space<vmem>>) target_semaphore(%dma_start3A_712 : memref<!tpu.dma_semaphore, #tpu.memory_space<semaphore_mem>>)
      } else {
      }
      %mul3A_647 = arith.constant 4096 : i32
      %mul3A_648 = arith.muli %scan3A_583, %mul3A_647 : i32
      %scan3A_649 = arith.constant 0 : i32
      %scan3A_650 = arith.constant 256 : i32
      %scan3A_651 = arith.addi %scan3A_649, %scan3A_650 : i32
      %scan3A_652 = arith.constant 1 : i32
      %scan3A_653:4 = scf.for %scan3A_655 = %scan3A_649 to %scan3A_651 step %scan3A_652 iter_args(%scan3A_656 = %scan3A_584, %scan3A_657 = %scan3A_585, %scan3A_658 = %scan3A_586, %scan3A_659 = %scan3A_587) -> (vector<16xf32>, vector<16xi32>, vector<16xf32>, vector<16xi32>)  : i32 {
        %mul3A_660 = arith.constant 16 : i32
        %mul3A_661 = arith.muli %scan3A_655, %mul3A_660 : i32
        %get3A = arith.index_cast %and3A_590 : i32 to index
        %get3A_662 = arith.index_cast %mul3A_661 : i32 to index
        %get3A_663 = tpu.vector_load %arg11[%get3A, %get3A_662] {strides = array<i32>} : memref<2x4096xf32, #tpu.memory_space<vmem>>, vector<16xf32>,
        %mul3A_664 = arith.constant 16 : i32
        %mul3A_665 = arith.muli %scan3A_655, %mul3A_664 : i32
        %add3A_666 = arith.addi %mul3A_648, %mul3A_665 : i32
        %add3A_667 = vector.broadcast %add3A_666 : i32 to vector<16xi32>
        %add3A_668 = arith.addi %iota3A, %add3A_667 : vector<16xi32>
        %gt3A = arith.cmpf ogt, %get3A_663, %scan3A_656 : vector<16xf32>
        %gt3A_669 = arith.cmpf ogt, %get3A_663, %scan3A_658 : vector<16xf32>
        %select_n3A_670 = arith.select %gt3A, %get3A_663, %scan3A_656 : vector<16xi1>, vector<16xf32>
        %select_n3A_671 = arith.select %gt3A, %add3A_668, %scan3A_657 : vector<16xi1>, vector<16xi32>
        %select_n3A_672 = arith.select %gt3A_669, %get3A_663, %scan3A_658 : vector<16xi1>, vector<16xf32>
        %select_n3A_673 = arith.select %gt3A, %scan3A_656, %select_n3A_672 : vector<16xi1>, vector<16xf32>
        %select_n3A_674 = arith.select %gt3A_669, %add3A_668, %scan3A_659 : vector<16xi1>, vector<16xi32>
        %select_n3A_675 = arith.select %gt3A, %scan3A_657, %select_n3A_674 : vector<16xi1>, vector<16xi32>
        scf.yield %select_n3A_670, %select_n3A_671, %select_n3A_673, %select_n3A_675 : vector<16xf32>, vector<16xi32>, vector<16xf32>, vector<16xi32>
      }
      %scan3A_654 = arith.constant 256 : i32
      scf.yield %scan3A_653#0, %scan3A_653#1, %scan3A_653#2, %scan3A_653#3 : vector<16xf32>, vector<16xi32>, vector<16xf32>, vector<16xi32>
    }
    %scan3A_283 = arith.constant 8 : i32
    %xor3A_284 = arith.constant 8 : i32
    %xor3A_285 = vector.broadcast %xor3A_284 : i32 to vector<16xi32>
    %xor3A_286 = arith.xori %iota3A, %xor3A_285 : vector<16xi32>
    %lt3A_287 = arith.constant 0 : i32
    %lt3A_288 = vector.broadcast %lt3A_287 : i32 to vector<16xi32>
    %lt3A_289 = arith.cmpi slt, %xor3A_286, %lt3A_288 : vector<16xi32>
    %add3A_290 = arith.constant 16 : i32
    %add3A_291 = vector.broadcast %add3A_290 : i32 to vector<16xi32>
    %add3A_292 = arith.addi %xor3A_286, %add3A_291 : vector<16xi32>
    %select_n3A_293 = arith.select %lt3A_289, %add3A_292, %xor3A_286 : vector<16xi1>, vector<16xi32>
    %broadcast_in_dim3A_294 = vector.shape_cast %select_n3A_293 : vector<16xi32> to vector<16x1xi32>
    %gather3A_295 = vector.shape_cast %broadcast_in_dim3A_294 : vector<16x1xi32> to vector<16xi32>
    %gather3A_296 = tpu.dynamic_gather %scan3A_282#0[%gather3A_295] in [0] : vector<16xf32>, vector<16xi32> -> vector<16xf32>
    %max3A_297 = arith.maximumf %scan3A_282#0, %gather3A_296 : vector<16xf32>
    %xor3A_298 = arith.constant 4 : i32
    %xor3A_299 = vector.broadcast %xor3A_298 : i32 to vector<16xi32>
    %xor3A_300 = arith.xori %iota3A, %xor3A_299 : vector<16xi32>
    %lt3A_301 = arith.constant 0 : i32
    %lt3A_302 = vector.broadcast %lt3A_301 : i32 to vector<16xi32>
    %lt3A_303 = arith.cmpi slt, %xor3A_300, %lt3A_302 : vector<16xi32>
    %add3A_304 = arith.constant 16 : i32
    %add3A_305 = vector.broadcast %add3A_304 : i32 to vector<16xi32>
    %add3A_306 = arith.addi %xor3A_300, %add3A_305 : vector<16xi32>
    %select_n3A_307 = arith.select %lt3A_303, %add3A_306, %xor3A_300 : vector<16xi1>, vector<16xi32>
    %broadcast_in_dim3A_308 = vector.shape_cast %select_n3A_307 : vector<16xi32> to vector<16x1xi32>
    %gather3A_309 = vector.shape_cast %broadcast_in_dim3A_308 : vector<16x1xi32> to vector<16xi32>
    %gather3A_310 = tpu.dynamic_gather %max3A_297[%gather3A_309] in [0] : vector<16xf32>, vector<16xi32> -> vector<16xf32>
    %max3A_311 = arith.maximumf %max3A_297, %gather3A_310 : vector<16xf32>
    %xor3A_312 = arith.constant 2 : i32
    %xor3A_313 = vector.broadcast %xor3A_312 : i32 to vector<16xi32>
    %xor3A_314 = arith.xori %iota3A, %xor3A_313 : vector<16xi32>
    %lt3A_315 = arith.constant 0 : i32
    %lt3A_316 = vector.broadcast %lt3A_315 : i32 to vector<16xi32>
    %lt3A_317 = arith.cmpi slt, %xor3A_314, %lt3A_316 : vector<16xi32>
    %add3A_318 = arith.constant 16 : i32
    %add3A_319 = vector.broadcast %add3A_318 : i32 to vector<16xi32>
    %add3A_320 = arith.addi %xor3A_314, %add3A_319 : vector<16xi32>
    %select_n3A_321 = arith.select %lt3A_317, %add3A_320, %xor3A_314 : vector<16xi1>, vector<16xi32>
    %broadcast_in_dim3A_322 = vector.shape_cast %select_n3A_321 : vector<16xi32> to vector<16x1xi32>
    %gather3A_323 = vector.shape_cast %broadcast_in_dim3A_322 : vector<16x1xi32> to vector<16xi32>
    %gather3A_324 = tpu.dynamic_gather %max3A_311[%gather3A_323] in [0] : vector<16xf32>, vector<16xi32> -> vector<16xf32>
    %max3A_325 = arith.maximumf %max3A_311, %gather3A_324 : vector<16xf32>
    %xor3A_326 = arith.constant 1 : i32
    %xor3A_327 = vector.broadcast %xor3A_326 : i32 to vector<16xi32>
    %xor3A_328 = arith.xori %iota3A, %xor3A_327 : vector<16xi32>
    %lt3A_329 = arith.constant 0 : i32
    %lt3A_330 = vector.broadcast %lt3A_329 : i32 to vector<16xi32>
    %lt3A_331 = arith.cmpi slt, %xor3A_328, %lt3A_330 : vector<16xi32>
    %add3A_332 = arith.constant 16 : i32
    %add3A_333 = vector.broadcast %add3A_332 : i32 to vector<16xi32>
    %add3A_334 = arith.addi %xor3A_328, %add3A_333 : vector<16xi32>
    %select_n3A_335 = arith.select %lt3A_331, %add3A_334, %xor3A_328 : vector<16xi1>, vector<16xi32>
    %broadcast_in_dim3A_336 = vector.shape_cast %select_n3A_335 : vector<16xi32> to vector<16x1xi32>
    %gather3A_337 = vector.shape_cast %broadcast_in_dim3A_336 : vector<16x1xi32> to vector<16xi32>
    %gather3A_338 = tpu.dynamic_gather %max3A_325[%gather3A_337] in [0] : vector<16xf32>, vector<16xi32> -> vector<16xf32>
    %max3A_339 = arith.maximumf %max3A_325, %gather3A_338 : vector<16xf32>
    %eq3A_340 = arith.cmpf oeq, %scan3A_282#0, %max3A_339 : vector<16xf32>
    %jit3A_341 = arith.constant 2147483647 : i32
    %broadcast_in_dim3A_342 = vector.broadcast %jit3A_341 : i32 to vector<16xi32>
    %select_n3A_343 = arith.select %eq3A_340, %scan3A_282#1, %broadcast_in_dim3A_342 : vector<16xi1>, vector<16xi32>
    %xor3A_344 = arith.constant 8 : i32
    %xor3A_345 = vector.broadcast %xor3A_344 : i32 to vector<16xi32>
    %xor3A_346 = arith.xori %iota3A, %xor3A_345 : vector<16xi32>
    %lt3A_347 = arith.constant 0 : i32
    %lt3A_348 = vector.broadcast %lt3A_347 : i32 to vector<16xi32>
    %lt3A_349 = arith.cmpi slt, %xor3A_346, %lt3A_348 : vector<16xi32>
    %add3A_350 = arith.constant 16 : i32
    %add3A_351 = vector.broadcast %add3A_350 : i32 to vector<16xi32>
    %add3A_352 = arith.addi %xor3A_346, %add3A_351 : vector<16xi32>
    %select_n3A_353 = arith.select %lt3A_349, %add3A_352, %xor3A_346 : vector<16xi1>, vector<16xi32>
    %broadcast_in_dim3A_354 = vector.shape_cast %select_n3A_353 : vector<16xi32> to vector<16x1xi32>
    %gather3A_355 = vector.shape_cast %broadcast_in_dim3A_354 : vector<16x1xi32> to vector<16xi32>
    %gather3A_356 = tpu.dynamic_gather %select_n3A_343[%gather3A_355] in [0] : vector<16xi32>, vector<16xi32> -> vector<16xi32>
    %min3A_357 = arith.minsi %select_n3A_343, %gather3A_356 : vector<16xi32>
    %xor3A_358 = arith.constant 4 : i32
    %xor3A_359 = vector.broadcast %xor3A_358 : i32 to vector<16xi32>
    %xor3A_360 = arith.xori %iota3A, %xor3A_359 : vector<16xi32>
    %lt3A_361 = arith.constant 0 : i32
    %lt3A_362 = vector.broadcast %lt3A_361 : i32 to vector<16xi32>
    %lt3A_363 = arith.cmpi slt, %xor3A_360, %lt3A_362 : vector<16xi32>
    %add3A_364 = arith.constant 16 : i32
    %add3A_365 = vector.broadcast %add3A_364 : i32 to vector<16xi32>
    %add3A_366 = arith.addi %xor3A_360, %add3A_365 : vector<16xi32>
    %select_n3A_367 = arith.select %lt3A_363, %add3A_366, %xor3A_360 : vector<16xi1>, vector<16xi32>
    %broadcast_in_dim3A_368 = vector.shape_cast %select_n3A_367 : vector<16xi32> to vector<16x1xi32>
    %gather3A_369 = vector.shape_cast %broadcast_in_dim3A_368 : vector<16x1xi32> to vector<16xi32>
    %gather3A_370 = tpu.dynamic_gather %min3A_357[%gather3A_369] in [0] : vector<16xi32>, vector<16xi32> -> vector<16xi32>
    %min3A_371 = arith.minsi %min3A_357, %gather3A_370 : vector<16xi32>
    %xor3A_372 = arith.constant 2 : i32
    %xor3A_373 = vector.broadcast %xor3A_372 : i32 to vector<16xi32>
    %xor3A_374 = arith.xori %iota3A, %xor3A_373 : vector<16xi32>
    %lt3A_375 = arith.constant 0 : i32
    %lt3A_376 = vector.broadcast %lt3A_375 : i32 to vector<16xi32>
    %lt3A_377 = arith.cmpi slt, %xor3A_374, %lt3A_376 : vector<16xi32>
    %add3A_378 = arith.constant 16 : i32
    %add3A_379 = vector.broadcast %add3A_378 : i32 to vector<16xi32>
    %add3A_380 = arith.addi %xor3A_374, %add3A_379 : vector<16xi32>
    %select_n3A_381 = arith.select %lt3A_377, %add3A_380, %xor3A_374 : vector<16xi1>, vector<16xi32>
    %broadcast_in_dim3A_382 = vector.shape_cast %select_n3A_381 : vector<16xi32> to vector<16x1xi32>
    %gather3A_383 = vector.shape_cast %broadcast_in_dim3A_382 : vector<16x1xi32> to vector<16xi32>
    %gather3A_384 = tpu.dynamic_gather %min3A_371[%gather3A_383] in [0] : vector<16xi32>, vector<16xi32> -> vector<16xi32>
    %min3A_385 = arith.minsi %min3A_371, %gather3A_384 : vector<16xi32>
    %xor3A_386 = arith.constant 1 : i32
    %xor3A_387 = vector.broadcast %xor3A_386 : i32 to vector<16xi32>
    %xor3A_388 = arith.xori %iota3A, %xor3A_387 : vector<16xi32>
    %lt3A_389 = arith.constant 0 : i32
    %lt3A_390 = vector.broadcast %lt3A_389 : i32 to vector<16xi32>
    %lt3A_391 = arith.cmpi slt, %xor3A_388, %lt3A_390 : vector<16xi32>
    %add3A_392 = arith.constant 16 : i32
    %add3A_393 = vector.broadcast %add3A_392 : i32 to vector<16xi32>
    %add3A_394 = arith.addi %xor3A_388, %add3A_393 : vector<16xi32>
    %select_n3A_395 = arith.select %lt3A_391, %add3A_394, %xor3A_388 : vector<16xi1>, vector<16xi32>
    %broadcast_in_dim3A_396 = vector.shape_cast %select_n3A_395 : vector<16xi32> to vector<16x1xi32>
    %gather3A_397 = vector.shape_cast %broadcast_in_dim3A_396 : vector<16x1xi32> to vector<16xi32>
    %gather3A_398 = tpu.dynamic_gather %min3A_385[%gather3A_397] in [0] : vector<16xi32>, vector<16xi32> -> vector<16xi32>
    %min3A_399 = arith.minsi %min3A_385, %gather3A_398 : vector<16xi32>
    %eq3A_400 = arith.cmpi eq, %scan3A_282#1, %min3A_399 : vector<16xi32>
    %select_n3A_401 = arith.select %eq3A_400, %scan3A_282#2, %scan3A_282#0 : vector<16xi1>, vector<16xf32>
    %eq3A_402 = arith.cmpi eq, %scan3A_282#1, %min3A_399 : vector<16xi32>
    %select_n3A_403 = arith.select %eq3A_402, %scan3A_282#3, %scan3A_282#1 : vector<16xi1>, vector<16xi32>
    %xor3A_404 = arith.constant 8 : i32
    %xor3A_405 = vector.broadcast %xor3A_404 : i32 to vector<16xi32>
    %xor3A_406 = arith.xori %iota3A, %xor3A_405 : vector<16xi32>
    %lt3A_407 = arith.constant 0 : i32
    %lt3A_408 = vector.broadcast %lt3A_407 : i32 to vector<16xi32>
    %lt3A_409 = arith.cmpi slt, %xor3A_406, %lt3A_408 : vector<16xi32>
    %add3A_410 = arith.constant 16 : i32
    %add3A_411 = vector.broadcast %add3A_410 : i32 to vector<16xi32>
    %add3A_412 = arith.addi %xor3A_406, %add3A_411 : vector<16xi32>
    %select_n3A_413 = arith.select %lt3A_409, %add3A_412, %xor3A_406 : vector<16xi1>, vector<16xi32>
    %broadcast_in_dim3A_414 = vector.shape_cast %select_n3A_413 : vector<16xi32> to vector<16x1xi32>
    %gather3A_415 = vector.shape_cast %broadcast_in_dim3A_414 : vector<16x1xi32> to vector<16xi32>
    %gather3A_416 = tpu.dynamic_gather %select_n3A_401[%gather3A_415] in [0] : vector<16xf32>, vector<16xi32> -> vector<16xf32>
    %max3A_417 = arith.maximumf %select_n3A_401, %gather3A_416 : vector<16xf32>
    %xor3A_418 = arith.constant 4 : i32
    %xor3A_419 = vector.broadcast %xor3A_418 : i32 to vector<16xi32>
    %xor3A_420 = arith.xori %iota3A, %xor3A_419 : vector<16xi32>
    %lt3A_421 = arith.constant 0 : i32
    %lt3A_422 = vector.broadcast %lt3A_421 : i32 to vector<16xi32>
    %lt3A_423 = arith.cmpi slt, %xor3A_420, %lt3A_422 : vector<16xi32>
    %add3A_424 = arith.constant 16 : i32
    %add3A_425 = vector.broadcast %add3A_424 : i32 to vector<16xi32>
    %add3A_426 = arith.addi %xor3A_420, %add3A_425 : vector<16xi32>
    %select_n3A_427 = arith.select %lt3A_423, %add3A_426, %xor3A_420 : vector<16xi1>, vector<16xi32>
    %broadcast_in_dim3A_428 = vector.shape_cast %select_n3A_427 : vector<16xi32> to vector<16x1xi32>
    %gather3A_429 = vector.shape_cast %broadcast_in_dim3A_428 : vector<16x1xi32> to vector<16xi32>
    %gather3A_430 = tpu.dynamic_gather %max3A_417[%gather3A_429] in [0] : vector<16xf32>, vector<16xi32> -> vector<16xf32>
    %max3A_431 = arith.maximumf %max3A_417, %gather3A_430 : vector<16xf32>
    %xor3A_432 = arith.constant 2 : i32
    %xor3A_433 = vector.broadcast %xor3A_432 : i32 to vector<16xi32>
    %xor3A_434 = arith.xori %iota3A, %xor3A_433 : vector<16xi32>
    %lt3A_435 = arith.constant 0 : i32
    %lt3A_436 = vector.broadcast %lt3A_435 : i32 to vector<16xi32>
    %lt3A_437 = arith.cmpi slt, %xor3A_434, %lt3A_436 : vector<16xi32>
    %add3A_438 = arith.constant 16 : i32
    %add3A_439 = vector.broadcast %add3A_438 : i32 to vector<16xi32>
    %add3A_440 = arith.addi %xor3A_434, %add3A_439 : vector<16xi32>
    %select_n3A_441 = arith.select %lt3A_437, %add3A_440, %xor3A_434 : vector<16xi1>, vector<16xi32>
    %broadcast_in_dim3A_442 = vector.shape_cast %select_n3A_441 : vector<16xi32> to vector<16x1xi32>
    %gather3A_443 = vector.shape_cast %broadcast_in_dim3A_442 : vector<16x1xi32> to vector<16xi32>
    %gather3A_444 = tpu.dynamic_gather %max3A_431[%gather3A_443] in [0] : vector<16xf32>, vector<16xi32> -> vector<16xf32>
    %max3A_445 = arith.maximumf %max3A_431, %gather3A_444 : vector<16xf32>
    %xor3A_446 = arith.constant 1 : i32
    %xor3A_447 = vector.broadcast %xor3A_446 : i32 to vector<16xi32>
    %xor3A_448 = arith.xori %iota3A, %xor3A_447 : vector<16xi32>
    %lt3A_449 = arith.constant 0 : i32
    %lt3A_450 = vector.broadcast %lt3A_449 : i32 to vector<16xi32>
    %lt3A_451 = arith.cmpi slt, %xor3A_448, %lt3A_450 : vector<16xi32>
    %add3A_452 = arith.constant 16 : i32
    %add3A_453 = vector.broadcast %add3A_452 : i32 to vector<16xi32>
    %add3A_454 = arith.addi %xor3A_448, %add3A_453 : vector<16xi32>
    %select_n3A_455 = arith.select %lt3A_451, %add3A_454, %xor3A_448 : vector<16xi1>, vector<16xi32>
    %broadcast_in_dim3A_456 = vector.shape_cast %select_n3A_455 : vector<16xi32> to vector<16x1xi32>
    %gather3A_457 = vector.shape_cast %broadcast_in_dim3A_456 : vector<16x1xi32> to vector<16xi32>
    %gather3A_458 = tpu.dynamic_gather %max3A_445[%gather3A_457] in [0] : vector<16xf32>, vector<16xi32> -> vector<16xf32>
    %max3A_459 = arith.maximumf %max3A_445, %gather3A_458 : vector<16xf32>
    %eq3A_460 = arith.cmpf oeq, %select_n3A_401, %max3A_459 : vector<16xf32>
    %jit3A_461 = arith.constant 2147483647 : i32
    %broadcast_in_dim3A_462 = vector.broadcast %jit3A_461 : i32 to vector<16xi32>
    %select_n3A_463 = arith.select %eq3A_460, %select_n3A_403, %broadcast_in_dim3A_462 : vector<16xi1>, vector<16xi32>
    %xor3A_464 = arith.constant 8 : i32
    %xor3A_465 = vector.broadcast %xor3A_464 : i32 to vector<16xi32>
    %xor3A_466 = arith.xori %iota3A, %xor3A_465 : vector<16xi32>
    %lt3A_467 = arith.constant 0 : i32
    %lt3A_468 = vector.broadcast %lt3A_467 : i32 to vector<16xi32>
    %lt3A_469 = arith.cmpi slt, %xor3A_466, %lt3A_468 : vector<16xi32>
    %add3A_470 = arith.constant 16 : i32
    %add3A_471 = vector.broadcast %add3A_470 : i32 to vector<16xi32>
    %add3A_472 = arith.addi %xor3A_466, %add3A_471 : vector<16xi32>
    %select_n3A_473 = arith.select %lt3A_469, %add3A_472, %xor3A_466 : vector<16xi1>, vector<16xi32>
    %broadcast_in_dim3A_474 = vector.shape_cast %select_n3A_473 : vector<16xi32> to vector<16x1xi32>
    %gather3A_475 = vector.shape_cast %broadcast_in_dim3A_474 : vector<16x1xi32> to vector<16xi32>
    %gather3A_476 = tpu.dynamic_gather %select_n3A_463[%gather3A_475] in [0] : vector<16xi32>, vector<16xi32> -> vector<16xi32>
    %min3A_477 = arith.minsi %select_n3A_463, %gather3A_476 : vector<16xi32>
    %xor3A_478 = arith.constant 4 : i32
    %xor3A_479 = vector.broadcast %xor3A_478 : i32 to vector<16xi32>
    %xor3A_480 = arith.xori %iota3A, %xor3A_479 : vector<16xi32>
    %lt3A_481 = arith.constant 0 : i32
    %lt3A_482 = vector.broadcast %lt3A_481 : i32 to vector<16xi32>
    %lt3A_483 = arith.cmpi slt, %xor3A_480, %lt3A_482 : vector<16xi32>
    %add3A_484 = arith.constant 16 : i32
    %add3A_485 = vector.broadcast %add3A_484 : i32 to vector<16xi32>
    %add3A_486 = arith.addi %xor3A_480, %add3A_485 : vector<16xi32>
    %select_n3A_487 = arith.select %lt3A_483, %add3A_486, %xor3A_480 : vector<16xi1>, vector<16xi32>
    %broadcast_in_dim3A_488 = vector.shape_cast %select_n3A_487 : vector<16xi32> to vector<16x1xi32>
    %gather3A_489 = vector.shape_cast %broadcast_in_dim3A_488 : vector<16x1xi32> to vector<16xi32>
    %gather3A_490 = tpu.dynamic_gather %min3A_477[%gather3A_489] in [0] : vector<16xi32>, vector<16xi32> -> vector<16xi32>
    %min3A_491 = arith.minsi %min3A_477, %gather3A_490 : vector<16xi32>
    %xor3A_492 = arith.constant 2 : i32
    %xor3A_493 = vector.broadcast %xor3A_492 : i32 to vector<16xi32>
    %xor3A_494 = arith.xori %iota3A, %xor3A_493 : vector<16xi32>
    %lt3A_495 = arith.constant 0 : i32
    %lt3A_496 = vector.broadcast %lt3A_495 : i32 to vector<16xi32>
    %lt3A_497 = arith.cmpi slt, %xor3A_494, %lt3A_496 : vector<16xi32>
    %add3A_498 = arith.constant 16 : i32
    %add3A_499 = vector.broadcast %add3A_498 : i32 to vector<16xi32>
    %add3A_500 = arith.addi %xor3A_494, %add3A_499 : vector<16xi32>
    %select_n3A_501 = arith.select %lt3A_497, %add3A_500, %xor3A_494 : vector<16xi1>, vector<16xi32>
    %broadcast_in_dim3A_502 = vector.shape_cast %select_n3A_501 : vector<16xi32> to vector<16x1xi32>
    %gather3A_503 = vector.shape_cast %broadcast_in_dim3A_502 : vector<16x1xi32> to vector<16xi32>
    %gather3A_504 = tpu.dynamic_gather %min3A_491[%gather3A_503] in [0] : vector<16xi32>, vector<16xi32> -> vector<16xi32>
    %min3A_505 = arith.minsi %min3A_491, %gather3A_504 : vector<16xi32>
    %xor3A_506 = arith.constant 1 : i32
    %xor3A_507 = vector.broadcast %xor3A_506 : i32 to vector<16xi32>
    %xor3A_508 = arith.xori %iota3A, %xor3A_507 : vector<16xi32>
    %lt3A_509 = arith.constant 0 : i32
    %lt3A_510 = vector.broadcast %lt3A_509 : i32 to vector<16xi32>
    %lt3A_511 = arith.cmpi slt, %xor3A_508, %lt3A_510 : vector<16xi32>
    %add3A_512 = arith.constant 16 : i32
    %add3A_513 = vector.broadcast %add3A_512 : i32 to vector<16xi32>
    %add3A_514 = arith.addi %xor3A_508, %add3A_513 : vector<16xi32>
    %select_n3A_515 = arith.select %lt3A_511, %add3A_514, %xor3A_508 : vector<16xi1>, vector<16xi32>
    %broadcast_in_dim3A_516 = vector.shape_cast %select_n3A_515 : vector<16xi32> to vector<16x1xi32>
    %gather3A_517 = vector.shape_cast %broadcast_in_dim3A_516 : vector<16x1xi32> to vector<16xi32>
    %gather3A_518 = tpu.dynamic_gather %min3A_505[%gather3A_517] in [0] : vector<16xi32>, vector<16xi32> -> vector<16xi32>
    %min3A_519 = arith.minsi %min3A_505, %gather3A_518 : vector<16xi32>
    %eq3A_520 = arith.constant 2 : i32
    %eq3A_521 = vector.broadcast %eq3A_520 : i32 to vector<16xi32>
    %eq3A_522 = arith.cmpi eq, %iota3A, %eq3A_521 : vector<16xi32>
    %eq3A_523 = arith.constant 3 : i32
    %eq3A_524 = vector.broadcast %eq3A_523 : i32 to vector<16xi32>
    %eq3A_525 = arith.cmpi eq, %iota3A, %eq3A_524 : vector<16xi32>
    %select_n3A_526 = arith.select %eq3A_525, %max3A_459, %select_n3A_269 : vector<16xi1>, vector<16xf32>
    %select_n3A_527 = arith.select %eq3A_522, %max3A_339, %select_n3A_526 : vector<16xi1>, vector<16xf32>
    %eq3A_528 = arith.constant 2 : i32
    %eq3A_529 = vector.broadcast %eq3A_528 : i32 to vector<16xi32>
    %eq3A_530 = arith.cmpi eq, %iota3A, %eq3A_529 : vector<16xi32>
    %eq3A_531 = arith.constant 3 : i32
    %eq3A_532 = vector.broadcast %eq3A_531 : i32 to vector<16xi32>
    %eq3A_533 = arith.cmpi eq, %iota3A, %eq3A_532 : vector<16xi32>
    %select_n3A_534 = arith.select %eq3A_533, %min3A_519, %select_n3A_277 : vector<16xi1>, vector<16xi32>
    %select_n3A_535 = arith.select %eq3A_530, %min3A_399, %select_n3A_534 : vector<16xi1>, vector<16xi32>
    %swap3A = arith.constant 0 : index
    %swap3A_536 = tpu.vector_load %arg17[%swap3A] {strides = array<i32>} : memref<64xf32, #tpu.memory_space<vmem>>, vector<16xf32>,
    tpu.vector_store %arg17[%swap3A], %select_n3A_527 {strides = array<i32>} : memref<64xf32, #tpu.memory_space<vmem>>, vector<16xf32>,
    %swap3A_537 = arith.constant 0 : index
    %swap3A_538 = tpu.vector_load %arg18[%swap3A_537] {strides = array<i32>} : memref<64xi32, #tpu.memory_space<vmem>>, vector<16xi32>,
    tpu.vector_store %arg18[%swap3A_537], %select_n3A_535 {strides = array<i32>} : memref<64xi32, #tpu.memory_space<vmem>>, vector<16xi32>,
    %mul3A_539 = arith.constant 16 : i32
    %mul3A_540 = arith.muli %add3A, %mul3A_539 : i32
    "tpu.region"() ({
      %run_scoped3A = tpu.sem_alloc : memref<!tpu.dma_semaphore, #tpu.memory_space<semaphore_mem>>
      %dma_start3A_583 = arith.constant 0 : i32
      %dma_start3A_584 = tpu.memref_slice %arg17[%dma_start3A_583] : memref<64xf32, #tpu.memory_space<vmem>> -> memref<16xf32, #tpu.memory_space<vmem>>
      %dma_start3A_585 = tpu.memref_slice %arg5[%mul3A_540] : memref<512xf32, #tpu.memory_space<hbm>> -> memref<16xf32, #tpu.memory_space<hbm>>
      %dma_start3A_586 = tpu.memref_slice %arg5[%mul3A_540] : memref<512xf32, #tpu.memory_space<hbm>> -> memref<16xf32, #tpu.memory_space<hbm>>
      %dma_start3A_587 = arith.constant 0 : i32
      %dma_start3A_588 = tpu.memref_slice %arg17[%dma_start3A_587] : memref<64xf32, #tpu.memory_space<vmem>> -> memref<16xf32, #tpu.memory_space<vmem>>
      tpu.enqueue_dma source(%dma_start3A_588 : memref<16xf32, #tpu.memory_space<vmem>>) target(%dma_start3A_586 : memref<16xf32, #tpu.memory_space<hbm>>) target_semaphore(%run_scoped3A : memref<!tpu.dma_semaphore, #tpu.memory_space<semaphore_mem>>)
      %dma_wait3A = arith.constant 0 : i32
      %dma_wait3A_589 = tpu.memref_slice %arg17[%dma_wait3A] : memref<64xf32, #tpu.memory_space<vmem>> -> memref<16xf32, #tpu.memory_space<vmem>>
      %dma_wait3A_590 = tpu.memref_slice %arg5[%mul3A_540] : memref<512xf32, #tpu.memory_space<hbm>> -> memref<16xf32, #tpu.memory_space<hbm>>
      %dma_wait3A_591 = tpu.memref_slice %arg5[%mul3A_540] : memref<512xf32, #tpu.memory_space<hbm>> -> memref<16xf32, #tpu.memory_space<hbm>>
      %dma_wait3A_592 = arith.constant 0 : i32
      %dma_wait3A_593 = tpu.memref_slice %arg17[%dma_wait3A_592] : memref<64xf32, #tpu.memory_space<vmem>> -> memref<16xf32, #tpu.memory_space<vmem>>
      tpu.wait_dma2 semaphore(%run_scoped3A : memref<!tpu.dma_semaphore, #tpu.memory_space<semaphore_mem>>) src(%dma_wait3A_593 : memref<16xf32, #tpu.memory_space<vmem>>) dst(%dma_wait3A_591 : memref<16xf32, #tpu.memory_space<hbm>>)
      tpu.yield
    }) : () -> ()
    %mul3A_541 = arith.constant 16 : i32
    %mul3A_542 = arith.muli %add3A, %mul3A_541 : i32
    "tpu.region"() ({
      %run_scoped3A = tpu.sem_alloc : memref<!tpu.dma_semaphore, #tpu.memory_space<semaphore_mem>>
      %dma_start3A_583 = arith.constant 0 : i32
      %dma_start3A_584 = tpu.memref_slice %arg18[%dma_start3A_583] : memref<64xi32, #tpu.memory_space<vmem>> -> memref<16xi32, #tpu.memory_space<vmem>>
      %dma_start3A_585 = tpu.memref_slice %arg6[%mul3A_542] : memref<512xi32, #tpu.memory_space<hbm>> -> memref<16xi32, #tpu.memory_space<hbm>>
      %dma_start3A_586 = tpu.memref_slice %arg6[%mul3A_542] : memref<512xi32, #tpu.memory_space<hbm>> -> memref<16xi32, #tpu.memory_space<hbm>>
      %dma_start3A_587 = arith.constant 0 : i32
      %dma_start3A_588 = tpu.memref_slice %arg18[%dma_start3A_587] : memref<64xi32, #tpu.memory_space<vmem>> -> memref<16xi32, #tpu.memory_space<vmem>>
      tpu.enqueue_dma source(%dma_start3A_588 : memref<16xi32, #tpu.memory_space<vmem>>) target(%dma_start3A_586 : memref<16xi32, #tpu.memory_space<hbm>>) target_semaphore(%run_scoped3A : memref<!tpu.dma_semaphore, #tpu.memory_space<semaphore_mem>>)
      %dma_wait3A = arith.constant 0 : i32
      %dma_wait3A_589 = tpu.memref_slice %arg18[%dma_wait3A] : memref<64xi32, #tpu.memory_space<vmem>> -> memref<16xi32, #tpu.memory_space<vmem>>
      %dma_wait3A_590 = tpu.memref_slice %arg6[%mul3A_542] : memref<512xi32, #tpu.memory_space<hbm>> -> memref<16xi32, #tpu.memory_space<hbm>>
      %dma_wait3A_591 = tpu.memref_slice %arg6[%mul3A_542] : memref<512xi32, #tpu.memory_space<hbm>> -> memref<16xi32, #tpu.memory_space<hbm>>
      %dma_wait3A_592 = arith.constant 0 : i32
      %dma_wait3A_593 = tpu.memref_slice %arg18[%dma_wait3A_592] : memref<64xi32, #tpu.memory_space<vmem>> -> memref<16xi32, #tpu.memory_space<vmem>>
      tpu.wait_dma2 semaphore(%run_scoped3A : memref<!tpu.dma_semaphore, #tpu.memory_space<semaphore_mem>>) src(%dma_wait3A_593 : memref<16xi32, #tpu.memory_space<vmem>>) dst(%dma_wait3A_591 : memref<16xi32, #tpu.memory_space<hbm>>)
      tpu.yield
    }) : () -> ()
    "tpu.trace_stop"() : () -> ()
    "tpu.trace_start"() <{level = 10 : i32, message = "phase_y"}> : () -> ()
    %scan3A_543 = arith.constant 0 : i32
    %scan3A_544 = arith.constant 0 : i32
    %scan3A_545 = arith.constant 8 : i32
    %scan3A_546 = arith.addi %scan3A_544, %scan3A_545 : i32
    %scan3A_547 = arith.constant 1 : i32
    scf.for %scan3A_583 = %scan3A_544 to %scan3A_546 step %scan3A_547  : i32 {
      %mul3A_584 = arith.constant 128 : i32
      %mul3A_585 = arith.muli %add3A, %mul3A_584 : i32
      %mul3A_586 = arith.constant 16 : i32
      %mul3A_587 = arith.muli %scan3A_583, %mul3A_586 : i32
      %add3A_588 = arith.addi %mul3A_585, %mul3A_587 : i32
      %dma_start3A_589 = arith.constant 0 : i32
      %dma_start3A_590 = arith.constant 0 : i32
      %dma_start3A_591 = arith.constant 0 : i32
      %dma_start3A_592 = tpu.memref_slice %arg12[%dma_start3A_590, %dma_start3A_591] : memref<16x4096xf32, #tpu.memory_space<vmem>> -> memref<16x512xf32, #tpu.memory_space<vmem>>
      %dma_start3A_593 = arith.constant 0 : i32
      %dma_start3A_594 = tpu.memref_slice %arg3[%add3A_588, %dma_start3A_593] : memref<4096x4096xf32, #tpu.memory_space<hbm>> -> memref<16x512xf32, #tpu.memory_space<hbm>>
      %dma_start3A_595 = tpu.memref_slice %arg19[%dma_start3A_589] : memref<3x!tpu.dma_semaphore, #tpu.memory_space<semaphore_mem>> -> memref<1x!tpu.dma_semaphore, #tpu.memory_space<semaphore_mem>>
      %dma_start3A_596 = tpu.memref_squeeze %dma_start3A_595 : memref<1x!tpu.dma_semaphore, #tpu.memory_space<semaphore_mem>> -> memref<!tpu.dma_semaphore, #tpu.memory_space<semaphore_mem>>
      %dma_start3A_597 = arith.constant 0 : i32
      %dma_start3A_598 = arith.constant 0 : i32
      %dma_start3A_599 = tpu.memref_slice %arg12[%dma_start3A_597, %dma_start3A_598] : memref<16x4096xf32, #tpu.memory_space<vmem>> -> memref<16x512xf32, #tpu.memory_space<vmem>>
      %dma_start3A_600 = arith.constant 0 : i32
      %dma_start3A_601 = tpu.memref_slice %arg3[%add3A_588, %dma_start3A_600] : memref<4096x4096xf32, #tpu.memory_space<hbm>> -> memref<16x512xf32, #tpu.memory_space<hbm>>
      tpu.enqueue_dma source(%dma_start3A_601 : memref<16x512xf32, #tpu.memory_space<hbm>>) target(%dma_start3A_599 : memref<16x512xf32, #tpu.memory_space<vmem>>) target_semaphore(%dma_start3A_596 : memref<!tpu.dma_semaphore, #tpu.memory_space<semaphore_mem>>)
      %dma_start3A_602 = arith.constant 0 : i32
      %dma_start3A_603 = arith.constant 0 : i32
      %dma_start3A_604 = arith.constant 512 : i32
      %dma_start3A_605 = tpu.memref_slice %arg12[%dma_start3A_603, %dma_start3A_604] : memref<16x4096xf32, #tpu.memory_space<vmem>> -> memref<16x512xf32, #tpu.memory_space<vmem>>
      %dma_start3A_606 = arith.constant 512 : i32
      %dma_start3A_607 = tpu.memref_slice %arg3[%add3A_588, %dma_start3A_606] : memref<4096x4096xf32, #tpu.memory_space<hbm>> -> memref<16x512xf32, #tpu.memory_space<hbm>>
      %dma_start3A_608 = tpu.memref_slice %arg19[%dma_start3A_602] : memref<3x!tpu.dma_semaphore, #tpu.memory_space<semaphore_mem>> -> memref<1x!tpu.dma_semaphore, #tpu.memory_space<semaphore_mem>>
      %dma_start3A_609 = tpu.memref_squeeze %dma_start3A_608 : memref<1x!tpu.dma_semaphore, #tpu.memory_space<semaphore_mem>> -> memref<!tpu.dma_semaphore, #tpu.memory_space<semaphore_mem>>
      %dma_start3A_610 = arith.constant 0 : i32
      %dma_start3A_611 = arith.constant 512 : i32
      %dma_start3A_612 = tpu.memref_slice %arg12[%dma_start3A_610, %dma_start3A_611] : memref<16x4096xf32, #tpu.memory_space<vmem>> -> memref<16x512xf32, #tpu.memory_space<vmem>>
      %dma_start3A_613 = arith.constant 512 : i32
      %dma_start3A_614 = tpu.memref_slice %arg3[%add3A_588, %dma_start3A_613] : memref<4096x4096xf32, #tpu.memory_space<hbm>> -> memref<16x512xf32, #tpu.memory_space<hbm>>
      tpu.enqueue_dma source(%dma_start3A_614 : memref<16x512xf32, #tpu.memory_space<hbm>>) target(%dma_start3A_612 : memref<16x512xf32, #tpu.memory_space<vmem>>) target_semaphore(%dma_start3A_609 : memref<!tpu.dma_semaphore, #tpu.memory_space<semaphore_mem>>)
      %dma_start3A_615 = arith.constant 0 : i32
      %dma_start3A_616 = arith.constant 0 : i32
      %dma_start3A_617 = arith.constant 1024 : i32
      %dma_start3A_618 = tpu.memref_slice %arg12[%dma_start3A_616, %dma_start3A_617] : memref<16x4096xf32, #tpu.memory_space<vmem>> -> memref<16x512xf32, #tpu.memory_space<vmem>>
      %dma_start3A_619 = arith.constant 1024 : i32
      %dma_start3A_620 = tpu.memref_slice %arg3[%add3A_588, %dma_start3A_619] : memref<4096x4096xf32, #tpu.memory_space<hbm>> -> memref<16x512xf32, #tpu.memory_space<hbm>>
      %dma_start3A_621 = tpu.memref_slice %arg19[%dma_start3A_615] : memref<3x!tpu.dma_semaphore, #tpu.memory_space<semaphore_mem>> -> memref<1x!tpu.dma_semaphore, #tpu.memory_space<semaphore_mem>>
      %dma_start3A_622 = tpu.memref_squeeze %dma_start3A_621 : memref<1x!tpu.dma_semaphore, #tpu.memory_space<semaphore_mem>> -> memref<!tpu.dma_semaphore, #tpu.memory_space<semaphore_mem>>
      %dma_start3A_623 = arith.constant 0 : i32
      %dma_start3A_624 = arith.constant 1024 : i32
      %dma_start3A_625 = tpu.memref_slice %arg12[%dma_start3A_623, %dma_start3A_624] : memref<16x4096xf32, #tpu.memory_space<vmem>> -> memref<16x512xf32, #tpu.memory_space<vmem>>
      %dma_start3A_626 = arith.constant 1024 : i32
      %dma_start3A_627 = tpu.memref_slice %arg3[%add3A_588, %dma_start3A_626] : memref<4096x4096xf32, #tpu.memory_space<hbm>> -> memref<16x512xf32, #tpu.memory_space<hbm>>
      tpu.enqueue_dma source(%dma_start3A_627 : memref<16x512xf32, #tpu.memory_space<hbm>>) target(%dma_start3A_625 : memref<16x512xf32, #tpu.memory_space<vmem>>) target_semaphore(%dma_start3A_622 : memref<!tpu.dma_semaphore, #tpu.memory_space<semaphore_mem>>)
      %dma_start3A_628 = arith.constant 0 : i32
      %dma_start3A_629 = arith.constant 0 : i32
      %dma_start3A_630 = arith.constant 1536 : i32
      %dma_start3A_631 = tpu.memref_slice %arg12[%dma_start3A_629, %dma_start3A_630] : memref<16x4096xf32, #tpu.memory_space<vmem>> -> memref<16x512xf32, #tpu.memory_space<vmem>>
      %dma_start3A_632 = arith.constant 1536 : i32
      %dma_start3A_633 = tpu.memref_slice %arg3[%add3A_588, %dma_start3A_632] : memref<4096x4096xf32, #tpu.memory_space<hbm>> -> memref<16x512xf32, #tpu.memory_space<hbm>>
      %dma_start3A_634 = tpu.memref_slice %arg19[%dma_start3A_628] : memref<3x!tpu.dma_semaphore, #tpu.memory_space<semaphore_mem>> -> memref<1x!tpu.dma_semaphore, #tpu.memory_space<semaphore_mem>>
      %dma_start3A_635 = tpu.memref_squeeze %dma_start3A_634 : memref<1x!tpu.dma_semaphore, #tpu.memory_space<semaphore_mem>> -> memref<!tpu.dma_semaphore, #tpu.memory_space<semaphore_mem>>
      %dma_start3A_636 = arith.constant 0 : i32
      %dma_start3A_637 = arith.constant 1536 : i32
      %dma_start3A_638 = tpu.memref_slice %arg12[%dma_start3A_636, %dma_start3A_637] : memref<16x4096xf32, #tpu.memory_space<vmem>> -> memref<16x512xf32, #tpu.memory_space<vmem>>
      %dma_start3A_639 = arith.constant 1536 : i32
      %dma_start3A_640 = tpu.memref_slice %arg3[%add3A_588, %dma_start3A_639] : memref<4096x4096xf32, #tpu.memory_space<hbm>> -> memref<16x512xf32, #tpu.memory_space<hbm>>
      tpu.enqueue_dma source(%dma_start3A_640 : memref<16x512xf32, #tpu.memory_space<hbm>>) target(%dma_start3A_638 : memref<16x512xf32, #tpu.memory_space<vmem>>) target_semaphore(%dma_start3A_635 : memref<!tpu.dma_semaphore, #tpu.memory_space<semaphore_mem>>)
      %dma_start3A_641 = arith.constant 0 : i32
      %dma_start3A_642 = arith.constant 0 : i32
      %dma_start3A_643 = arith.constant 2048 : i32
      %dma_start3A_644 = tpu.memref_slice %arg12[%dma_start3A_642, %dma_start3A_643] : memref<16x4096xf32, #tpu.memory_space<vmem>> -> memref<16x512xf32, #tpu.memory_space<vmem>>
      %dma_start3A_645 = arith.constant 2048 : i32
      %dma_start3A_646 = tpu.memref_slice %arg3[%add3A_588, %dma_start3A_645] : memref<4096x4096xf32, #tpu.memory_space<hbm>> -> memref<16x512xf32, #tpu.memory_space<hbm>>
      %dma_start3A_647 = tpu.memref_slice %arg19[%dma_start3A_641] : memref<3x!tpu.dma_semaphore, #tpu.memory_space<semaphore_mem>> -> memref<1x!tpu.dma_semaphore, #tpu.memory_space<semaphore_mem>>
      %dma_start3A_648 = tpu.memref_squeeze %dma_start3A_647 : memref<1x!tpu.dma_semaphore, #tpu.memory_space<semaphore_mem>> -> memref<!tpu.dma_semaphore, #tpu.memory_space<semaphore_mem>>
      %dma_start3A_649 = arith.constant 0 : i32
      %dma_start3A_650 = arith.constant 2048 : i32
      %dma_start3A_651 = tpu.memref_slice %arg12[%dma_start3A_649, %dma_start3A_650] : memref<16x4096xf32, #tpu.memory_space<vmem>> -> memref<16x512xf32, #tpu.memory_space<vmem>>
      %dma_start3A_652 = arith.constant 2048 : i32
      %dma_start3A_653 = tpu.memref_slice %arg3[%add3A_588, %dma_start3A_652] : memref<4096x4096xf32, #tpu.memory_space<hbm>> -> memref<16x512xf32, #tpu.memory_space<hbm>>
      tpu.enqueue_dma source(%dma_start3A_653 : memref<16x512xf32, #tpu.memory_space<hbm>>) target(%dma_start3A_651 : memref<16x512xf32, #tpu.memory_space<vmem>>) target_semaphore(%dma_start3A_648 : memref<!tpu.dma_semaphore, #tpu.memory_space<semaphore_mem>>)
      %dma_start3A_654 = arith.constant 0 : i32
      %dma_start3A_655 = arith.constant 0 : i32
      %dma_start3A_656 = arith.constant 2560 : i32
      %dma_start3A_657 = tpu.memref_slice %arg12[%dma_start3A_655, %dma_start3A_656] : memref<16x4096xf32, #tpu.memory_space<vmem>> -> memref<16x512xf32, #tpu.memory_space<vmem>>
      %dma_start3A_658 = arith.constant 2560 : i32
      %dma_start3A_659 = tpu.memref_slice %arg3[%add3A_588, %dma_start3A_658] : memref<4096x4096xf32, #tpu.memory_space<hbm>> -> memref<16x512xf32, #tpu.memory_space<hbm>>
      %dma_start3A_660 = tpu.memref_slice %arg19[%dma_start3A_654] : memref<3x!tpu.dma_semaphore, #tpu.memory_space<semaphore_mem>> -> memref<1x!tpu.dma_semaphore, #tpu.memory_space<semaphore_mem>>
      %dma_start3A_661 = tpu.memref_squeeze %dma_start3A_660 : memref<1x!tpu.dma_semaphore, #tpu.memory_space<semaphore_mem>> -> memref<!tpu.dma_semaphore, #tpu.memory_space<semaphore_mem>>
      %dma_start3A_662 = arith.constant 0 : i32
      %dma_start3A_663 = arith.constant 2560 : i32
      %dma_start3A_664 = tpu.memref_slice %arg12[%dma_start3A_662, %dma_start3A_663] : memref<16x4096xf32, #tpu.memory_space<vmem>> -> memref<16x512xf32, #tpu.memory_space<vmem>>
      %dma_start3A_665 = arith.constant 2560 : i32
      %dma_start3A_666 = tpu.memref_slice %arg3[%add3A_588, %dma_start3A_665] : memref<4096x4096xf32, #tpu.memory_space<hbm>> -> memref<16x512xf32, #tpu.memory_space<hbm>>
      tpu.enqueue_dma source(%dma_start3A_666 : memref<16x512xf32, #tpu.memory_space<hbm>>) target(%dma_start3A_664 : memref<16x512xf32, #tpu.memory_space<vmem>>) target_semaphore(%dma_start3A_661 : memref<!tpu.dma_semaphore, #tpu.memory_space<semaphore_mem>>)
      %dma_start3A_667 = arith.constant 0 : i32
      %dma_start3A_668 = arith.constant 0 : i32
      %dma_start3A_669 = arith.constant 3072 : i32
      %dma_start3A_670 = tpu.memref_slice %arg12[%dma_start3A_668, %dma_start3A_669] : memref<16x4096xf32, #tpu.memory_space<vmem>> -> memref<16x512xf32, #tpu.memory_space<vmem>>
      %dma_start3A_671 = arith.constant 3072 : i32
      %dma_start3A_672 = tpu.memref_slice %arg3[%add3A_588, %dma_start3A_671] : memref<4096x4096xf32, #tpu.memory_space<hbm>> -> memref<16x512xf32, #tpu.memory_space<hbm>>
      %dma_start3A_673 = tpu.memref_slice %arg19[%dma_start3A_667] : memref<3x!tpu.dma_semaphore, #tpu.memory_space<semaphore_mem>> -> memref<1x!tpu.dma_semaphore, #tpu.memory_space<semaphore_mem>>
      %dma_start3A_674 = tpu.memref_squeeze %dma_start3A_673 : memref<1x!tpu.dma_semaphore, #tpu.memory_space<semaphore_mem>> -> memref<!tpu.dma_semaphore, #tpu.memory_space<semaphore_mem>>
      %dma_start3A_675 = arith.constant 0 : i32
      %dma_start3A_676 = arith.constant 3072 : i32
      %dma_start3A_677 = tpu.memref_slice %arg12[%dma_start3A_675, %dma_start3A_676] : memref<16x4096xf32, #tpu.memory_space<vmem>> -> memref<16x512xf32, #tpu.memory_space<vmem>>
      %dma_start3A_678 = arith.constant 3072 : i32
      %dma_start3A_679 = tpu.memref_slice %arg3[%add3A_588, %dma_start3A_678] : memref<4096x4096xf32, #tpu.memory_space<hbm>> -> memref<16x512xf32, #tpu.memory_space<hbm>>
      tpu.enqueue_dma source(%dma_start3A_679 : memref<16x512xf32, #tpu.memory_space<hbm>>) target(%dma_start3A_677 : memref<16x512xf32, #tpu.memory_space<vmem>>) target_semaphore(%dma_start3A_674 : memref<!tpu.dma_semaphore, #tpu.memory_space<semaphore_mem>>)
      %dma_start3A_680 = arith.constant 0 : i32
      %dma_start3A_681 = arith.constant 0 : i32
      %dma_start3A_682 = arith.constant 3584 : i32
      %dma_start3A_683 = tpu.memref_slice %arg12[%dma_start3A_681, %dma_start3A_682] : memref<16x4096xf32, #tpu.memory_space<vmem>> -> memref<16x512xf32, #tpu.memory_space<vmem>>
      %dma_start3A_684 = arith.constant 3584 : i32
      %dma_start3A_685 = tpu.memref_slice %arg3[%add3A_588, %dma_start3A_684] : memref<4096x4096xf32, #tpu.memory_space<hbm>> -> memref<16x512xf32, #tpu.memory_space<hbm>>
      %dma_start3A_686 = tpu.memref_slice %arg19[%dma_start3A_680] : memref<3x!tpu.dma_semaphore, #tpu.memory_space<semaphore_mem>> -> memref<1x!tpu.dma_semaphore, #tpu.memory_space<semaphore_mem>>
      %dma_start3A_687 = tpu.memref_squeeze %dma_start3A_686 : memref<1x!tpu.dma_semaphore, #tpu.memory_space<semaphore_mem>> -> memref<!tpu.dma_semaphore, #tpu.memory_space<semaphore_mem>>
      %dma_start3A_688 = arith.constant 0 : i32
      %dma_start3A_689 = arith.constant 3584 : i32
      %dma_start3A_690 = tpu.memref_slice %arg12[%dma_start3A_688, %dma_start3A_689] : memref<16x4096xf32, #tpu.memory_space<vmem>> -> memref<16x512xf32, #tpu.memory_space<vmem>>
      %dma_start3A_691 = arith.constant 3584 : i32
      %dma_start3A_692 = tpu.memref_slice %arg3[%add3A_588, %dma_start3A_691] : memref<4096x4096xf32, #tpu.memory_space<hbm>> -> memref<16x512xf32, #tpu.memory_space<hbm>>
      tpu.enqueue_dma source(%dma_start3A_692 : memref<16x512xf32, #tpu.memory_space<hbm>>) target(%dma_start3A_690 : memref<16x512xf32, #tpu.memory_space<vmem>>) target_semaphore(%dma_start3A_687 : memref<!tpu.dma_semaphore, #tpu.memory_space<semaphore_mem>>)
      %scan3A_693 = arith.constant 0 : i32
      %scan3A_694 = arith.constant 0 : i32
      %scan3A_695 = arith.constant 8 : i32
      %scan3A_696 = arith.addi %scan3A_694, %scan3A_695 : i32
      %scan3A_697 = arith.constant 1 : i32
      scf.for %scan3A_803 = %scan3A_694 to %scan3A_696 step %scan3A_697  : i32 {
        %mul3A_804 = arith.constant 512 : i32
        %mul3A_805 = arith.muli %scan3A_803, %mul3A_804 : i32
        %mul3A_806 = arith.constant 512 : i32
        %mul3A_807 = arith.muli %scan3A_803, %mul3A_806 : i32
        %dma_wait3A = arith.constant 0 : i32
        %dma_wait3A_808 = arith.constant 0 : i32
        %dma_wait3A_809 = tpu.memref_slice %arg12[%dma_wait3A_808, %mul3A_807] : memref<16x4096xf32, #tpu.memory_space<vmem>> -> memref<16x512xf32, #tpu.memory_space<vmem>>
        %dma_wait3A_810 = tpu.memref_slice %arg3[%add3A_588, %mul3A_805] : memref<4096x4096xf32, #tpu.memory_space<hbm>> -> memref<16x512xf32, #tpu.memory_space<hbm>>
        %dma_wait3A_811 = tpu.memref_slice %arg19[%dma_wait3A] : memref<3x!tpu.dma_semaphore, #tpu.memory_space<semaphore_mem>> -> memref<1x!tpu.dma_semaphore, #tpu.memory_space<semaphore_mem>>
        %dma_wait3A_812 = tpu.memref_squeeze %dma_wait3A_811 : memref<1x!tpu.dma_semaphore, #tpu.memory_space<semaphore_mem>> -> memref<!tpu.dma_semaphore, #tpu.memory_space<semaphore_mem>>
        %dma_wait3A_813 = arith.constant 0 : i32
        %dma_wait3A_814 = tpu.memref_slice %arg12[%dma_wait3A_813, %mul3A_807] : memref<16x4096xf32, #tpu.memory_space<vmem>> -> memref<16x512xf32, #tpu.memory_space<vmem>>
        %dma_wait3A_815 = tpu.memref_slice %arg3[%add3A_588, %mul3A_805] : memref<4096x4096xf32, #tpu.memory_space<hbm>> -> memref<16x512xf32, #tpu.memory_space<hbm>>
        tpu.wait_dma2 semaphore(%dma_wait3A_812 : memref<!tpu.dma_semaphore, #tpu.memory_space<semaphore_mem>>) src(%dma_wait3A_815 : memref<16x512xf32, #tpu.memory_space<hbm>>) dst(%dma_wait3A_814 : memref<16x512xf32, #tpu.memory_space<vmem>>)
        %scan3A_816 = arith.constant 0 : i32
        %scan3A_817 = arith.constant 0 : i32
        %scan3A_818 = arith.constant 16 : i32
        %scan3A_819 = arith.addi %scan3A_817, %scan3A_818 : i32
        %scan3A_820 = arith.constant 1 : i32
        scf.for %scan3A_822 = %scan3A_817 to %scan3A_819 step %scan3A_820  : i32 {
          %scan3A_823 = arith.constant 0 : i32
          %scan3A_824 = arith.constant 0 : i32
          %scan3A_825 = arith.constant 4 : i32
          %scan3A_826 = arith.addi %scan3A_824, %scan3A_825 : i32
          %scan3A_827 = arith.constant 1 : i32
          scf.for %scan3A_829 = %scan3A_824 to %scan3A_826 step %scan3A_827  : i32 {
            %mul3A_830 = arith.constant 512 : i32
            %mul3A_831 = arith.muli %scan3A_803, %mul3A_830 : i32
            %mul3A_832 = arith.constant 128 : i32
            %mul3A_833 = arith.muli %scan3A_829, %mul3A_832 : i32
            %add3A_834 = arith.addi %mul3A_831, %mul3A_833 : i32
            %get3A = arith.index_cast %scan3A_822 : i32 to index
            %get3A_835 = arith.index_cast %add3A_834 : i32 to index
            %get3A_836 = tpu.vector_load %arg12[%get3A, %get3A_835] {strides = array<i32>} : memref<16x4096xf32, #tpu.memory_space<vmem>>, vector<16xf32>,
            %add3A_837 = arith.constant 16 : i32
            %add3A_838 = arith.addi %add3A_834, %add3A_837 : i32
            %get3A_839 = arith.index_cast %scan3A_822 : i32 to index
            %get3A_840 = arith.index_cast %add3A_838 : i32 to index
            %get3A_841 = tpu.vector_load %arg12[%get3A_839, %get3A_840] {strides = array<i32>} : memref<16x4096xf32, #tpu.memory_space<vmem>>, vector<16xf32>,
            %min3A_842 = arith.minimumf %get3A_836, %get3A_841 : vector<16xf32>
            %add3A_843 = arith.constant 32 : i32
            %add3A_844 = arith.addi %add3A_834, %add3A_843 : i32
            %get3A_845 = arith.index_cast %scan3A_822 : i32 to index
            %get3A_846 = arith.index_cast %add3A_844 : i32 to index
            %get3A_847 = tpu.vector_load %arg12[%get3A_845, %get3A_846] {strides = array<i32>} : memref<16x4096xf32, #tpu.memory_space<vmem>>, vector<16xf32>,
            %add3A_848 = arith.constant 48 : i32
            %add3A_849 = arith.addi %add3A_834, %add3A_848 : i32
            %get3A_850 = arith.index_cast %scan3A_822 : i32 to index
            %get3A_851 = arith.index_cast %add3A_849 : i32 to index
            %get3A_852 = tpu.vector_load %arg12[%get3A_850, %get3A_851] {strides = array<i32>} : memref<16x4096xf32, #tpu.memory_space<vmem>>, vector<16xf32>,
            %min3A_853 = arith.minimumf %get3A_847, %get3A_852 : vector<16xf32>
            %add3A_854 = arith.constant 64 : i32
            %add3A_855 = arith.addi %add3A_834, %add3A_854 : i32
            %get3A_856 = arith.index_cast %scan3A_822 : i32 to index
            %get3A_857 = arith.index_cast %add3A_855 : i32 to index
            %get3A_858 = tpu.vector_load %arg12[%get3A_856, %get3A_857] {strides = array<i32>} : memref<16x4096xf32, #tpu.memory_space<vmem>>, vector<16xf32>,
            %add3A_859 = arith.constant 80 : i32
            %add3A_860 = arith.addi %add3A_834, %add3A_859 : i32
            %get3A_861 = arith.index_cast %scan3A_822 : i32 to index
            %get3A_862 = arith.index_cast %add3A_860 : i32 to index
            %get3A_863 = tpu.vector_load %arg12[%get3A_861, %get3A_862] {strides = array<i32>} : memref<16x4096xf32, #tpu.memory_space<vmem>>, vector<16xf32>,
            %min3A_864 = arith.minimumf %get3A_858, %get3A_863 : vector<16xf32>
            %add3A_865 = arith.constant 96 : i32
            %add3A_866 = arith.addi %add3A_834, %add3A_865 : i32
            %get3A_867 = arith.index_cast %scan3A_822 : i32 to index
            %get3A_868 = arith.index_cast %add3A_866 : i32 to index
            %get3A_869 = tpu.vector_load %arg12[%get3A_867, %get3A_868] {strides = array<i32>} : memref<16x4096xf32, #tpu.memory_space<vmem>>, vector<16xf32>,
            %add3A_870 = arith.constant 112 : i32
            %add3A_871 = arith.addi %add3A_834, %add3A_870 : i32
            %get3A_872 = arith.index_cast %scan3A_822 : i32 to index
            %get3A_873 = arith.index_cast %add3A_871 : i32 to index
            %get3A_874 = tpu.vector_load %arg12[%get3A_872, %get3A_873] {strides = array<i32>} : memref<16x4096xf32, #tpu.memory_space<vmem>>, vector<16xf32>,
            %min3A_875 = arith.minimumf %get3A_869, %get3A_874 : vector<16xf32>
            %min3A_876 = arith.minimumf %min3A_842, %min3A_853 : vector<16xf32>
            %min3A_877 = arith.minimumf %min3A_864, %min3A_875 : vector<16xf32>
            %min3A_878 = arith.minimumf %min3A_876, %min3A_877 : vector<16xf32>
            %xor3A_879 = arith.constant 8 : i32
            %xor3A_880 = vector.broadcast %xor3A_879 : i32 to vector<16xi32>
            %xor3A_881 = arith.xori %iota3A, %xor3A_880 : vector<16xi32>
            %lt3A_882 = arith.constant 0 : i32
            %lt3A_883 = vector.broadcast %lt3A_882 : i32 to vector<16xi32>
            %lt3A_884 = arith.cmpi slt, %xor3A_881, %lt3A_883 : vector<16xi32>
            %add3A_885 = arith.constant 16 : i32
            %add3A_886 = vector.broadcast %add3A_885 : i32 to vector<16xi32>
            %add3A_887 = arith.addi %xor3A_881, %add3A_886 : vector<16xi32>
            %select_n3A_888 = arith.select %lt3A_884, %add3A_887, %xor3A_881 : vector<16xi1>, vector<16xi32>
            %broadcast_in_dim3A_889 = vector.shape_cast %select_n3A_888 : vector<16xi32> to vector<16x1xi32>
            %gather3A_890 = vector.shape_cast %broadcast_in_dim3A_889 : vector<16x1xi32> to vector<16xi32>
            %gather3A_891 = tpu.dynamic_gather %min3A_878[%gather3A_890] in [0] : vector<16xf32>, vector<16xi32> -> vector<16xf32>
            %min3A_892 = arith.minimumf %min3A_878, %gather3A_891 : vector<16xf32>
            %xor3A_893 = arith.constant 4 : i32
            %xor3A_894 = vector.broadcast %xor3A_893 : i32 to vector<16xi32>
            %xor3A_895 = arith.xori %iota3A, %xor3A_894 : vector<16xi32>
            %lt3A_896 = arith.constant 0 : i32
            %lt3A_897 = vector.broadcast %lt3A_896 : i32 to vector<16xi32>
            %lt3A_898 = arith.cmpi slt, %xor3A_895, %lt3A_897 : vector<16xi32>
            %add3A_899 = arith.constant 16 : i32
            %add3A_900 = vector.broadcast %add3A_899 : i32 to vector<16xi32>
            %add3A_901 = arith.addi %xor3A_895, %add3A_900 : vector<16xi32>
            %select_n3A_902 = arith.select %lt3A_898, %add3A_901, %xor3A_895 : vector<16xi1>, vector<16xi32>
            %broadcast_in_dim3A_903 = vector.shape_cast %select_n3A_902 : vector<16xi32> to vector<16x1xi32>
            %gather3A_904 = vector.shape_cast %broadcast_in_dim3A_903 : vector<16x1xi32> to vector<16xi32>
            %gather3A_905 = tpu.dynamic_gather %min3A_892[%gather3A_904] in [0] : vector<16xf32>, vector<16xi32> -> vector<16xf32>
            %min3A_906 = arith.minimumf %min3A_892, %gather3A_905 : vector<16xf32>
            %xor3A_907 = arith.constant 2 : i32
            %xor3A_908 = vector.broadcast %xor3A_907 : i32 to vector<16xi32>
            %xor3A_909 = arith.xori %iota3A, %xor3A_908 : vector<16xi32>
            %lt3A_910 = arith.constant 0 : i32
            %lt3A_911 = vector.broadcast %lt3A_910 : i32 to vector<16xi32>
            %lt3A_912 = arith.cmpi slt, %xor3A_909, %lt3A_911 : vector<16xi32>
            %add3A_913 = arith.constant 16 : i32
            %add3A_914 = vector.broadcast %add3A_913 : i32 to vector<16xi32>
            %add3A_915 = arith.addi %xor3A_909, %add3A_914 : vector<16xi32>
            %select_n3A_916 = arith.select %lt3A_912, %add3A_915, %xor3A_909 : vector<16xi1>, vector<16xi32>
            %broadcast_in_dim3A_917 = vector.shape_cast %select_n3A_916 : vector<16xi32> to vector<16x1xi32>
            %gather3A_918 = vector.shape_cast %broadcast_in_dim3A_917 : vector<16x1xi32> to vector<16xi32>
            %gather3A_919 = tpu.dynamic_gather %min3A_906[%gather3A_918] in [0] : vector<16xf32>, vector<16xi32> -> vector<16xf32>
            %min3A_920 = arith.minimumf %min3A_906, %gather3A_919 : vector<16xf32>
            %xor3A_921 = arith.constant 1 : i32
            %xor3A_922 = vector.broadcast %xor3A_921 : i32 to vector<16xi32>
            %xor3A_923 = arith.xori %iota3A, %xor3A_922 : vector<16xi32>
            %lt3A_924 = arith.constant 0 : i32
            %lt3A_925 = vector.broadcast %lt3A_924 : i32 to vector<16xi32>
            %lt3A_926 = arith.cmpi slt, %xor3A_923, %lt3A_925 : vector<16xi32>
            %add3A_927 = arith.constant 16 : i32
            %add3A_928 = vector.broadcast %add3A_927 : i32 to vector<16xi32>
            %add3A_929 = arith.addi %xor3A_923, %add3A_928 : vector<16xi32>
            %select_n3A_930 = arith.select %lt3A_926, %add3A_929, %xor3A_923 : vector<16xi1>, vector<16xi32>
            %broadcast_in_dim3A_931 = vector.shape_cast %select_n3A_930 : vector<16xi32> to vector<16x1xi32>
            %gather3A_932 = vector.shape_cast %broadcast_in_dim3A_931 : vector<16x1xi32> to vector<16xi32>
            %gather3A_933 = tpu.dynamic_gather %min3A_920[%gather3A_932] in [0] : vector<16xf32>, vector<16xi32> -> vector<16xf32>
            %min3A_934 = arith.minimumf %min3A_920, %gather3A_933 : vector<16xf32>
            %mul3A_935 = arith.constant 4 : i32
            %mul3A_936 = arith.muli %scan3A_803, %mul3A_935 : i32
            %add3A_937 = arith.addi %mul3A_936, %scan3A_829 : i32
            %broadcast_in_dim3A_938 = vector.broadcast %add3A_937 : i32 to vector<16xi32>
            %eq3A_939 = vector.broadcast %scan3A_822 : i32 to vector<16xi32>
            %eq3A_940 = arith.cmpi eq, %iota3A, %eq3A_939 : vector<16xi32>
            tpu.vector_store_idx %arg13[%broadcast_in_dim3A_938, %iota3A], %min3A_934 masked %eq3A_940 : memref<32x16xf32, #tpu.memory_space<vmem>>[vector<16xi32>, vector<16xi32>], vector<16xf32>, vector<16xi1>
          }
          %scan3A_828 = arith.constant 4 : i32
        }
        %scan3A_821 = arith.constant 16 : i32
      }
      %scan3A_698 = arith.constant 8 : i32
      %scan3A_699 = arith.constant 0 : i32
      %scan3A_700 = arith.constant 32 : i32
      %scan3A_701 = arith.addi %scan3A_699, %scan3A_700 : i32
      %scan3A_702 = arith.constant 1 : i32
      %scan3A_703:8 = scf.for %scan3A_803 = %scan3A_699 to %scan3A_701 step %scan3A_702 iter_args(%scan3A_804 = %broadcast_in_dim3A_3, %scan3A_805 = %broadcast_in_dim3A_5, %scan3A_806 = %broadcast_in_dim3A_3, %scan3A_807 = %broadcast_in_dim3A_5, %scan3A_808 = %broadcast_in_dim3A_3, %scan3A_809 = %broadcast_in_dim3A_5, %scan3A_810 = %broadcast_in_dim3A_3, %scan3A_811 = %broadcast_in_dim3A_5) -> (vector<16xf32>, vector<16xi32>, vector<16xf32>, vector<16xi32>, vector<16xf32>, vector<16xi32>, vector<16xf32>, vector<16xi32>)  : i32 {
        %get3A = arith.index_cast %scan3A_803 : i32 to index
        %get3A_812 = arith.constant 0 : index
        %get3A_813 = tpu.vector_load %arg13[%get3A, %get3A_812] {strides = array<i32>} : memref<32x16xf32, #tpu.memory_space<vmem>>, vector<16xf32>,
        %broadcast_in_dim3A_814 = vector.broadcast %scan3A_803 : i32 to vector<16xi32>
        %lt3A_815 = arith.cmpf olt, %get3A_813, %scan3A_804 : vector<16xf32>
        %lt3A_816 = arith.cmpf olt, %get3A_813, %scan3A_806 : vector<16xf32>
        %lt3A_817 = arith.cmpf olt, %get3A_813, %scan3A_808 : vector<16xf32>
        %lt3A_818 = arith.cmpf olt, %get3A_813, %scan3A_810 : vector<16xf32>
        %select_n3A_819 = arith.select %lt3A_817, %scan3A_808, %get3A_813 : vector<16xi1>, vector<16xf32>
        %select_n3A_820 = arith.select %lt3A_818, %select_n3A_819, %scan3A_810 : vector<16xi1>, vector<16xf32>
        %select_n3A_821 = arith.select %lt3A_817, %scan3A_809, %broadcast_in_dim3A_814 : vector<16xi1>, vector<16xi32>
        %select_n3A_822 = arith.select %lt3A_818, %select_n3A_821, %scan3A_811 : vector<16xi1>, vector<16xi32>
        %select_n3A_823 = arith.select %lt3A_816, %scan3A_806, %get3A_813 : vector<16xi1>, vector<16xf32>
        %select_n3A_824 = arith.select %lt3A_817, %select_n3A_823, %scan3A_808 : vector<16xi1>, vector<16xf32>
        %select_n3A_825 = arith.select %lt3A_816, %scan3A_807, %broadcast_in_dim3A_814 : vector<16xi1>, vector<16xi32>
        %select_n3A_826 = arith.select %lt3A_817, %select_n3A_825, %scan3A_809 : vector<16xi1>, vector<16xi32>
        %select_n3A_827 = arith.select %lt3A_815, %scan3A_804, %get3A_813 : vector<16xi1>, vector<16xf32>
        %select_n3A_828 = arith.select %lt3A_816, %select_n3A_827, %scan3A_806 : vector<16xi1>, vector<16xf32>
        %select_n3A_829 = arith.select %lt3A_815, %scan3A_805, %broadcast_in_dim3A_814 : vector<16xi1>, vector<16xi32>
        %select_n3A_830 = arith.select %lt3A_816, %select_n3A_829, %scan3A_807 : vector<16xi1>, vector<16xi32>
        %select_n3A_831 = arith.select %lt3A_815, %get3A_813, %scan3A_804 : vector<16xi1>, vector<16xf32>
        %select_n3A_832 = arith.select %lt3A_815, %broadcast_in_dim3A_814, %scan3A_805 : vector<16xi1>, vector<16xi32>
        scf.yield %select_n3A_831, %select_n3A_832, %select_n3A_828, %select_n3A_830, %select_n3A_824, %select_n3A_826, %select_n3A_820, %select_n3A_822 : vector<16xf32>, vector<16xi32>, vector<16xf32>, vector<16xi32>, vector<16xf32>, vector<16xi32>, vector<16xf32>, vector<16xi32>
      }
      %scan3A_704 = arith.constant 32 : i32
      %min3A_705 = arith.minsi %scan3A_703#1, %scan3A_703#3 : vector<16xi32>
      %max3A_706 = arith.maxsi %scan3A_703#1, %scan3A_703#3 : vector<16xi32>
      %min3A_707 = arith.minsi %scan3A_703#5, %scan3A_703#7 : vector<16xi32>
      %max3A_708 = arith.maxsi %scan3A_703#5, %scan3A_703#7 : vector<16xi32>
      %min3A_709 = arith.minsi %min3A_705, %min3A_707 : vector<16xi32>
      %max3A_710 = arith.maxsi %min3A_705, %min3A_707 : vector<16xi32>
      %min3A_711 = arith.minsi %max3A_706, %max3A_708 : vector<16xi32>
      %max3A_712 = arith.maxsi %max3A_706, %max3A_708 : vector<16xi32>
      %min3A_713 = arith.minsi %min3A_711, %max3A_710 : vector<16xi32>
      %max3A_714 = arith.maxsi %min3A_711, %max3A_710 : vector<16xi32>
      %mul3A_715 = arith.constant 128 : i32
      %mul3A_716 = vector.broadcast %mul3A_715 : i32 to vector<16xi32>
      %mul3A_717 = arith.muli %min3A_709, %mul3A_716 : vector<16xi32>
      %scan3A_718 = arith.constant 0 : i32
      %scan3A_719 = arith.constant 128 : i32
      %scan3A_720 = arith.addi %scan3A_718, %scan3A_719 : i32
      %scan3A_721 = arith.constant 1 : i32
      %scan3A_722:8 = scf.for %scan3A_803 = %scan3A_718 to %scan3A_720 step %scan3A_721 iter_args(%scan3A_804 = %broadcast_in_dim3A_3, %scan3A_805 = %broadcast_in_dim3A_5, %scan3A_806 = %broadcast_in_dim3A_3, %scan3A_807 = %broadcast_in_dim3A_5, %scan3A_808 = %broadcast_in_dim3A_3, %scan3A_809 = %broadcast_in_dim3A_5, %scan3A_810 = %broadcast_in_dim3A_3, %scan3A_811 = %broadcast_in_dim3A_5) -> (vector<16xf32>, vector<16xi32>, vector<16xf32>, vector<16xi32>, vector<16xf32>, vector<16xi32>, vector<16xf32>, vector<16xi32>)  : i32 {
        %add3A_812 = vector.broadcast %scan3A_803 : i32 to vector<16xi32>
        %add3A_813 = arith.addi %mul3A_717, %add3A_812 : vector<16xi32>
        %gather3A_814 = tpu.vector_load_idx %arg12[%iota3A, %add3A_813] : memref<16x4096xf32, #tpu.memory_space<vmem>>[vector<16xi32>, vector<16xi32>], vector<16xf32>,
        %lt3A_815 = arith.cmpf olt, %gather3A_814, %scan3A_804 : vector<16xf32>
        %lt3A_816 = arith.cmpf olt, %gather3A_814, %scan3A_806 : vector<16xf32>
        %lt3A_817 = arith.cmpf olt, %gather3A_814, %scan3A_808 : vector<16xf32>
        %lt3A_818 = arith.cmpf olt, %gather3A_814, %scan3A_810 : vector<16xf32>
        %select_n3A_819 = arith.select %lt3A_817, %scan3A_808, %gather3A_814 : vector<16xi1>, vector<16xf32>
        %select_n3A_820 = arith.select %lt3A_818, %select_n3A_819, %scan3A_810 : vector<16xi1>, vector<16xf32>
        %select_n3A_821 = arith.select %lt3A_817, %scan3A_809, %add3A_813 : vector<16xi1>, vector<16xi32>
        %select_n3A_822 = arith.select %lt3A_818, %select_n3A_821, %scan3A_811 : vector<16xi1>, vector<16xi32>
        %select_n3A_823 = arith.select %lt3A_816, %scan3A_806, %gather3A_814 : vector<16xi1>, vector<16xf32>
        %select_n3A_824 = arith.select %lt3A_817, %select_n3A_823, %scan3A_808 : vector<16xi1>, vector<16xf32>
        %select_n3A_825 = arith.select %lt3A_816, %scan3A_807, %add3A_813 : vector<16xi1>, vector<16xi32>
        %select_n3A_826 = arith.select %lt3A_817, %select_n3A_825, %scan3A_809 : vector<16xi1>, vector<16xi32>
        %select_n3A_827 = arith.select %lt3A_815, %scan3A_804, %gather3A_814 : vector<16xi1>, vector<16xf32>
        %select_n3A_828 = arith.select %lt3A_816, %select_n3A_827, %scan3A_806 : vector<16xi1>, vector<16xf32>
        %select_n3A_829 = arith.select %lt3A_815, %scan3A_805, %add3A_813 : vector<16xi1>, vector<16xi32>
        %select_n3A_830 = arith.select %lt3A_816, %select_n3A_829, %scan3A_807 : vector<16xi1>, vector<16xi32>
        %select_n3A_831 = arith.select %lt3A_815, %gather3A_814, %scan3A_804 : vector<16xi1>, vector<16xf32>
        %select_n3A_832 = arith.select %lt3A_815, %add3A_813, %scan3A_805 : vector<16xi1>, vector<16xi32>
        scf.yield %select_n3A_831, %select_n3A_832, %select_n3A_828, %select_n3A_830, %select_n3A_824, %select_n3A_826, %select_n3A_820, %select_n3A_822 : vector<16xf32>, vector<16xi32>, vector<16xf32>, vector<16xi32>, vector<16xf32>, vector<16xi32>, vector<16xf32>, vector<16xi32>
      }
      %scan3A_723 = arith.constant 128 : i32
      %mul3A_724 = arith.constant 128 : i32
      %mul3A_725 = vector.broadcast %mul3A_724 : i32 to vector<16xi32>
      %mul3A_726 = arith.muli %min3A_713, %mul3A_725 : vector<16xi32>
      %scan3A_727 = arith.constant 0 : i32
      %scan3A_728 = arith.constant 128 : i32
      %scan3A_729 = arith.addi %scan3A_727, %scan3A_728 : i32
      %scan3A_730 = arith.constant 1 : i32
      %scan3A_731:8 = scf.for %scan3A_803 = %scan3A_727 to %scan3A_729 step %scan3A_730 iter_args(%scan3A_804 = %scan3A_722#0, %scan3A_805 = %scan3A_722#1, %scan3A_806 = %scan3A_722#2, %scan3A_807 = %scan3A_722#3, %scan3A_808 = %scan3A_722#4, %scan3A_809 = %scan3A_722#5, %scan3A_810 = %scan3A_722#6, %scan3A_811 = %scan3A_722#7) -> (vector<16xf32>, vector<16xi32>, vector<16xf32>, vector<16xi32>, vector<16xf32>, vector<16xi32>, vector<16xf32>, vector<16xi32>)  : i32 {
        %add3A_812 = vector.broadcast %scan3A_803 : i32 to vector<16xi32>
        %add3A_813 = arith.addi %mul3A_726, %add3A_812 : vector<16xi32>
        %gather3A_814 = tpu.vector_load_idx %arg12[%iota3A, %add3A_813] : memref<16x4096xf32, #tpu.memory_space<vmem>>[vector<16xi32>, vector<16xi32>], vector<16xf32>,
        %lt3A_815 = arith.cmpf olt, %gather3A_814, %scan3A_804 : vector<16xf32>
        %lt3A_816 = arith.cmpf olt, %gather3A_814, %scan3A_806 : vector<16xf32>
        %lt3A_817 = arith.cmpf olt, %gather3A_814, %scan3A_808 : vector<16xf32>
        %lt3A_818 = arith.cmpf olt, %gather3A_814, %scan3A_810 : vector<16xf32>
        %select_n3A_819 = arith.select %lt3A_817, %scan3A_808, %gather3A_814 : vector<16xi1>, vector<16xf32>
        %select_n3A_820 = arith.select %lt3A_818, %select_n3A_819, %scan3A_810 : vector<16xi1>, vector<16xf32>
        %select_n3A_821 = arith.select %lt3A_817, %scan3A_809, %add3A_813 : vector<16xi1>, vector<16xi32>
        %select_n3A_822 = arith.select %lt3A_818, %select_n3A_821, %scan3A_811 : vector<16xi1>, vector<16xi32>
        %select_n3A_823 = arith.select %lt3A_816, %scan3A_806, %gather3A_814 : vector<16xi1>, vector<16xf32>
        %select_n3A_824 = arith.select %lt3A_817, %select_n3A_823, %scan3A_808 : vector<16xi1>, vector<16xf32>
        %select_n3A_825 = arith.select %lt3A_816, %scan3A_807, %add3A_813 : vector<16xi1>, vector<16xi32>
        %select_n3A_826 = arith.select %lt3A_817, %select_n3A_825, %scan3A_809 : vector<16xi1>, vector<16xi32>
        %select_n3A_827 = arith.select %lt3A_815, %scan3A_804, %gather3A_814 : vector<16xi1>, vector<16xf32>
        %select_n3A_828 = arith.select %lt3A_816, %select_n3A_827, %scan3A_806 : vector<16xi1>, vector<16xf32>
        %select_n3A_829 = arith.select %lt3A_815, %scan3A_805, %add3A_813 : vector<16xi1>, vector<16xi32>
        %select_n3A_830 = arith.select %lt3A_816, %select_n3A_829, %scan3A_807 : vector<16xi1>, vector<16xi32>
        %select_n3A_831 = arith.select %lt3A_815, %gather3A_814, %scan3A_804 : vector<16xi1>, vector<16xf32>
        %select_n3A_832 = arith.select %lt3A_815, %add3A_813, %scan3A_805 : vector<16xi1>, vector<16xi32>
        scf.yield %select_n3A_831, %select_n3A_832, %select_n3A_828, %select_n3A_830, %select_n3A_824, %select_n3A_826, %select_n3A_820, %select_n3A_822 : vector<16xf32>, vector<16xi32>, vector<16xf32>, vector<16xi32>, vector<16xf32>, vector<16xi32>, vector<16xf32>, vector<16xi32>
      }
      %scan3A_732 = arith.constant 128 : i32
      %mul3A_733 = arith.constant 128 : i32
      %mul3A_734 = vector.broadcast %mul3A_733 : i32 to vector<16xi32>
      %mul3A_735 = arith.muli %max3A_714, %mul3A_734 : vector<16xi32>
      %scan3A_736 = arith.constant 0 : i32
      %scan3A_737 = arith.constant 128 : i32
      %scan3A_738 = arith.addi %scan3A_736, %scan3A_737 : i32
      %scan3A_739 = arith.constant 1 : i32
      %scan3A_740:8 = scf.for %scan3A_803 = %scan3A_736 to %scan3A_738 step %scan3A_739 iter_args(%scan3A_804 = %scan3A_731#0, %scan3A_805 = %scan3A_731#1, %scan3A_806 = %scan3A_731#2, %scan3A_807 = %scan3A_731#3, %scan3A_808 = %scan3A_731#4, %scan3A_809 = %scan3A_731#5, %scan3A_810 = %scan3A_731#6, %scan3A_811 = %scan3A_731#7) -> (vector<16xf32>, vector<16xi32>, vector<16xf32>, vector<16xi32>, vector<16xf32>, vector<16xi32>, vector<16xf32>, vector<16xi32>)  : i32 {
        %add3A_812 = vector.broadcast %scan3A_803 : i32 to vector<16xi32>
        %add3A_813 = arith.addi %mul3A_735, %add3A_812 : vector<16xi32>
        %gather3A_814 = tpu.vector_load_idx %arg12[%iota3A, %add3A_813] : memref<16x4096xf32, #tpu.memory_space<vmem>>[vector<16xi32>, vector<16xi32>], vector<16xf32>,
        %lt3A_815 = arith.cmpf olt, %gather3A_814, %scan3A_804 : vector<16xf32>
        %lt3A_816 = arith.cmpf olt, %gather3A_814, %scan3A_806 : vector<16xf32>
        %lt3A_817 = arith.cmpf olt, %gather3A_814, %scan3A_808 : vector<16xf32>
        %lt3A_818 = arith.cmpf olt, %gather3A_814, %scan3A_810 : vector<16xf32>
        %select_n3A_819 = arith.select %lt3A_817, %scan3A_808, %gather3A_814 : vector<16xi1>, vector<16xf32>
        %select_n3A_820 = arith.select %lt3A_818, %select_n3A_819, %scan3A_810 : vector<16xi1>, vector<16xf32>
        %select_n3A_821 = arith.select %lt3A_817, %scan3A_809, %add3A_813 : vector<16xi1>, vector<16xi32>
        %select_n3A_822 = arith.select %lt3A_818, %select_n3A_821, %scan3A_811 : vector<16xi1>, vector<16xi32>
        %select_n3A_823 = arith.select %lt3A_816, %scan3A_806, %gather3A_814 : vector<16xi1>, vector<16xf32>
        %select_n3A_824 = arith.select %lt3A_817, %select_n3A_823, %scan3A_808 : vector<16xi1>, vector<16xf32>
        %select_n3A_825 = arith.select %lt3A_816, %scan3A_807, %add3A_813 : vector<16xi1>, vector<16xi32>
        %select_n3A_826 = arith.select %lt3A_817, %select_n3A_825, %scan3A_809 : vector<16xi1>, vector<16xi32>
        %select_n3A_827 = arith.select %lt3A_815, %scan3A_804, %gather3A_814 : vector<16xi1>, vector<16xf32>
        %select_n3A_828 = arith.select %lt3A_816, %select_n3A_827, %scan3A_806 : vector<16xi1>, vector<16xf32>
        %select_n3A_829 = arith.select %lt3A_815, %scan3A_805, %add3A_813 : vector<16xi1>, vector<16xi32>
        %select_n3A_830 = arith.select %lt3A_816, %select_n3A_829, %scan3A_807 : vector<16xi1>, vector<16xi32>
        %select_n3A_831 = arith.select %lt3A_815, %gather3A_814, %scan3A_804 : vector<16xi1>, vector<16xf32>
        %select_n3A_832 = arith.select %lt3A_815, %add3A_813, %scan3A_805 : vector<16xi1>, vector<16xi32>
        scf.yield %select_n3A_831, %select_n3A_832, %select_n3A_828, %select_n3A_830, %select_n3A_824, %select_n3A_826, %select_n3A_820, %select_n3A_822 : vector<16xf32>, vector<16xi32>, vector<16xf32>, vector<16xi32>, vector<16xf32>, vector<16xi32>, vector<16xf32>, vector<16xi32>
      }
      %scan3A_741 = arith.constant 128 : i32
      %mul3A_742 = arith.constant 128 : i32
      %mul3A_743 = vector.broadcast %mul3A_742 : i32 to vector<16xi32>
      %mul3A_744 = arith.muli %max3A_712, %mul3A_743 : vector<16xi32>
      %scan3A_745 = arith.constant 0 : i32
      %scan3A_746 = arith.constant 128 : i32
      %scan3A_747 = arith.addi %scan3A_745, %scan3A_746 : i32
      %scan3A_748 = arith.constant 1 : i32
      %scan3A_749:8 = scf.for %scan3A_803 = %scan3A_745 to %scan3A_747 step %scan3A_748 iter_args(%scan3A_804 = %scan3A_740#0, %scan3A_805 = %scan3A_740#1, %scan3A_806 = %scan3A_740#2, %scan3A_807 = %scan3A_740#3, %scan3A_808 = %scan3A_740#4, %scan3A_809 = %scan3A_740#5, %scan3A_810 = %scan3A_740#6, %scan3A_811 = %scan3A_740#7) -> (vector<16xf32>, vector<16xi32>, vector<16xf32>, vector<16xi32>, vector<16xf32>, vector<16xi32>, vector<16xf32>, vector<16xi32>)  : i32 {
        %add3A_812 = vector.broadcast %scan3A_803 : i32 to vector<16xi32>
        %add3A_813 = arith.addi %mul3A_744, %add3A_812 : vector<16xi32>
        %gather3A_814 = tpu.vector_load_idx %arg12[%iota3A, %add3A_813] : memref<16x4096xf32, #tpu.memory_space<vmem>>[vector<16xi32>, vector<16xi32>], vector<16xf32>,
        %lt3A_815 = arith.cmpf olt, %gather3A_814, %scan3A_804 : vector<16xf32>
        %lt3A_816 = arith.cmpf olt, %gather3A_814, %scan3A_806 : vector<16xf32>
        %lt3A_817 = arith.cmpf olt, %gather3A_814, %scan3A_808 : vector<16xf32>
        %lt3A_818 = arith.cmpf olt, %gather3A_814, %scan3A_810 : vector<16xf32>
        %select_n3A_819 = arith.select %lt3A_817, %scan3A_808, %gather3A_814 : vector<16xi1>, vector<16xf32>
        %select_n3A_820 = arith.select %lt3A_818, %select_n3A_819, %scan3A_810 : vector<16xi1>, vector<16xf32>
        %select_n3A_821 = arith.select %lt3A_817, %scan3A_809, %add3A_813 : vector<16xi1>, vector<16xi32>
        %select_n3A_822 = arith.select %lt3A_818, %select_n3A_821, %scan3A_811 : vector<16xi1>, vector<16xi32>
        %select_n3A_823 = arith.select %lt3A_816, %scan3A_806, %gather3A_814 : vector<16xi1>, vector<16xf32>
        %select_n3A_824 = arith.select %lt3A_817, %select_n3A_823, %scan3A_808 : vector<16xi1>, vector<16xf32>
        %select_n3A_825 = arith.select %lt3A_816, %scan3A_807, %add3A_813 : vector<16xi1>, vector<16xi32>
        %select_n3A_826 = arith.select %lt3A_817, %select_n3A_825, %scan3A_809 : vector<16xi1>, vector<16xi32>
        %select_n3A_827 = arith.select %lt3A_815, %scan3A_804, %gather3A_814 : vector<16xi1>, vector<16xf32>
        %select_n3A_828 = arith.select %lt3A_816, %select_n3A_827, %scan3A_806 : vector<16xi1>, vector<16xf32>
        %select_n3A_829 = arith.select %lt3A_815, %scan3A_805, %add3A_813 : vector<16xi1>, vector<16xi32>
        %select_n3A_830 = arith.select %lt3A_816, %select_n3A_829, %scan3A_807 : vector<16xi1>, vector<16xi32>
        %select_n3A_831 = arith.select %lt3A_815, %gather3A_814, %scan3A_804 : vector<16xi1>, vector<16xf32>
        %select_n3A_832 = arith.select %lt3A_815, %add3A_813, %scan3A_805 : vector<16xi1>, vector<16xi32>
        scf.yield %select_n3A_831, %select_n3A_832, %select_n3A_828, %select_n3A_830, %select_n3A_824, %select_n3A_826, %select_n3A_820, %select_n3A_822 : vector<16xf32>, vector<16xi32>, vector<16xf32>, vector<16xi32>, vector<16xf32>, vector<16xi32>, vector<16xf32>, vector<16xi32>
      }
      %scan3A_750 = arith.constant 128 : i32
      %mul3A_751 = arith.constant 4 : i32
      %mul3A_752 = vector.broadcast %mul3A_751 : i32 to vector<16xi32>
      %mul3A_753 = arith.muli %iota3A, %mul3A_752 : vector<16xi32>
      %add3A_754 = arith.constant 0 : i32
      %add3A_755 = vector.broadcast %add3A_754 : i32 to vector<16xi32>
      %add3A_756 = arith.addi %mul3A_753, %add3A_755 : vector<16xi32>
      tpu.vector_store_idx %arg17[%add3A_756], %scan3A_749#0 : memref<64xf32, #tpu.memory_space<vmem>>[vector<16xi32>], vector<16xf32>,
      %mul3A_757 = arith.constant 4 : i32
      %mul3A_758 = vector.broadcast %mul3A_757 : i32 to vector<16xi32>
      %mul3A_759 = arith.muli %iota3A, %mul3A_758 : vector<16xi32>
      %add3A_760 = arith.constant 0 : i32
      %add3A_761 = vector.broadcast %add3A_760 : i32 to vector<16xi32>
      %add3A_762 = arith.addi %mul3A_759, %add3A_761 : vector<16xi32>
      tpu.vector_store_idx %arg18[%add3A_762], %scan3A_749#1 : memref<64xi32, #tpu.memory_space<vmem>>[vector<16xi32>], vector<16xi32>,
      %mul3A_763 = arith.constant 4 : i32
      %mul3A_764 = vector.broadcast %mul3A_763 : i32 to vector<16xi32>
      %mul3A_765 = arith.muli %iota3A, %mul3A_764 : vector<16xi32>
      %add3A_766 = arith.constant 1 : i32
      %add3A_767 = vector.broadcast %add3A_766 : i32 to vector<16xi32>
      %add3A_768 = arith.addi %mul3A_765, %add3A_767 : vector<16xi32>
      tpu.vector_store_idx %arg17[%add3A_768], %scan3A_749#2 : memref<64xf32, #tpu.memory_space<vmem>>[vector<16xi32>], vector<16xf32>,
      %mul3A_769 = arith.constant 4 : i32
      %mul3A_770 = vector.broadcast %mul3A_769 : i32 to vector<16xi32>
      %mul3A_771 = arith.muli %iota3A, %mul3A_770 : vector<16xi32>
      %add3A_772 = arith.constant 1 : i32
      %add3A_773 = vector.broadcast %add3A_772 : i32 to vector<16xi32>
      %add3A_774 = arith.addi %mul3A_771, %add3A_773 : vector<16xi32>
      tpu.vector_store_idx %arg18[%add3A_774], %scan3A_749#3 : memref<64xi32, #tpu.memory_space<vmem>>[vector<16xi32>], vector<16xi32>,
      %mul3A_775 = arith.constant 4 : i32
      %mul3A_776 = vector.broadcast %mul3A_775 : i32 to vector<16xi32>
      %mul3A_777 = arith.muli %iota3A, %mul3A_776 : vector<16xi32>
      %add3A_778 = arith.constant 2 : i32
      %add3A_779 = vector.broadcast %add3A_778 : i32 to vector<16xi32>
      %add3A_780 = arith.addi %mul3A_777, %add3A_779 : vector<16xi32>
      tpu.vector_store_idx %arg17[%add3A_780], %scan3A_749#4 : memref<64xf32, #tpu.memory_space<vmem>>[vector<16xi32>], vector<16xf32>,
      %mul3A_781 = arith.constant 4 : i32
      %mul3A_782 = vector.broadcast %mul3A_781 : i32 to vector<16xi32>
      %mul3A_783 = arith.muli %iota3A, %mul3A_782 : vector<16xi32>
      %add3A_784 = arith.constant 2 : i32
      %add3A_785 = vector.broadcast %add3A_784 : i32 to vector<16xi32>
      %add3A_786 = arith.addi %mul3A_783, %add3A_785 : vector<16xi32>
      tpu.vector_store_idx %arg18[%add3A_786], %scan3A_749#5 : memref<64xi32, #tpu.memory_space<vmem>>[vector<16xi32>], vector<16xi32>,
      %mul3A_787 = arith.constant 4 : i32
      %mul3A_788 = vector.broadcast %mul3A_787 : i32 to vector<16xi32>
      %mul3A_789 = arith.muli %iota3A, %mul3A_788 : vector<16xi32>
      %add3A_790 = arith.constant 3 : i32
      %add3A_791 = vector.broadcast %add3A_790 : i32 to vector<16xi32>
      %add3A_792 = arith.addi %mul3A_789, %add3A_791 : vector<16xi32>
      tpu.vector_store_idx %arg17[%add3A_792], %scan3A_749#6 : memref<64xf32, #tpu.memory_space<vmem>>[vector<16xi32>], vector<16xf32>,
      %mul3A_793 = arith.constant 4 : i32
      %mul3A_794 = vector.broadcast %mul3A_793 : i32 to vector<16xi32>
      %mul3A_795 = arith.muli %iota3A, %mul3A_794 : vector<16xi32>
      %add3A_796 = arith.constant 3 : i32
      %add3A_797 = vector.broadcast %add3A_796 : i32 to vector<16xi32>
      %add3A_798 = arith.addi %mul3A_795, %add3A_797 : vector<16xi32>
      tpu.vector_store_idx %arg18[%add3A_798], %scan3A_749#7 : memref<64xi32, #tpu.memory_space<vmem>>[vector<16xi32>], vector<16xi32>,
      %mul3A_799 = arith.constant 4 : i32
      %mul3A_800 = arith.muli %add3A_588, %mul3A_799 : i32
      "tpu.region"() ({
        %run_scoped3A = tpu.sem_alloc : memref<!tpu.dma_semaphore, #tpu.memory_space<semaphore_mem>>
        %dma_start3A_803 = tpu.memref_slice %arg7[%mul3A_800] : memref<16384xf32, #tpu.memory_space<hbm>> -> memref<64xf32, #tpu.memory_space<hbm>>
        %dma_start3A_804 = tpu.memref_slice %arg7[%mul3A_800] : memref<16384xf32, #tpu.memory_space<hbm>> -> memref<64xf32, #tpu.memory_space<hbm>>
        tpu.enqueue_dma source(%arg17 : memref<64xf32, #tpu.memory_space<vmem>>) target(%dma_start3A_804 : memref<64xf32, #tpu.memory_space<hbm>>) target_semaphore(%run_scoped3A : memref<!tpu.dma_semaphore, #tpu.memory_space<semaphore_mem>>)
        %dma_wait3A = tpu.memref_slice %arg7[%mul3A_800] : memref<16384xf32, #tpu.memory_space<hbm>> -> memref<64xf32, #tpu.memory_space<hbm>>
        %dma_wait3A_805 = tpu.memref_slice %arg7[%mul3A_800] : memref<16384xf32, #tpu.memory_space<hbm>> -> memref<64xf32, #tpu.memory_space<hbm>>
        tpu.wait_dma2 semaphore(%run_scoped3A : memref<!tpu.dma_semaphore, #tpu.memory_space<semaphore_mem>>) src(%arg17 : memref<64xf32, #tpu.memory_space<vmem>>) dst(%dma_wait3A_805 : memref<64xf32, #tpu.memory_space<hbm>>)
        tpu.yield
      }) : () -> ()
      %mul3A_801 = arith.constant 4 : i32
      %mul3A_802 = arith.muli %add3A_588, %mul3A_801 : i32
      "tpu.region"() ({
        %run_scoped3A = tpu.sem_alloc : memref<!tpu.dma_semaphore, #tpu.memory_space<semaphore_mem>>
        %dma_start3A_803 = tpu.memref_slice %arg8[%mul3A_802] : memref<16384xi32, #tpu.memory_space<hbm>> -> memref<64xi32, #tpu.memory_space<hbm>>
        %dma_start3A_804 = tpu.memref_slice %arg8[%mul3A_802] : memref<16384xi32, #tpu.memory_space<hbm>> -> memref<64xi32, #tpu.memory_space<hbm>>
        tpu.enqueue_dma source(%arg18 : memref<64xi32, #tpu.memory_space<vmem>>) target(%dma_start3A_804 : memref<64xi32, #tpu.memory_space<hbm>>) target_semaphore(%run_scoped3A : memref<!tpu.dma_semaphore, #tpu.memory_space<semaphore_mem>>)
        %dma_wait3A = tpu.memref_slice %arg8[%mul3A_802] : memref<16384xi32, #tpu.memory_space<hbm>> -> memref<64xi32, #tpu.memory_space<hbm>>
        %dma_wait3A_805 = tpu.memref_slice %arg8[%mul3A_802] : memref<16384xi32, #tpu.memory_space<hbm>> -> memref<64xi32, #tpu.memory_space<hbm>>
        tpu.wait_dma2 semaphore(%run_scoped3A : memref<!tpu.dma_semaphore, #tpu.memory_space<semaphore_mem>>) src(%arg18 : memref<64xi32, #tpu.memory_space<vmem>>) dst(%dma_wait3A_805 : memref<64xi32, #tpu.memory_space<hbm>>)
        tpu.yield
      }) : () -> ()
    }
    %scan3A_548 = arith.constant 8 : i32
    "tpu.trace_stop"() : () -> ()
    "tpu.trace_start"() <{level = 10 : i32, message = "phase_z"}> : () -> ()
    %scan3A_549 = arith.constant 0 : i32
    %scan3A_550 = arith.constant 0 : i32
    %scan3A_551 = arith.constant 24 : i32
    %scan3A_552 = arith.addi %scan3A_550, %scan3A_551 : i32
    %scan3A_553 = arith.constant 1 : i32
    scf.for %scan3A_583 = %scan3A_550 to %scan3A_552 step %scan3A_553  : i32 {
      %mul3A_584 = arith.constant 16 : i32
      %mul3A_585 = arith.muli %scan3A_583, %mul3A_584 : i32
      %swap3A_586 = arith.index_cast %mul3A_585 : i32 to index
      %swap3A_587 = tpu.vector_load %arg15[%swap3A_586] {strides = array<i32>} : memref<384xf32, #tpu.memory_space<vmem>>, vector<16xf32>,
      tpu.vector_store %arg15[%swap3A_586], %broadcast_in_dim3A_1 {strides = array<i32>} : memref<384xf32, #tpu.memory_space<vmem>>, vector<16xf32>,
      %mul3A_588 = arith.constant 16 : i32
      %mul3A_589 = arith.muli %scan3A_583, %mul3A_588 : i32
      %swap3A_590 = arith.index_cast %mul3A_589 : i32 to index
      %swap3A_591 = tpu.vector_load %arg16[%swap3A_590] {strides = array<i32>} : memref<384xi32, #tpu.memory_space<vmem>>, vector<16xi32>,
      tpu.vector_store %arg16[%swap3A_590], %broadcast_in_dim3A_5 {strides = array<i32>} : memref<384xi32, #tpu.memory_space<vmem>>, vector<16xi32>,
    }
    %scan3A_554 = arith.constant 24 : i32
    %mul3A_555 = arith.constant 128 : i32
    %mul3A_556 = arith.muli %add3A, %mul3A_555 : i32
    %dma_start3A_557 = arith.constant 0 : i32
    %dma_start3A_558 = arith.constant 0 : i32
    %dma_start3A_559 = arith.constant 0 : i32
    %dma_start3A_560 = arith.constant 0 : i32
    %dma_start3A_561 = tpu.memref_slice %arg14[%dma_start3A_557, %dma_start3A_559, %dma_start3A_560] : memref<2x64x128xf32, #tpu.memory_space<vmem>> -> memref<1x64x128xf32, #tpu.memory_space<vmem>>
    %dma_start3A_562 = tpu.memref_squeeze %dma_start3A_561 : memref<1x64x128xf32, #tpu.memory_space<vmem>> -> memref<64x128xf32, #tpu.memory_space<vmem>>
    %dma_start3A_563 = arith.constant 0 : i32
    %dma_start3A_564 = tpu.memref_slice %arg4[%dma_start3A_563, %mul3A_556] : memref<2048x4096xf32, #tpu.memory_space<hbm>> -> memref<64x128xf32, #tpu.memory_space<hbm>>
    %dma_start3A_565 = tpu.memref_slice %arg19[%dma_start3A_558] : memref<3x!tpu.dma_semaphore, #tpu.memory_space<semaphore_mem>> -> memref<1x!tpu.dma_semaphore, #tpu.memory_space<semaphore_mem>>
    %dma_start3A_566 = tpu.memref_squeeze %dma_start3A_565 : memref<1x!tpu.dma_semaphore, #tpu.memory_space<semaphore_mem>> -> memref<!tpu.dma_semaphore, #tpu.memory_space<semaphore_mem>>
    %dma_start3A_567 = arith.constant 0 : i32
    %dma_start3A_568 = arith.constant 0 : i32
    %dma_start3A_569 = tpu.memref_slice %arg14[%dma_start3A_557, %dma_start3A_567, %dma_start3A_568] : memref<2x64x128xf32, #tpu.memory_space<vmem>> -> memref<1x64x128xf32, #tpu.memory_space<vmem>>
    %dma_start3A_570 = tpu.memref_squeeze %dma_start3A_569 : memref<1x64x128xf32, #tpu.memory_space<vmem>> -> memref<64x128xf32, #tpu.memory_space<vmem>>
    %dma_start3A_571 = arith.constant 0 : i32
    %dma_start3A_572 = tpu.memref_slice %arg4[%dma_start3A_571, %mul3A_556] : memref<2048x4096xf32, #tpu.memory_space<hbm>> -> memref<64x128xf32, #tpu.memory_space<hbm>>
    tpu.enqueue_dma source(%dma_start3A_572 : memref<64x128xf32, #tpu.memory_space<hbm>>) target(%dma_start3A_570 : memref<64x128xf32, #tpu.memory_space<vmem>>) target_semaphore(%dma_start3A_566 : memref<!tpu.dma_semaphore, #tpu.memory_space<semaphore_mem>>)
    %scan3A_573 = arith.constant 0 : i32
    %scan3A_574 = arith.constant 0 : i32
    %scan3A_575 = arith.constant 32 : i32
    %scan3A_576 = arith.addi %scan3A_574, %scan3A_575 : i32
    %scan3A_577 = arith.constant 1 : i32
    scf.for %scan3A_583 = %scan3A_574 to %scan3A_576 step %scan3A_577  : i32 {
      %and3A = arith.constant 1 : i32
      %and3A_584 = arith.andi %scan3A_583, %and3A : i32
      %mul3A_585 = arith.constant 64 : i32
      %mul3A_586 = arith.muli %scan3A_583, %mul3A_585 : i32
      %mul3A_587 = arith.constant 128 : i32
      %mul3A_588 = arith.muli %add3A, %mul3A_587 : i32
      %dma_wait3A = arith.constant 0 : i32
      %dma_wait3A_589 = arith.constant 0 : i32
      %dma_wait3A_590 = tpu.memref_slice %arg14[%and3A_584, %dma_wait3A, %dma_wait3A_589] : memref<2x64x128xf32, #tpu.memory_space<vmem>> -> memref<1x64x128xf32, #tpu.memory_space<vmem>>
      %dma_wait3A_591 = tpu.memref_squeeze %dma_wait3A_590 : memref<1x64x128xf32, #tpu.memory_space<vmem>> -> memref<64x128xf32, #tpu.memory_space<vmem>>
      %dma_wait3A_592 = tpu.memref_slice %arg4[%mul3A_586, %mul3A_588] : memref<2048x4096xf32, #tpu.memory_space<hbm>> -> memref<64x128xf32, #tpu.memory_space<hbm>>
      %dma_wait3A_593 = tpu.memref_slice %arg19[%and3A_584] : memref<3x!tpu.dma_semaphore, #tpu.memory_space<semaphore_mem>> -> memref<1x!tpu.dma_semaphore, #tpu.memory_space<semaphore_mem>>
      %dma_wait3A_594 = tpu.memref_squeeze %dma_wait3A_593 : memref<1x!tpu.dma_semaphore, #tpu.memory_space<semaphore_mem>> -> memref<!tpu.dma_semaphore, #tpu.memory_space<semaphore_mem>>
      %dma_wait3A_595 = arith.constant 0 : i32
      %dma_wait3A_596 = arith.constant 0 : i32
      %dma_wait3A_597 = tpu.memref_slice %arg14[%and3A_584, %dma_wait3A_595, %dma_wait3A_596] : memref<2x64x128xf32, #tpu.memory_space<vmem>> -> memref<1x64x128xf32, #tpu.memory_space<vmem>>
      %dma_wait3A_598 = tpu.memref_squeeze %dma_wait3A_597 : memref<1x64x128xf32, #tpu.memory_space<vmem>> -> memref<64x128xf32, #tpu.memory_space<vmem>>
      %dma_wait3A_599 = tpu.memref_slice %arg4[%mul3A_586, %mul3A_588] : memref<2048x4096xf32, #tpu.memory_space<hbm>> -> memref<64x128xf32, #tpu.memory_space<hbm>>
      tpu.wait_dma2 semaphore(%dma_wait3A_594 : memref<!tpu.dma_semaphore, #tpu.memory_space<semaphore_mem>>) src(%dma_wait3A_599 : memref<64x128xf32, #tpu.memory_space<hbm>>) dst(%dma_wait3A_598 : memref<64x128xf32, #tpu.memory_space<vmem>>)
      %add3A_600 = arith.constant 1 : i32
      %add3A_601 = arith.addi %scan3A_583, %add3A_600 : i32
      %lt3A_602 = arith.constant 32 : i32
      %lt3A_603 = arith.cmpi slt, %add3A_601, %lt3A_602 : i32
      %convert_element_type3A = arith.extui %lt3A_603 : i1 to i32
      %cond3A = arith.constant 0 : i32
      %cond3A_604 = arith.cmpi ne, %convert_element_type3A, %cond3A : i32
      scf.if %cond3A_604 {
        %add3A_613 = arith.constant 1 : i32
        %add3A_614 = arith.addi %scan3A_583, %add3A_613 : i32
        %mul3A_615 = arith.constant 64 : i32
        %mul3A_616 = arith.muli %add3A_614, %mul3A_615 : i32
        %mul3A_617 = arith.constant 128 : i32
        %mul3A_618 = arith.muli %add3A, %mul3A_617 : i32
        %sub3A = arith.constant 1 : i32
        %sub3A_619 = arith.subi %sub3A, %and3A_584 : i32
        %sub3A_620 = arith.constant 1 : i32
        %sub3A_621 = arith.subi %sub3A_620, %and3A_584 : i32
        %dma_start3A_622 = arith.constant 0 : i32
        %dma_start3A_623 = arith.constant 0 : i32
        %dma_start3A_624 = tpu.memref_slice %arg14[%sub3A_619, %dma_start3A_622, %dma_start3A_623] : memref<2x64x128xf32, #tpu.memory_space<vmem>> -> memref<1x64x128xf32, #tpu.memory_space<vmem>>
        %dma_start3A_625 = tpu.memref_squeeze %dma_start3A_624 : memref<1x64x128xf32, #tpu.memory_space<vmem>> -> memref<64x128xf32, #tpu.memory_space<vmem>>
        %dma_start3A_626 = tpu.memref_slice %arg4[%mul3A_616, %mul3A_618] : memref<2048x4096xf32, #tpu.memory_space<hbm>> -> memref<64x128xf32, #tpu.memory_space<hbm>>
        %dma_start3A_627 = tpu.memref_slice %arg19[%sub3A_621] : memref<3x!tpu.dma_semaphore, #tpu.memory_space<semaphore_mem>> -> memref<1x!tpu.dma_semaphore, #tpu.memory_space<semaphore_mem>>
        %dma_start3A_628 = tpu.memref_squeeze %dma_start3A_627 : memref<1x!tpu.dma_semaphore, #tpu.memory_space<semaphore_mem>> -> memref<!tpu.dma_semaphore, #tpu.memory_space<semaphore_mem>>
        %dma_start3A_629 = arith.constant 0 : i32
        %dma_start3A_630 = arith.constant 0 : i32
        %dma_start3A_631 = tpu.memref_slice %arg14[%sub3A_619, %dma_start3A_629, %dma_start3A_630] : memref<2x64x128xf32, #tpu.memory_space<vmem>> -> memref<1x64x128xf32, #tpu.memory_space<vmem>>
        %dma_start3A_632 = tpu.memref_squeeze %dma_start3A_631 : memref<1x64x128xf32, #tpu.memory_space<vmem>> -> memref<64x128xf32, #tpu.memory_space<vmem>>
        %dma_start3A_633 = tpu.memref_slice %arg4[%mul3A_616, %mul3A_618] : memref<2048x4096xf32, #tpu.memory_space<hbm>> -> memref<64x128xf32, #tpu.memory_space<hbm>>
        tpu.enqueue_dma source(%dma_start3A_633 : memref<64x128xf32, #tpu.memory_space<hbm>>) target(%dma_start3A_632 : memref<64x128xf32, #tpu.memory_space<vmem>>) target_semaphore(%dma_start3A_628 : memref<!tpu.dma_semaphore, #tpu.memory_space<semaphore_mem>>)
      } else {
      }
      %mul3A_605 = arith.constant 64 : i32
      %mul3A_606 = arith.muli %scan3A_583, %mul3A_605 : i32
      %scan3A_607 = arith.constant 0 : i32
      %scan3A_608 = arith.constant 0 : i32
      %scan3A_609 = arith.constant 8 : i32
      %scan3A_610 = arith.addi %scan3A_608, %scan3A_609 : i32
      %scan3A_611 = arith.constant 1 : i32
      scf.for %scan3A_613 = %scan3A_608 to %scan3A_610 step %scan3A_611  : i32 {
        %mul3A_614 = arith.constant 16 : i32
        %mul3A_615 = arith.muli %scan3A_613, %mul3A_614 : i32
        %add3A_616 = arith.constant 0 : i32
        %add3A_617 = arith.addi %add3A_616, %mul3A_615 : i32
        %get3A = arith.index_cast %add3A_617 : i32 to index
        %get3A_618 = tpu.vector_load %arg15[%get3A] {strides = array<i32>} : memref<384xf32, #tpu.memory_space<vmem>>, vector<16xf32>,
        %mul3A_619 = arith.constant 16 : i32
        %mul3A_620 = arith.muli %scan3A_613, %mul3A_619 : i32
        %add3A_621 = arith.constant 128 : i32
        %add3A_622 = arith.addi %add3A_621, %mul3A_620 : i32
        %get3A_623 = arith.index_cast %add3A_622 : i32 to index
        %get3A_624 = tpu.vector_load %arg15[%get3A_623] {strides = array<i32>} : memref<384xf32, #tpu.memory_space<vmem>>, vector<16xf32>,
        %mul3A_625 = arith.constant 16 : i32
        %mul3A_626 = arith.muli %scan3A_613, %mul3A_625 : i32
        %add3A_627 = arith.constant 256 : i32
        %add3A_628 = arith.addi %add3A_627, %mul3A_626 : i32
        %get3A_629 = arith.index_cast %add3A_628 : i32 to index
        %get3A_630 = tpu.vector_load %arg15[%get3A_629] {strides = array<i32>} : memref<384xf32, #tpu.memory_space<vmem>>, vector<16xf32>,
        %mul3A_631 = arith.constant 16 : i32
        %mul3A_632 = arith.muli %scan3A_613, %mul3A_631 : i32
        %add3A_633 = arith.constant 0 : i32
        %add3A_634 = arith.addi %add3A_633, %mul3A_632 : i32
        %get3A_635 = arith.index_cast %add3A_634 : i32 to index
        %get3A_636 = tpu.vector_load %arg16[%get3A_635] {strides = array<i32>} : memref<384xi32, #tpu.memory_space<vmem>>, vector<16xi32>,
        %mul3A_637 = arith.constant 16 : i32
        %mul3A_638 = arith.muli %scan3A_613, %mul3A_637 : i32
        %add3A_639 = arith.constant 128 : i32
        %add3A_640 = arith.addi %add3A_639, %mul3A_638 : i32
        %get3A_641 = arith.index_cast %add3A_640 : i32 to index
        %get3A_642 = tpu.vector_load %arg16[%get3A_641] {strides = array<i32>} : memref<384xi32, #tpu.memory_space<vmem>>, vector<16xi32>,
        %mul3A_643 = arith.constant 16 : i32
        %mul3A_644 = arith.muli %scan3A_613, %mul3A_643 : i32
        %add3A_645 = arith.constant 256 : i32
        %add3A_646 = arith.addi %add3A_645, %mul3A_644 : i32
        %get3A_647 = arith.index_cast %add3A_646 : i32 to index
        %get3A_648 = tpu.vector_load %arg16[%get3A_647] {strides = array<i32>} : memref<384xi32, #tpu.memory_space<vmem>>, vector<16xi32>,
        %mul3A_649 = arith.constant 16 : i32
        %mul3A_650 = arith.muli %scan3A_613, %mul3A_649 : i32
        %get3A_651 = arith.constant 0 : i32
        %get3A_652 = arith.index_cast %and3A_584 : i32 to index
        %get3A_653 = arith.index_cast %get3A_651 : i32 to index
        %get3A_654 = arith.index_cast %mul3A_650 : i32 to index
        %get3A_655 = tpu.vector_load %arg14[%get3A_652, %get3A_653, %get3A_654] {strides = array<i32>} : memref<2x64x128xf32, #tpu.memory_space<vmem>>, vector<16xf32>,
        %scan3A_656 = arith.constant 0 : i32
        %scan3A_657 = arith.constant 64 : i32
        %scan3A_658 = arith.addi %scan3A_656, %scan3A_657 : i32
        %scan3A_659 = arith.constant 1 : i32
        %scan3A_660:7 = scf.for %scan3A_698 = %scan3A_656 to %scan3A_658 step %scan3A_659 iter_args(%scan3A_699 = %get3A_618, %scan3A_700 = %get3A_636, %scan3A_701 = %get3A_624, %scan3A_702 = %get3A_642, %scan3A_703 = %get3A_630, %scan3A_704 = %get3A_648, %scan3A_705 = %get3A_655) -> (vector<16xf32>, vector<16xi32>, vector<16xf32>, vector<16xi32>, vector<16xf32>, vector<16xi32>, vector<16xf32>)  : i32 {
          %add3A_706 = arith.constant 1 : i32
          %add3A_707 = arith.addi %scan3A_698, %add3A_706 : i32
          %min3A_708 = arith.constant 63 : i32
          %min3A_709 = arith.minsi %add3A_707, %min3A_708 : i32
          %mul3A_710 = arith.constant 16 : i32
          %mul3A_711 = arith.muli %scan3A_613, %mul3A_710 : i32
          %get3A_712 = arith.index_cast %and3A_584 : i32 to index
          %get3A_713 = arith.index_cast %min3A_709 : i32 to index
          %get3A_714 = arith.index_cast %mul3A_711 : i32 to index
          %get3A_715 = tpu.vector_load %arg14[%get3A_712, %get3A_713, %get3A_714] {strides = array<i32>} : memref<2x64x128xf32, #tpu.memory_space<vmem>>, vector<16xf32>,
          %add3A_716 = arith.addi %mul3A_606, %scan3A_698 : i32
          %broadcast_in_dim3A_717 = vector.broadcast %add3A_716 : i32 to vector<16xi32>
          %gt3A = arith.cmpf ogt, %scan3A_705, %scan3A_699 : vector<16xf32>
          %gt3A_718 = arith.cmpf ogt, %scan3A_705, %scan3A_701 : vector<16xf32>
          %gt3A_719 = arith.cmpf ogt, %scan3A_705, %scan3A_703 : vector<16xf32>
          %select_n3A_720 = arith.select %gt3A_718, %scan3A_701, %scan3A_705 : vector<16xi1>, vector<16xf32>
          %select_n3A_721 = arith.select %gt3A_719, %select_n3A_720, %scan3A_703 : vector<16xi1>, vector<16xf32>
          %select_n3A_722 = arith.select %gt3A_718, %scan3A_702, %broadcast_in_dim3A_717 : vector<16xi1>, vector<16xi32>
          %select_n3A_723 = arith.select %gt3A_719, %select_n3A_722, %scan3A_704 : vector<16xi1>, vector<16xi32>
          %select_n3A_724 = arith.select %gt3A, %scan3A_699, %scan3A_705 : vector<16xi1>, vector<16xf32>
          %select_n3A_725 = arith.select %gt3A_718, %select_n3A_724, %scan3A_701 : vector<16xi1>, vector<16xf32>
          %select_n3A_726 = arith.select %gt3A, %scan3A_700, %broadcast_in_dim3A_717 : vector<16xi1>, vector<16xi32>
          %select_n3A_727 = arith.select %gt3A_718, %select_n3A_726, %scan3A_702 : vector<16xi1>, vector<16xi32>
          %select_n3A_728 = arith.select %gt3A, %scan3A_705, %scan3A_699 : vector<16xi1>, vector<16xf32>
          %select_n3A_729 = arith.select %gt3A, %broadcast_in_dim3A_717, %scan3A_700 : vector<16xi1>, vector<16xi32>
          scf.yield %select_n3A_728, %select_n3A_729, %select_n3A_725, %select_n3A_727, %select_n3A_721, %select_n3A_723, %get3A_715 : vector<16xf32>, vector<16xi32>, vector<16xf32>, vector<16xi32>, vector<16xf32>, vector<16xi32>, vector<16xf32>
        }
        %scan3A_661 = arith.constant 64 : i32
        %mul3A_662 = arith.constant 16 : i32
        %mul3A_663 = arith.muli %scan3A_613, %mul3A_662 : i32
        %add3A_664 = arith.constant 0 : i32
        %add3A_665 = arith.addi %add3A_664, %mul3A_663 : i32
        %swap3A_666 = arith.index_cast %add3A_665 : i32 to index
        %swap3A_667 = tpu.vector_load %arg15[%swap3A_666] {strides = array<i32>} : memref<384xf32, #tpu.memory_space<vmem>>, vector<16xf32>,
        tpu.vector_store %arg15[%swap3A_666], %scan3A_660#0 {strides = array<i32>} : memref<384xf32, #tpu.memory_space<vmem>>, vector<16xf32>,
        %mul3A_668 = arith.constant 16 : i32
        %mul3A_669 = arith.muli %scan3A_613, %mul3A_668 : i32
        %add3A_670 = arith.constant 128 : i32
        %add3A_671 = arith.addi %add3A_670, %mul3A_669 : i32
        %swap3A_672 = arith.index_cast %add3A_671 : i32 to index
        %swap3A_673 = tpu.vector_load %arg15[%swap3A_672] {strides = array<i32>} : memref<384xf32, #tpu.memory_space<vmem>>, vector<16xf32>,
        tpu.vector_store %arg15[%swap3A_672], %scan3A_660#2 {strides = array<i32>} : memref<384xf32, #tpu.memory_space<vmem>>, vector<16xf32>,
        %mul3A_674 = arith.constant 16 : i32
        %mul3A_675 = arith.muli %scan3A_613, %mul3A_674 : i32
        %add3A_676 = arith.constant 256 : i32
        %add3A_677 = arith.addi %add3A_676, %mul3A_675 : i32
        %swap3A_678 = arith.index_cast %add3A_677 : i32 to index
        %swap3A_679 = tpu.vector_load %arg15[%swap3A_678] {strides = array<i32>} : memref<384xf32, #tpu.memory_space<vmem>>, vector<16xf32>,
        tpu.vector_store %arg15[%swap3A_678], %scan3A_660#4 {strides = array<i32>} : memref<384xf32, #tpu.memory_space<vmem>>, vector<16xf32>,
        %mul3A_680 = arith.constant 16 : i32
        %mul3A_681 = arith.muli %scan3A_613, %mul3A_680 : i32
        %add3A_682 = arith.constant 0 : i32
        %add3A_683 = arith.addi %add3A_682, %mul3A_681 : i32
        %swap3A_684 = arith.index_cast %add3A_683 : i32 to index
        %swap3A_685 = tpu.vector_load %arg16[%swap3A_684] {strides = array<i32>} : memref<384xi32, #tpu.memory_space<vmem>>, vector<16xi32>,
        tpu.vector_store %arg16[%swap3A_684], %scan3A_660#1 {strides = array<i32>} : memref<384xi32, #tpu.memory_space<vmem>>, vector<16xi32>,
        %mul3A_686 = arith.constant 16 : i32
        %mul3A_687 = arith.muli %scan3A_613, %mul3A_686 : i32
        %add3A_688 = arith.constant 128 : i32
        %add3A_689 = arith.addi %add3A_688, %mul3A_687 : i32
        %swap3A_690 = arith.index_cast %add3A_689 : i32 to index
        %swap3A_691 = tpu.vector_load %arg16[%swap3A_690] {strides = array<i32>} : memref<384xi32, #tpu.memory_space<vmem>>, vector<16xi32>,
        tpu.vector_store %arg16[%swap3A_690], %scan3A_660#3 {strides = array<i32>} : memref<384xi32, #tpu.memory_space<vmem>>, vector<16xi32>,
        %mul3A_692 = arith.constant 16 : i32
        %mul3A_693 = arith.muli %scan3A_613, %mul3A_692 : i32
        %add3A_694 = arith.constant 256 : i32
        %add3A_695 = arith.addi %add3A_694, %mul3A_693 : i32
        %swap3A_696 = arith.index_cast %add3A_695 : i32 to index
        %swap3A_697 = tpu.vector_load %arg16[%swap3A_696] {strides = array<i32>} : memref<384xi32, #tpu.memory_space<vmem>>, vector<16xi32>,
        tpu.vector_store %arg16[%swap3A_696], %scan3A_660#5 {strides = array<i32>} : memref<384xi32, #tpu.memory_space<vmem>>, vector<16xi32>,
      }
      %scan3A_612 = arith.constant 8 : i32
    }
    %scan3A_578 = arith.constant 32 : i32
    %mul3A_579 = arith.constant 384 : i32
    %mul3A_580 = arith.muli %add3A, %mul3A_579 : i32
    "tpu.region"() ({
      %run_scoped3A = tpu.sem_alloc : memref<!tpu.dma_semaphore, #tpu.memory_space<semaphore_mem>>
      %dma_start3A_583 = tpu.memref_slice %arg9[%mul3A_580] : memref<12288xf32, #tpu.memory_space<hbm>> -> memref<384xf32, #tpu.memory_space<hbm>>
      %dma_start3A_584 = tpu.memref_slice %arg9[%mul3A_580] : memref<12288xf32, #tpu.memory_space<hbm>> -> memref<384xf32, #tpu.memory_space<hbm>>
      tpu.enqueue_dma source(%arg15 : memref<384xf32, #tpu.memory_space<vmem>>) target(%dma_start3A_584 : memref<384xf32, #tpu.memory_space<hbm>>) target_semaphore(%run_scoped3A : memref<!tpu.dma_semaphore, #tpu.memory_space<semaphore_mem>>)
      %dma_wait3A = tpu.memref_slice %arg9[%mul3A_580] : memref<12288xf32, #tpu.memory_space<hbm>> -> memref<384xf32, #tpu.memory_space<hbm>>
      %dma_wait3A_585 = tpu.memref_slice %arg9[%mul3A_580] : memref<12288xf32, #tpu.memory_space<hbm>> -> memref<384xf32, #tpu.memory_space<hbm>>
      tpu.wait_dma2 semaphore(%run_scoped3A : memref<!tpu.dma_semaphore, #tpu.memory_space<semaphore_mem>>) src(%arg15 : memref<384xf32, #tpu.memory_space<vmem>>) dst(%dma_wait3A_585 : memref<384xf32, #tpu.memory_space<hbm>>)
      tpu.yield
    }) : () -> ()
    %mul3A_581 = arith.constant 384 : i32
    %mul3A_582 = arith.muli %add3A, %mul3A_581 : i32
    "tpu.region"() ({
      %run_scoped3A = tpu.sem_alloc : memref<!tpu.dma_semaphore, #tpu.memory_space<semaphore_mem>>
      %dma_start3A_583 = tpu.memref_slice %arg10[%mul3A_582] : memref<12288xi32, #tpu.memory_space<hbm>> -> memref<384xi32, #tpu.memory_space<hbm>>
      %dma_start3A_584 = tpu.memref_slice %arg10[%mul3A_582] : memref<12288xi32, #tpu.memory_space<hbm>> -> memref<384xi32, #tpu.memory_space<hbm>>
      tpu.enqueue_dma source(%arg16 : memref<384xi32, #tpu.memory_space<vmem>>) target(%dma_start3A_584 : memref<384xi32, #tpu.memory_space<hbm>>) target_semaphore(%run_scoped3A : memref<!tpu.dma_semaphore, #tpu.memory_space<semaphore_mem>>)
      %dma_wait3A = tpu.memref_slice %arg10[%mul3A_582] : memref<12288xi32, #tpu.memory_space<hbm>> -> memref<384xi32, #tpu.memory_space<hbm>>
      %dma_wait3A_585 = tpu.memref_slice %arg10[%mul3A_582] : memref<12288xi32, #tpu.memory_space<hbm>> -> memref<384xi32, #tpu.memory_space<hbm>>
      tpu.wait_dma2 semaphore(%run_scoped3A : memref<!tpu.dma_semaphore, #tpu.memory_space<semaphore_mem>>) src(%arg16 : memref<384xi32, #tpu.memory_space<vmem>>) dst(%dma_wait3A_585 : memref<384xi32, #tpu.memory_space<hbm>>)
      tpu.yield
    }) : () -> ()
    "tpu.trace_stop"() : () -> ()
    return
  }
}

</mosaic_0001>

<sc_bundles>
// kernel: _sc_topk.3.cloned.1.call-start
scs
__scs_entry_jumppad:
0x0: {  	(pc) =	sbr.rel $0x88, $3  }
0x1: {  	(tag) =	ssettag $0x0;
	lr =	simm.s32 $0x1  }
0x2: {  	[smem:$0x3F9E] =	sst lr;
	_ =	strace $0xD0000000  }
0x3: {  	_ = 	snop  }
0x4: {  	_ = 	snop  }
0x5: {  	_ = 	snop  }
0x6: {  	_ = 	snop  }
0x7: {  	_ = 	snop  }
__scs_overlays_trampoline_lowered:
0x8: {  	[smem:$0x3FAD] =	sst s0  }
0x9: {  	[smem:$0x3FAE] =	sst s1  }
0xa: {  	[smem:$0x3FAF] =	sst s2  }
0xb: {  	[smem:$0x3FB0] =	sst s3  }
0xc: {  	[smem:$0x3FB1] =	sst s4  }
0xd: {  	[smem:$0x3FB2] =	sst s5  }
0xe: {  	[smem:$0x3FB3] =	sst s6  }
0xf: {  	[smem:$0x3FB4] =	sst s7  }
0x10: {  	[smem:$0x3FB5] =	sst s8  }
0x11: {  	[smem:$0x3FB6] =	sst s9;
	s0 =	simm.s32 @!p0 $0x0  }
0x12: {  	s1 =	sld [smem:$0x3F9C];
	s0 =	simm.s32 @p0 $0x1  }
0x13: {  	[smem:$0x3FB7] =	sst s0;
	s0 =	simm.s32 @!p1 $0x0  }
0x14: {  	s2 =	sld [smem:$0x3F9B];
	s0 =	simm.s32 @p1 $0x1  }
0x15: {  	[smem:$0x3FB8] =	sst s0;
	s0 =	simm.s32 @!p2 $0x0  }
0x16: {  	s3 =	sld [smem:$0x3FDB];
	s0 =	simm.s32 @p2 $0x1  }
0x17: {  	s4 =	simm.s32 $0x1BF5;
	[smem:$0x3FBA] =	sst s0  }
0x18: {  	s0 =	sld [smem:$0x3F9D];
	_ =	swait.ge [sflag:s4], $0x0  }
0x19: {  	s7 =	sld [smem:$0x3F9E]  }
0x1a: {  	s8 =	sadd.s32 $0xFFFFE003, lr  }
0x1b: {  	s9 =	sadd.s32 $0xFFFFFEF7, lr;
	s5 =	simm.s32 $0xFFFFFFFF;
	p2 =	slt.u32 s8, $0xFFFFF086  }
0x1c: {  	p1 =	slt.u32 s9, $0xF7A;
	s5 =	simm.s32 @!p2 $0x0  }
0x1d: {  	s5 =	simm.s32 @p1 $0x1;
	p0 =	seq.s32 s7, s2  }
0x1e: {  	s7 =	smul.u32 @!p0 $0xF7A, s2;
	p2 =	seq.s32 @!p0 s5, $0x0  }
0x1f: {  	s9 =	smul.u32 $0xF7A, s1;
	s8 =	simm.s32 @!p0 $0x1BF5;
	p2 =	por !p2, p0  }
0x20: {  	[sflag:s8] =	ssyncset.s32 @!p0 $0xFFFFF086;
	s6 =	sadd.s32 @!p0 s3, s7;
	s7 =	simm.s32 @!p0 $0x108  }
0x21: {  	s3 =	sadd.s32 s3, s9;
	s6 =	sadd.s32 @!p0 $0x88, s6;
	s7 =	simm.s32 @p2 $0x1082  }
0x22: {  	[simem:s7], [sflag:s8] =	dma.local @!p0 [hbm:s6], $0xF7A  }
0x23: {  	s9 =	sor.u32 $0xD0000000, s2;
	s6 =	simm.s32 $0x108;
	_ =	swait.ge @!p0 [sflag:s8], $0x0  }
0x24: {  	s3 =	sadd.s32 $0x88, s3;
	s6 =	simm.s32 @!p1 $0x1082;
	[sflag:s4] =	ssyncset.s32 $0xFFFFF086  }
0x25: {  	[simem:s6], [sflag:s4] =	dma.local [hbm:s3], $0xF7A  }
0x26: {  	[smem:$0x3F9E] =	sst s1;
	(tag) =	ssettag s2;
	_ =	strace s9  }
0x27: {  	s1 =	sld [smem:$0x3FAE]  }
0x28: {  	s2 =	sld [smem:$0x3FAF]  }
0x29: {  	s4 =	sld [smem:$0x3FB1]  }
0x2a: {  	p0 =	seq.s32 s5, $0x0;
	s5 =	sld [smem:$0x3FB2]  }
0x2b: {  	s6 =	sld [smem:$0x3FB3]  }
0x2c: {  	s7 =	sld [smem:$0x3FB4]  }
0x2d: {  	s3 =	simm.s32 $0x108;
	s8 =	sld [smem:$0x3FB5]  }
0x2e: {  	s3 =	simm.s32 @!p0 $0x1082;
	s9 =	sld [smem:$0x3FB6]  }
0x2f: {  	lr =	sadd.s32 s0, s3;
	s0 =	sld [smem:$0x3FAD]  }
0x30: {  	s3 =	sld [smem:$0x3FB0]  }
0x31: {  	[smem:$0x3FB9] =	sst s10  }
0x32: {  	s10 =	sld [smem:$0x3FB7];
	_ =	sdelay $0x3  }
0x33: {  	p0 =	seq.s32 s10, $0x1;
	s10 =	sld [smem:$0x3FB9];
	_ =	sdelay $0x3  }
0x34: {  	[smem:$0x3FB9] =	sst s10  }
0x35: {  	s10 =	sld [smem:$0x3FB8];
	_ =	sdelay $0x3  }
0x36: {  	p1 =	seq.s32 s10, $0x1;
	s10 =	sld [smem:$0x3FB9];
	_ =	sdelay $0x3  }
0x37: {  	[smem:$0x3FB9] =	sst s10  }
0x38: {  	s10 =	sld [smem:$0x3FBA]  }
0x39: {  	_ = 	snop;
	(pc) =	sbr.ind lr, $3  }
0x3a: {  	_ = 	snop  }
0x3b: {  	_ = 	snop  }
0x3c: {  	p2 =	seq.s32 s10, $0x1;
	s10 =	sld [smem:$0x3FB9]  }
0x3d: {  	_ =	shalt  }
0x3e: {  	_ =	shalt  }
0x3f: {  	_ =	shalt  }
0x40: {  	_ =	shalt  }
0x41: {  	_ =	shalt  }
0x42: {  	_ =	shalt  }
0x43: {  	_ =	shalt  }
0x44: {  	_ =	shalt  }
0x45: {  	_ =	shalt  }
0x46: {  	_ =	shalt  }
0x47: {  	_ =	shalt  }
0x48: {  	_ =	shalt  }
0x49: {  	_ =	shalt  }
0x4a: {  	_ =	shalt  }
0x4b: {  	_ =	shalt  }
0x4c: {  	_ =	shalt  }
0x4d: {  	_ =	shalt  }
0x4e: {  	_ =	shalt  }
0x4f: {  	_ =	shalt  }
0x50: {  	_ =	shalt  }
0x51: {  	_ =	shalt  }
0x52: {  	_ =	shalt  }
0x53: {  	_ =	shalt  }
0x54: {  	_ =	shalt  }
0x55: {  	_ =	shalt  }
0x56: {  	_ =	shalt  }
0x57: {  	_ =	shalt  }
0x58: {  	_ =	shalt  }
0x59: {  	_ =	shalt  }
0x5a: {  	_ =	shalt  }
0x5b: {  	_ =	shalt  }
0x5c: {  	_ =	shalt  }
0x5d: {  	_ =	shalt  }
0x5e: {  	_ =	shalt  }
0x5f: {  	_ =	shalt  }
0x60: {  	_ =	shalt  }
0x61: {  	_ =	shalt  }
0x62: {  	_ =	shalt  }
0x63: {  	_ =	shalt  }
0x64: {  	_ =	shalt  }
0x65: {  	_ =	shalt  }
0x66: {  	_ =	shalt  }
0x67: {  	_ =	shalt  }
0x68: {  	_ =	shalt  }
0x69: {  	_ =	shalt  }
0x6a: {  	_ =	shalt  }
0x6b: {  	_ =	shalt  }
0x6c: {  	_ =	shalt  }
0x6d: {  	_ =	shalt  }
0x6e: {  	_ =	shalt  }
0x6f: {  	_ =	shalt  }
0x70: {  	_ =	shalt  }
0x71: {  	_ =	shalt  }
0x72: {  	_ =	shalt  }
0x73: {  	_ =	shalt  }
0x74: {  	_ =	shalt  }
0x75: {  	_ =	shalt  }
0x76: {  	_ =	shalt  }
0x77: {  	_ =	shalt  }
0x78: {  	_ =	shalt  }
0x79: {  	_ =	shalt  }
0x7a: {  	_ =	shalt  }
0x7b: {  	_ =	shalt  }
0x7c: {  	_ =	shalt  }
0x7d: {  	_ =	shalt  }
0x7e: {  	_ =	shalt  }
0x7f: {  	_ =	shalt  }
0x80: {  	_ =	shalt  }
0x81: {  	_ =	shalt  }
0x82: {  	_ =	shalt  }
0x83: {  	_ =	shalt  }
0x84: {  	_ =	shalt  }
0x85: {  	_ =	shalt  }
0x86: {  	_ =	shalt  }
0x87: {  	_ =	shalt  }
.Lfunc_end0:
.L_simem_size_0:
called_computation_lowered:
.L_overlay_start_0:
0x88: {  	s2 =	sld [smem:$0x3FD9]  }
0x89: {  	s3 =	sld [smem:$0x3FFE];
	_ =	sdelay $0x1  }
0x8a: {  	s1 =	srdreg.scid  }
0x8b: {  	s0 =	sand.u32 $0x1, s1  }
0x8c: {  	s15 =	sshll.u32 s0, $0xA;
	s2 =	sadd.s32 s3, s2  }
0x8d: {  	s2 =	sadd.s32 s2, s15  }
0x8e: {  	[smem:$0x3FC5] =	sst s2  }
0x8f: {  	_ = 	snop  }
0x90: {  	s2 =	sld [smem:$0x3FD0]  }
0x91: {  	s16 =	sld [smem:$0x3FC9]  }
0x92: {  	s4 =	sld [smem:$0x3FC8]  }
0x93: {  	s6 =	simm.s32 $0xA;
	s7 =	simm.s32 $0x10;
	s5 =	sld [smem:$0x3FC7]  }
0x94: {  	[smem:s7], [sflag:s6] =	dma.local [hbm:s2], $0x1  }
0x95: {  	_ =	swait.eq [sflag:s6], $0x1  }
0x96: {  	s17 =	sld [smem:$0x10]  }
0x97: {  	s18 =	sld [smem:$0x11]  }
0x98: {  	s8 =	sld [smem:$0x12]  }
0x99: {  	s9 =	sld [smem:$0x13];
	[sflag:s6] =	ssyncset.done $0x0  }
0x9a: {  	s10 =	sld [smem:$0x14];
	[sflag:s6] =	ssyncadd.s32 $0xFFFFFFFF  }
0x9b: {  	s19 =	sld [smem:$0x15];
	(tm) =	ssettm $0x1  }
0x9c: {  	s11 =	sld [smem:$0x3FFB];
	_ =	sdelay $0x3  }
0x9d: {  	_ =	strace s11  }
0x9e: {  	s11 =	sld [smem:$0x3FFC];
	_ =	sdelay $0x3  }
0x9f: {  	_ =	strace s11  }
0xa0: {  	s11 =	sld [smem:$0x3FFD];
	_ =	sdelay $0x3  }
0xa1: {  	_ =	strace s11  }
0xa2: {  	_ =	strace $0x8FFFFFFF  }
0xa3: {  	s20 =	sld [smem:$0x3FDB];
	_ =	sdelay $0x1  }
0xa4: {  	s12 =	simm.s32 $_scs_section_size  }
0xa5: {  	s13 =	simm.s32 $_size__tile_overlayer_lowered;
	s14 =	simm.s32 $_tile_overlayer_lowered  }
0xa6: {  	s23 =	simm.s32 $0x1BFF;
	s22 =	sshll.u32 s14, $0x1;
	s11 =	sadd.s32 s12, s20  }
0xa7: {  	s21 =	sshll.u32 s13, $0x1;
	s15 =	simm.s32 $0x0;
	s13 =	sadd.s32 s22, s11  }
0xa8: {  	[timem:s15], [sflag:s23] =	dma.local [hbm:s13], s21  }
0xa9: {  	_ =	swait.ge [sflag:s23], s21  }
0xaa: {  	s12 =	ssub.s32 $0x0, s21;
	[sflag:s23] =	ssyncset.done $0x0  }
0xab: {  	[sflag:s23] =	ssyncadd.s32 s12;
	_ =	sdelay $0x1  }
0xac: {  	s24 =	simm.s32 $0x1B8B  }
0xad: {  	_ =	swait.ge [sflag:s24], $0x1  }
0xae: {  	[sflag:s24] =	ssyncset.done $0x0  }
0xaf: {  	s25 =	simm.s32 $0x1B8E;
	[sflag:s24] =	ssyncadd.s32 $0xFFFFFFFF  }
0xb0: {  	s26 =	simm.s32 $execute0_lowered;
	[smem:$0x3FD2] =	sst s25  }
0xb1: {  	s12 =	sshll.u32 s26, $0x1;
	_ =	strace $0x80000046;
	[dreg:$0x1] =	wrdreg $0xFFFFFFFF  }
0xb2: {  	s28 =	simm.s32 $_size_execute0_lowered;
	s11 =	sadd.s32 s11, s12;
	[dreg:$0x0] =	wrdreg $0x0  }
0xb3: {  	s12 =	sshll.u32 s28, $0x1;
	[dreg:$0x2] =	wrdreg s11  }
0xb4: {  	[dreg:$0x3] =	wrdreg s12  }
0xb5: {  	[dreg:$0x4] =	wrdreg $0xC0  }
0xb6: {  	_ =	task [dreg:s15], $0x5FFFF  }
0xb7: {  	[dreg:$0x1] =	wrdreg $0xFFFFFFFF  }
0xb8: {  	[dreg:$0x0] =	wrdreg $0x60  }
0xb9: {  	[dreg:$0x2] =	wrdreg s16  }
0xba: {  	[dreg:$0x3] =	wrdreg s4  }
0xbb: {  	[dreg:$0x4] =	wrdreg s5  }
0xbc: {  	[dreg:$0x5] =	wrdreg s17  }
0xbd: {  	[dreg:$0x6] =	wrdreg s18  }
0xbe: {  	[dreg:$0x7] =	wrdreg s8  }
0xbf: {  	[dreg:$0x8] =	wrdreg s9  }
0xc0: {  	[dreg:$0x9] =	wrdreg s10  }
0xc1: {  	[dreg:$0xa] =	wrdreg s19  }
0xc2: {  	[dreg:$0xb] =	wrdreg $0x9  }
0xc3: {  	_ =	task.clear_ibuf [dreg:s15], $0xCFFFF;
	_ =	strace $0x90000046  }
0xc4: {  	s29 =	simm.s32 $0x9;
	_ =	strace $0x8000004B  }
0xc5: {  	_ =	swait.ge [sflag:s29], $0x1  }
0xc6: {  	[sflag:s29] =	ssyncadd.s32 $0xFFFFFFFF  }
0xc7: {  	_ =	strace $0x9000004B  }
0xc8: {  	_ =	sfence  }
0xc9: {  	s30 =	sld [smem:$0x0];
	_ =	sdelay $0x2  }
0xca: {  	s31 =	sshll.u32 s1, $0xD;
	s1 =	sshrl.u32 s1, $0x2  }
0xcb: {  	s3 =	sand.u32 $0x4000, s31;
	s1 =	sadd.s32 s1, s30  }
0xcc: {  	s0 =	sor.u32 s3, s0;
	s1 =	sshll.u32 s1, $0x11  }
0xcd: {  	s0 =	sor.u32 s1, s0  }
0xce: {  	s0 =	sadd.s32 $0x8F2B, s0  }
0xcf: {  	[sflag:s0] =	ssyncadd.remote.s32 $0x1  }
0xd0: {  	_ =	sfence.sel $0xFFFF  }
0xd1: {  	[dreg:$0x0] =	wrdreg $0xFFFFFFFF;
	(pc) =	sbr.abs _section_cstart, $3  }
0xd2: {  	[dreg:$0x1] =	wrdreg $0xFFFFFFFF  }
0xd3: {  	_ =	task.clear_ibuf [dreg:s15], $0x2FFFF;
	_ =	strace $0x9FFFFFFF  }
0xd4: {  	(tm) =	ssettm $0x7FFFFFFF  }
0xd5: {  	_ =	shalt  }
tec
execute0_lowered:
.L_overlay_start_1:
0x0: {  	(tag) =	ssettag $0x1  }
0x1: {  	v0 =	vimm.s32 $0x76543210;
	v1 =	vimm.s32 $0xFEDCBA98  }
0x2: {  	v2 =	vimm.s32 $0xBA98FEDC;
	v3 =	vimm.s32 $0x32107654;
	v4 =	vimm.s32 $0xDCFE98BA  }
0x3: {  	v5 =	vimm.s32 $0x54761032;
	v6 =	vimm.s32 $0xEFCDAB89;
	v7 =	vimm.s32 $0x67452301  }
0x4: {  	vm0 =	vcmask $0x3F10;
	vm1 =	vmmov $0x1;
	vm2 =	vcmask $0x300  }
0x5: {  	vm3 =	vcmask $0x704;
	vm4 =	vcmask $0x3B38;
	v10 =	vimm.f32 $-Inf  }
0x6: {  	v11 =	vimm.s32 $0x0;
	v0 =	vunpack.c.l.s4.s8 v0;
	v1 =	vunpack.c.l.s4.s8 v1  }
0x7: {  	v2 =	vunpack.c.l.s4.s8 v2;
	v3 =	vunpack.c.l.s4.s8 v3;
	v4 =	vunpack.c.l.s4.s8 v4  }
0x8: {  	s23 =	rddreg [dreg:$0x0];
	v5 =	vunpack.c.l.s4.s8 v5;
	v6 =	vunpack.c.l.s4.s8 v6;
	v7 =	vunpack.c.l.s4.s8 v7  }
0x9: {  	s11 =	rddreg [dreg:$0x1];
	v2 =	vunpack.c.0.s8.s32 v2;
	v3 =	vunpack.c.0.s8.s32 v3;
	v4 =	vunpack.c.0.s8.s32 v4  }
0xa: {  	s1 =	rddreg [dreg:$0x2];
	v5 =	vunpack.c.0.s8.s32 v5;
	v8 =	vunpack.c.0.s8.s32 v1;
	v6 =	vunpack.c.0.s8.s32 v6  }
0xb: {  	s0 =	rddreg [dreg:$0x3];
	v7 =	vunpack.c.0.s8.s32 v7;
	v9 =	vunpack.c.0.s8.s32 v0;
	v0 =	vcombine.low v3, v2  }
0xc: {  	s4 =	rddreg [dreg:$0x4];
	v1 =	vcombine.low v5, v4;
	v2 =	vlaneseq.u32;
	v4 =	vand.u32 $0xF, v8  }
0xd: {  	s2 =	rddreg [dreg:$0x7];
	v3 =	vcombine.low v7, v6;
	v8 =	vimm.s32 $0x8380;
	v4 =	vcombine.low v4, v9  }
0xe: {  	s3 =	rddreg [dreg:$0x8];
	s5 =	simm.s32 $0x0;
	s6 =	srdreg.scid;
	v9 =	vimm.s32 $0x8381;
	v8 =	vsel vm2, $0x0, v8;
	v5 =	vand.u32 $0xF, v0  }
0xf: {  	s10 =	stileid.u32;
	s28 =	simm.s32 $0x17380;
	s31 =	simm.s32 $0x12000;
	v6 =	vand.u32 $0xF, v1;
	v7 =	vand.u32 $0xF, v3;
	v9 =	vsel vm2, $0x1, v9  }
0x10: {  	[smem:$0x7FF] =	sst s5;
	s6 =	sand.u32 $0x1, s6;
	s8 =	sshll.u32 s10, $0x1;
	v8 =	vsel vm3, $0x80, v8;
	vm2 =	vcmask $0xB08;
	v9 =	vsel vm3, $0x81, v9  }
0x11: {  	s26 =	sshll.u32 s10, $0xE;
	_ =	strace $0x80000047;
	s7 =	ssub.s32 $0x2, s6;
	v8 =	vsel vm2, $0x100, v8;
	vm3 =	vcmask $0xF0C;
	v9 =	vsel vm2, $0x101, v9  }
0x12: {  	s6 =	sor.u32 s6, s8;
	s29 =	sand.u32 $0x38000, s26;
	s9 =	sshrl.u32 s7, $0x1;
	v8 =	vsel vm3, $0x180, v8;
	vm2 =	vcmask $0x1310;
	v9 =	vsel vm3, $0x181, v9  }
0x13: {  	s21 =	sshll.u32 s6, $0x5;
	s8 =	sshll.u32 s6, $0x1;
	s22 =	sadd.s32 s23, s29;
	v8 =	vsel vm2, $0x200, v8;
	vm3 =	vcmask $0x1714;
	v9 =	vsel vm2, $0x201, v9  }
0x14: {  	s12 =	sshll.u32 s6, $0x7;
	s25 =	smul.u32 $0x30, s6;
	[dreg:$0xa] =	wrdreg s29;
	v8 =	vsel vm3, $0x280, v8;
	vm2 =	vcmask $0x1B18;
	v9 =	vsel vm3, $0x281, v9  }
0x15: {  	s30 =	ssub.s32 s7, s9;
	s7 =	smov.u32 s11;
	s9 =	sand.u32 $0x60, s21;
	v8 =	vsel vm2, $0x300, v8;
	vm3 =	vcmask $0x1F1C;
	v9 =	vsel vm2, $0x301, v9  }
0x16: {  	s0 =	sadd.s32 s0, s8;
	s24 =	sadd.s32 s4, s8;
	s20 =	sadd.s32 s1, s12;
	v8 =	vsel vm3, $0x380, v8;
	vm2 =	vcmask $0x2320;
	v9 =	vsel vm3, $0x381, v9  }
0x17: {  	s4 =	simm.s32 $0x2000;
	s1 =	simm.s32 $0x0;
	[dreg:$0xb] =	wrdreg s0;
	v8 =	vsel vm2, $0x8000, v8;
	vm3 =	vcmask $0x2724;
	v9 =	vsel vm2, $0x8001, v9  }
0x18: {  	s9 =	sadd.s32 s9, s22;
	[dreg:$0xc] =	wrdreg s24;
	s13 =	sadd.s32 $0x200, s7;
	v8 =	vsel vm3, $0x8080, v8;
	vm2 =	vcmask $0x2B28;
	v9 =	vsel vm3, $0x8081, v9  }
0x19: {  	s14 =	sadd.s32 $0x400, s7;
	s15 =	sadd.s32 $0x600, s7;
	s16 =	sadd.s32 $0x800, s7;
	v8 =	vsel vm2, $0x8100, v8;
	vm3 =	vcmask $0x2F2C;
	v9 =	vsel vm2, $0x8101, v9  }
0x1a: {  	s17 =	sadd.s32 $0xA00, s7;
	s18 =	sadd.s32 $0xC00, s7;
	s26 =	sadd.s32 s2, s25;
	v8 =	vsel vm3, $0x8180, v8;
	vm2 =	vcmask $0x3330;
	v9 =	vsel vm3, $0x8181, v9  }
0x1b: {  	s19 =	sadd.s32 $0xE00, s7;
	s0 =	sadd.s32 s3, s25;
	[dreg:$0xd] =	wrdreg s26;
	v8 =	vsel vm2, $0x8200, v8;
	vm3 =	vcmask $0x3734;
	v9 =	vsel vm2, $0x8201, v9  }
0x1c: {  	s30 =	smax.u32 s30, $0x1;
	s24 =	simm.s32 $0x1;
	[dreg:$0xe] =	wrdreg s0;
	v8 =	vsel vm3, $0x8280, v8;
	vm2 =	vcmask $0x710;
	v9 =	vsel vm3, $0x8281, v9  }
0x1d: {  	s25 =	simm.s32 $0x17300;
	[dreg:$0xf] =	wrdreg s30;
	s26 =	simm.s32 $0x4;
	v8 =	vsel vm4, $0x8300, v8;
	vm3 =	vcmask $0x70C;
	v9 =	vsel vm4, $0x8301, v9  }
.LBB2_1:
0x1e: {  	[dreg:$0x10] =	wrdreg s1  }
0x1f: {  	s0 =	simm.s32 $0x0;
	s2 =	simm.s32 $0x0;
	_ =	strace $0x80000048  }
.LBB2_2:
0x20: {  	p0 =	seq.s32 s2, $0xF80  }
.Ltmp0:
0x21: {  	_ = 	snop;
	(pc) =	sbr.rel @!p0 .LBB2_2-.Ltmp0, $4  }
0x22: {  	_ = 	snop  }
0x23: {  	s3 =	sadd.s32 s2, s9;
	s1 =	simm.s32 $0x0  }
0x24: {  	[tilespmem:s0], [sflag:$0x1] =	stream.linear.gather [hbm4b:s3+s1], $0x80, $0x200038;
	[tilespmem:$0x17400] =	vst v63  }
0x25: {  	s2 =	sadd.s32 $0x80, s2;
	s0 =	sadd.s32 $0x100, s0  }
0x26: {  	v17 =	vimm.f32 $-Inf  }
0x27: {  	v16 =	vimm.s32 $0x0;
	p0 =	por $0x1, $0x1;
	v15 =	vimm.s32 $0x0;
	v14 =	vimm.f32 $-Inf;
	s3 =	simm.s32 $0x0  }
.LBB2_5:
0x28: {  	s0 =	simm.s32 $0x1;
	s2 =	sand.u32 $0x1, s3  }
0x29: {  	s3 =	sadd.s32 $0x1, s3;
	s0 =	simm.s32 @!p0 $0x0;
	s30 =	sadd.s32 $0x1, s2  }
0x2a: {  	s10 =	sshll.u32 s3, $0xC;
	s11 =	sshrl.u32 s3, $0x3;
	s21 =	sxor.u32 $0x1, s2  }
0x2b: {  	s6 =	sshll.u32 s0, $0x7;
	s10 =	sand.u32 $0x7000, s10;
	s11 =	sadd.s32 s8, s11  }
0x2c: {  	_ =	swait.ge [sflag:s30], $0x1000;
	s10 =	sor.u32 s10, s29;
	s11 =	sshll.u32 s11, $0x4  }
0x2d: {  	s0 =	sadd.s32 $0x1, s21;
	s11 =	sand.u32 $0x70, s11;
	s10 =	sadd.s32 s23, s10  }
0x2e: {  	[sflag:s30] =	ssyncset.done $0x0;
	s21 =	sadd.s32 $0x100, s6;
	s10 =	sadd.s32 s11, s10  }
0x2f: {  	[sflag:s30] =	ssyncadd.s32 $0xFFFFF000;
	s11 =	simm.s32 $0x80;
	s22 =	sadd.s32 $0x0, s10  }
.LBB2_6:
0x30: {  	[tilespmem:s6], [sflag:s0] =	stream.linear.gather [hbm4b:s22+s5], $0x80, $0x200038;
	[tilespmem:$0x17400] =	vst v63  }
0x31: {  	s22 =	smov.u32 s11;
	s6 =	smov.u32 s21;
	p1 =	sne.s32 s11, $0xF80  }
.Ltmp1:
0x32: {  	s11 =	sadd.s32 $0x80, s11;
	(pc) =	sbr.rel @p1 .LBB2_6-.Ltmp1, $2  }
0x33: {  	_ =	sdelay $0x2  }
0x34: {  	s21 =	sadd.s32 $0x100, s21;
	s22 =	sadd.s32 s22, s10  }
0x35: {  	[tilespmem:s6], [sflag:s0] =	stream.linear.gather [hbm4b:s22+s5], $0x80, $0x200038;
	[tilespmem:$0x17400] =	vst v63  }
0x36: {  	s21 =	simm.s32 $0x0  }
0x37: {  	s2 =	sshll.u32 s2, $0x7;
	s22 =	sand.u32 $0x1F00, s21  }
0x38: {  	s0 =	sand.u32 $0x70, s21;
	s6 =	sor.u32 s22, s2  }
0x39: {  	s0 =	sadd.s32 s0, s6  }
0x3a: {  	v18 =	vld [tilespmem:s0+$0x0];
	_ =	sdelay $0x1  }
0x3b: {  	s6 =	simm.s32 $0x20  }
0x3c: {  	s10 =	simm.s32 $0x10;
	s30 =	sand.u32 $0x1F00, s6  }
0x3d: {  	s11 =	sand.u32 $0x70, s10;
	s21 =	sadd.s32 $0x0, s1;
	s0 =	sor.u32 s30, s2  }
0x3e: {  	v13 =	vor.u32 s21, v2;
	s0 =	sadd.s32 s11, s0;
	vm5 =	vgt.f32 v18, v17  }
0x3f: {  	s11 =	simm.s32 $0x20;
	v12 =	vld [tilespmem:s0+$0x0];
	vm4 =	vgt.f32 v18, v14;
	v17 =	vsel vm5, v18, v17;
	v16 =	vsel vm5, v13, v16  }
.LBB2_8:
0x40: {  	p1 =	seq.s32 s11, $0xFF0;
	v17 =	vsel vm4, v14, v17;
	v14 =	vsel vm4, v18, v14;
	v16 =	vsel vm4, v15, v16;
	s0 =	smov.u32 s11;
	s11 =	sadd.s32 $0x10, s11  }
.Ltmp2:
0x41: {  	s6 =	sadd.s32 $0x20, s6;
	v15 =	vsel vm4, v13, v15;
	(pc) =	sbr.rel @!p1 .LBB2_8-.Ltmp2, $4  }
0x42: {  	s21 =	sand.u32 $0x1F00, s6  }
0x43: {  	s10 =	sadd.s32 s10, s1;
	s22 =	sand.u32 $0x70, s0;
	s21 =	sor.u32 s21, s2  }
0x44: {  	v13 =	vor.u32 s10, v2;
	s10 =	smov.u32 s0;
	s21 =	sadd.s32 s22, s21;
	vm5 =	vgt.f32 v12, v17;
	v18 =	vmov v12  }
0x45: {  	v12 =	vld [tilespmem:s21+$0x0];
	vm4 =	vgt.f32 v18, v14;
	v17 =	vsel vm5, v18, v17;
	v16 =	vsel vm5, v13, v16  }
0x46: {  	_ =	sdelay $0x1  }
0x47: {  	v18 =	vsel vm4, v18, v14  }
0x48: {  	v14 =	vsel vm4, v14, v17;
	v16 =	vsel vm4, v15, v16;
	v13 =	vsel vm4, v13, v15;
	s0 =	sadd.s32 s10, s1  }
0x49: {  	v15 =	vor.u32 s0, v2;
	vm4 =	vgt.f32 v12, v14;
	vm5 =	vgt.f32 v12, v18  }
0x4a: {  	v17 =	vsel vm4, v12, v14;
	v16 =	vsel vm4, v15, v16;
	v14 =	vsel vm5, v12, v18  }
0x4b: {  	v15 =	vsel vm5, v15, v13;
	v17 =	vsel vm5, v18, v17;
	v16 =	vsel vm5, v13, v16  }
0x4c: {  	p1 =	seq.s32 s3, $0x8  }
.Ltmp3:
0x4d: {  	_ = 	snop;
	(pc) =	sbr.rel @!p1 .LBB2_5-.Ltmp3, $2  }
0x4e: {  	_ =	sdelay $0x2  }
0x4f: {  	p0 =	por !p0, !p0;
	s1 =	sadd.s32 $0x1000, s1  }
0x50: {  	v12 =	vperm.xlane v14, v4;
	_ =	sdelay $0x1  }
0x51: {  	v12 =	vmax.f32 v14, v12  }
0x52: {  	v13 =	vperm.xlane v12, v5;
	_ =	sdelay $0x1  }
0x53: {  	v12 =	vmax.f32 v12, v13  }
0x54: {  	v13 =	vperm.xlane v12, v6;
	_ =	sdelay $0x1  }
0x55: {  	v12 =	vmax.f32 v12, v13  }
0x56: {  	v13 =	vperm.xlane v12, v7;
	_ =	sdelay $0x1  }
0x57: {  	v12 =	vmax.f32 v12, v13  }
0x58: {  	vm4 =	veq.f32 v14, v12  }
0x59: {  	v13 =	vnsel vm4, $0x7FFFFFFF, v15  }
0x5a: {  	v18 =	vperm.xlane v13, v4;
	_ =	sdelay $0x1  }
0x5b: {  	vm4 =	vlt.s32 v13, v18  }
0x5c: {  	v13 =	vsel vm4, v13, v18  }
0x5d: {  	v18 =	vperm.xlane v13, v5;
	_ =	sdelay $0x1  }
0x5e: {  	vm4 =	vlt.s32 v13, v18  }
0x5f: {  	v13 =	vsel vm4, v13, v18  }
0x60: {  	v18 =	vperm.xlane v13, v6;
	_ =	sdelay $0x1  }
0x61: {  	vm4 =	vlt.s32 v13, v18  }
0x62: {  	v13 =	vsel vm4, v13, v18  }
0x63: {  	v18 =	vperm.xlane v13, v7;
	_ =	sdelay $0x1  }
0x64: {  	vm4 =	vlt.s32 v13, v18  }
0x65: {  	v13 =	vsel vm4, v13, v18  }
0x66: {  	vm4 =	veq.s32 v15, v13  }
0x67: {  	v17 =	vsel vm4, v17, v14  }
0x68: {  	v14 =	vperm.xlane v17, v4;
	_ =	sdelay $0x1  }
0x69: {  	v14 =	vmax.f32 v17, v14  }
0x6a: {  	v18 =	vperm.xlane v14, v5;
	_ =	sdelay $0x1  }
0x6b: {  	v14 =	vmax.f32 v14, v18  }
0x6c: {  	v18 =	vperm.xlane v14, v6;
	_ =	sdelay $0x1  }
0x6d: {  	v14 =	vmax.f32 v14, v18  }
0x6e: {  	v18 =	vperm.xlane v14, v7;
	_ =	sdelay $0x1  }
0x6f: {  	v14 =	vmax.f32 v14, v18  }
0x70: {  	v15 =	vsel vm4, v16, v15;
	vm4 =	veq.f32 v17, v14  }
0x71: {  	v15 =	vnsel vm4, $0x7FFFFFFF, v15  }
0x72: {  	v16 =	vperm.xlane v15, v4;
	_ =	sdelay $0x1  }
0x73: {  	vm4 =	vlt.s32 v15, v16  }
0x74: {  	v15 =	vsel vm4, v15, v16  }
0x75: {  	v16 =	vperm.xlane v15, v5;
	_ =	sdelay $0x1  }
0x76: {  	vm4 =	vlt.s32 v15, v16  }
0x77: {  	v15 =	vsel vm4, v15, v16  }
0x78: {  	v16 =	vperm.xlane v15, v6;
	_ =	sdelay $0x1  }
0x79: {  	vm4 =	vlt.s32 v15, v16  }
0x7a: {  	v20 =	vimm.f32 $-Inf;
	v19 =	vimm.s32 $0x0;
	v15 =	vsel vm4, v15, v16  }
0x7b: {  	p0 =	por $0x1, $0x1;
	s1 =	simm.s32 $0x0;
	s3 =	simm.s32 $0x0;
	v18 =	vimm.f32 $-Inf;
	v17 =	vimm.s32 $0x0;
	v16 =	vperm.xlane v15, v7  }
.LBB2_11:
0x7c: {  	p1 =	seq.s32 s3, $0x7  }
.Ltmp4:
0x7d: {  	s2 =	sand.u32 $0x1, s3;
	(pc) =	sbr.rel @p1 .LBB2_15-.Ltmp4, $4  }
0x7e: {  	s0 =	sadd.s32 $0x1, s2  }
0x7f: {  	_ =	swait.ge [sflag:s0], $0x1000  }
0x80: {  	[sflag:s0] =	ssyncset.done $0x0  }
0x81: {  	[sflag:s0] =	ssyncadd.s32 $0xFFFFF000  }
0x82: {  	s0 =	sadd.s32 $0x9, s3  }
0x83: {  	s10 =	sshrl.u32 s0, $0x3  }
0x84: {  	s6 =	simm.s32 $0x1;
	s21 =	sxor.u32 $0x1, s2;
	s10 =	sadd.s32 s8, s10  }
0x85: {  	s0 =	sshll.u32 s0, $0xC;
	s11 =	sshll.u32 s10, $0xC;
	s10 =	sshll.u32 s10, $0x4  }
0x86: {  	s0 =	sand.u32 $0x7000, s0;
	s11 =	sand.u32 $0xFFF8000, s11;
	s10 =	sand.u32 $0x70, s10  }
0x87: {  	s6 =	simm.s32 @!p0 $0x0;
	s11 =	sor.u32 s11, s0;
	s10 =	sadd.s32 s23, s10  }
0x88: {  	s6 =	sshll.u32 s6, $0x7;
	s0 =	sadd.s32 $0x1, s21;
	s10 =	sadd.s32 s11, s10  }
0x89: {  	s21 =	sadd.s32 $0x100, s6;
	s11 =	simm.s32 $0x80;
	s22 =	sadd.s32 $0x0, s10  }
.LBB2_13:
0x8a: {  	[tilespmem:s6], [sflag:s0] =	stream.linear.gather [hbm4b:s22+s5], $0x80, $0x200038;
	[tilespmem:$0x17400] =	vst v63  }
0x8b: {  	s22 =	smov.u32 s11;
	s6 =	smov.u32 s21;
	p1 =	sne.s32 s11, $0xF80  }
.Ltmp5:
0x8c: {  	s11 =	sadd.s32 $0x80, s11;
	(pc) =	sbr.rel @p1 .LBB2_13-.Ltmp5, $2  }
0x8d: {  	_ =	sdelay $0x2  }
0x8e: {  	s21 =	sadd.s32 $0x100, s21;
	s22 =	sadd.s32 s22, s10  }
0x8f: {  	[tilespmem:s6], [sflag:s0] =	stream.linear.gather [hbm4b:s22+s5], $0x80, $0x200038;
	[tilespmem:$0x17400] =	vst v63  }
.LBB2_15:
0x90: {  	s0 =	simm.s32 $0x0  }
0x91: {  	s2 =	sshll.u32 s2, $0x7;
	s6 =	sand.u32 $0x1F00, s0  }
0x92: {  	s0 =	sand.u32 $0x70, s0;
	s6 =	sor.u32 s6, s2  }
0x93: {  	s0 =	sadd.s32 s0, s6  }
0x94: {  	v23 =	vld [tilespmem:s0+$0x0];
	_ =	sdelay $0x1  }
0x95: {  	s6 =	simm.s32 $0x20  }
0x96: {  	s10 =	simm.s32 $0x10;
	s30 =	sand.u32 $0x1F00, s6  }
0x97: {  	s21 =	sadd.s32 $0x0, s1;
	s11 =	sand.u32 $0x70, s10;
	s0 =	sor.u32 s30, s2  }
0x98: {  	v22 =	vor.u32 s21, v2;
	s0 =	sadd.s32 s11, s0;
	vm5 =	vgt.f32 v23, v20  }
0x99: {  	s11 =	simm.s32 $0x20;
	v21 =	vld [tilespmem:s0+$0x0];
	vm4 =	vgt.f32 v23, v18;
	v20 =	vsel vm5, v23, v20;
	v19 =	vsel vm5, v22, v19  }
.LBB2_16:
0x9a: {  	p1 =	sne.s32 s11, $0xFF0;
	v20 =	vsel vm4, v18, v20;
	v18 =	vsel vm4, v23, v18;
	v19 =	vsel vm4, v17, v19;
	s0 =	smov.u32 s11;
	s11 =	sadd.s32 $0x10, s11  }
.Ltmp6:
0x9b: {  	s6 =	sadd.s32 $0x20, s6;
	v17 =	vsel vm4, v22, v17;
	(pc) =	sbr.rel @p1 .LBB2_16-.Ltmp6, $4  }
0x9c: {  	s21 =	sand.u32 $0x1F00, s6  }
0x9d: {  	s10 =	sadd.s32 s10, s1;
	s22 =	sand.u32 $0x70, s0;
	s21 =	sor.u32 s21, s2  }
0x9e: {  	v22 =	vor.u32 s10, v2;
	s10 =	smov.u32 s0;
	s21 =	sadd.s32 s22, s21;
	vm5 =	vgt.f32 v21, v20;
	v23 =	vmov v21  }
0x9f: {  	v21 =	vld [tilespmem:s21+$0x0];
	vm4 =	vgt.f32 v23, v18;
	v20 =	vsel vm5, v23, v20;
	v19 =	vsel vm5, v22, v19  }
0xa0: {  	s3 =	sadd.s32 $0x1, s3  }
0xa1: {  	p1 =	sne.s32 s3, $0x8  }
.Ltmp7:
0xa2: {  	v23 =	vsel vm4, v23, v18;
	(pc) =	sbr.rel @p1 .LBB2_11-.Ltmp7, $4  }
0xa3: {  	v18 =	vsel vm4, v18, v20;
	v19 =	vsel vm4, v17, v19;
	v17 =	vsel vm4, v22, v17;
	s0 =	sadd.s32 s10, s1  }
0xa4: {  	v22 =	vor.u32 s0, v2;
	vm4 =	vgt.f32 v21, v18;
	vm5 =	vgt.f32 v21, v23  }
0xa5: {  	v20 =	vsel vm4, v21, v18;
	v19 =	vsel vm4, v22, v19;
	v18 =	vsel vm5, v21, v23  }
0xa6: {  	p0 =	por !p0, !p0;
	s1 =	sadd.s32 $0x1000, s1;
	v20 =	vsel vm5, v23, v20;
	v19 =	vsel vm5, v17, v19;
	v17 =	vsel vm5, v22, v17  }
0xa7: {  	v21 =	vperm.xlane v18, v4;
	_ =	sdelay $0x1  }
0xa8: {  	v21 =	vmax.f32 v18, v21  }
0xa9: {  	v22 =	vperm.xlane v21, v5;
	_ =	sdelay $0x1  }
0xaa: {  	v21 =	vmax.f32 v21, v22  }
0xab: {  	v22 =	vperm.xlane v21, v6;
	_ =	sdelay $0x1  }
0xac: {  	v21 =	vmax.f32 v21, v22  }
0xad: {  	v22 =	vperm.xlane v21, v7;
	_ =	sdelay $0x1  }
0xae: {  	v21 =	vmax.f32 v21, v22  }
0xaf: {  	vm4 =	veq.f32 v18, v21  }
0xb0: {  	v58 =	vnsel vm4, $0x7FFFFFFF, v17  }
0xb1: {  	v23 =	vperm.xlane v58, v4;
	_ =	sdelay $0x1  }
0xb2: {  	vm4 =	vlt.s32 v58, v23  }
0xb3: {  	v22 =	vsel vm4, v58, v23  }
0xb4: {  	v23 =	vperm.xlane v22, v5;
	_ =	sdelay $0x1  }
0xb5: {  	vm4 =	vlt.s32 v22, v23  }
0xb6: {  	v22 =	vsel vm4, v22, v23  }
0xb7: {  	v23 =	vperm.xlane v22, v6;
	_ =	sdelay $0x1  }
0xb8: {  	vm4 =	vlt.s32 v22, v23  }
0xb9: {  	v22 =	vsel vm4, v22, v23  }
0xba: {  	v23 =	vperm.xlane v22, v7;
	_ =	sdelay $0x1  }
0xbb: {  	vm4 =	vlt.s32 v22, v23  }
0xbc: {  	v22 =	vsel vm4, v22, v23  }
0xbd: {  	vm4 =	veq.s32 v17, v22  }
0xbe: {  	v59 =	vsel vm4, v20, v18  }
0xbf: {  	v20 =	vperm.xlane v59, v4;
	_ =	sdelay $0x1  }
0xc0: {  	v20 =	vmax.f32 v59, v20  }
0xc1: {  	v60 =	vperm.xlane v20, v5;
	_ =	sdelay $0x1  }
0xc2: {  	v20 =	vmax.f32 v20, v60  }
0xc3: {  	v23 =	vperm.xlane v20, v6;
	_ =	sdelay $0x1  }
0xc4: {  	v20 =	vmax.f32 v20, v23  }
0xc5: {  	v23 =	vperm.xlane v20, v7;
	_ =	sdelay $0x1  }
0xc6: {  	v20 =	vmax.f32 v20, v23  }
0xc7: {  	v17 =	vsel vm4, v19, v17;
	vm4 =	veq.f32 v59, v20  }
0xc8: {  	v17 =	vnsel vm4, $0x7FFFFFFF, v17  }
0xc9: {  	v61 =	vperm.xlane v17, v4;
	_ =	sdelay $0x1  }
0xca: {  	vm4 =	vlt.s32 v17, v61  }
0xcb: {  	v17 =	vsel vm4, v17, v61  }
0xcc: {  	v18 =	vperm.xlane v17, v5;
	_ =	sdelay $0x1  }
0xcd: {  	vm4 =	vlt.s32 v17, v18  }
0xce: {  	v17 =	vsel vm4, v17, v18  }
0xcf: {  	v18 =	vperm.xlane v17, v6;
	_ =	sdelay $0x1  }
0xd0: {  	vm4 =	vlt.s32 v17, v18  }
0xd1: {  	v17 =	vsel vm4, v17, v18  }
0xd2: {  	vm4 =	vlt.s32 v15, v16;
	v18 =	vperm.xlane v17, v7  }
0xd3: {  	v14 =	vsel vm0, $0x0, v14;
	v15 =	vsel vm4, v15, v16  }
0xd4: {  	v12 =	vsel vm1, v12, v14;
	v62 =	vsel vm0, $0x0, v15;
	vm4 =	vlt.s32 v17, v18  }
0xd5: {  	v12 =	vsel vm2, v12, v20;
	v13 =	vsel vm1, v13, v62;
	v63 =	vsel vm4, v17, v18  }
0xd6: {  	v12 =	vsel vm3, v12, v21;
	v13 =	vsel vm2, v13, v63  }
0xd7: {  	[tilespmem:$0x17300] =	vst v12;
	v13 =	vsel vm3, v13, v22  }
0xd8: {  	s6 =	simm.s32 $0x0;
	s0 =	rddreg [dreg:$0xb];
	[tilespmem:$0x17380] =	vst v13  }
0xd9: {  	[hbm4b:s0+s6] =	stream.linear.scatter [tilespmem:s25], [sflag:$0x4], $0x10, $0x200038;
	[tilespmem:$0x17400] =	vst v63  }
0xda: {  	_ =	swait.ge [sflag:s26], $0x10  }
0xdb: {  	[sflag:s26] =	ssyncset.done $0x0  }
0xdc: {  	s30 =	rddreg [dreg:$0xc];
	[sflag:s26] =	ssyncadd.s32 $0xFFFFFFF0  }
0xdd: {  	[hbm4b:s30+s6] =	stream.linear.scatter [tilespmem:s28], [sflag:$0x4], $0x10, $0x200038;
	[tilespmem:$0x17400] =	vst v63  }
0xde: {  	_ =	swait.ge [sflag:s26], $0x10  }
0xdf: {  	[sflag:s26] =	ssyncset.done $0x0  }
0xe0: {  	[sflag:s26] =	ssyncadd.s32 $0xFFFFFFF0  }
0xe1: {  	_ =	strace $0x90000048  }
0xe2: {  	s10 =	simm.s32 $0x0;
	_ =	strace $0x80000049  }
.LBB2_19:
0xe3: {  	s0 =	sshll.u32 s10, $0x4  }
0xe4: {  	s11 =	sadd.s32 s12, s0  }
0xe5: {  	s0 =	sshll.u32 s11, $0x9  }
0xe6: {  	s21 =	simm.s32 $0x2000;
	s1 =	sadd.s32 s7, s0  }
0xe7: {  	[tilespmem:s21], [sflag:$0x1] =	stream.linear.gather [hbm4b:s1+s6], $0x1000, $0x200038;
	[tilespmem:$0x17400] =	vst v63  }
0xe8: {  	s2 =	simm.s32 $0xA000;
	s1 =	sadd.s32 $0x1000, s1  }
0xe9: {  	[tilespmem:s2], [sflag:$0x1] =	stream.linear.gather [hbm4b:s1+s6], $0x1000, $0x200038;
	[tilespmem:$0x17400] =	vst v63  }
0xea: {  	s22 =	simm.s32 $0x3000;
	s3 =	sadd.s32 s0, s13  }
0xeb: {  	[tilespmem:s22], [sflag:$0x1] =	stream.linear.gather [hbm4b:s3+s6], $0x1000, $0x200038;
	[tilespmem:$0x17400] =	vst v63  }
0xec: {  	s23 =	simm.s32 $0xB000;
	s1 =	sadd.s32 $0x1000, s3  }
0xed: {  	[tilespmem:s23], [sflag:$0x1] =	stream.linear.gather [hbm4b:s1+s6], $0x1000, $0x200038;
	[tilespmem:$0x17400] =	vst v63  }
0xee: {  	s29 =	sadd.s32 s0, s14;
	s3 =	simm.s32 $0x4000  }
0xef: {  	[tilespmem:s3], [sflag:$0x1] =	stream.linear.gather [hbm4b:s29+s6], $0x1000, $0x200038;
	[tilespmem:$0x17400] =	vst v63  }
0xf0: {  	s22 =	simm.s32 $0xC000;
	s1 =	sadd.s32 $0x1000, s29  }
0xf1: {  	[tilespmem:s22], [sflag:$0x1] =	stream.linear.gather [hbm4b:s1+s6], $0x1000, $0x200038;
	[tilespmem:$0x17400] =	vst v63  }
0xf2: {  	s23 =	sadd.s32 s0, s15;
	s29 =	simm.s32 $0x5000  }
0xf3: {  	[tilespmem:s29], [sflag:$0x1] =	stream.linear.gather [hbm4b:s23+s6], $0x1000, $0x200038;
	[tilespmem:$0x17400] =	vst v63  }
0xf4: {  	s3 =	simm.s32 $0xD000;
	s1 =	sadd.s32 $0x1000, s23  }
0xf5: {  	[tilespmem:s3], [sflag:$0x1] =	stream.linear.gather [hbm4b:s1+s6], $0x1000, $0x200038;
	[tilespmem:$0x17400] =	vst v63  }
0xf6: {  	s22 =	sadd.s32 s0, s16;
	s23 =	simm.s32 $0x6000  }
0xf7: {  	[tilespmem:s23], [sflag:$0x1] =	stream.linear.gather [hbm4b:s22+s6], $0x1000, $0x200038;
	[tilespmem:$0x17400] =	vst v63  }
0xf8: {  	s29 =	simm.s32 $0xE000;
	s1 =	sadd.s32 $0x1000, s22  }
0xf9: {  	[tilespmem:s29], [sflag:$0x1] =	stream.linear.gather [hbm4b:s1+s6], $0x1000, $0x200038;
	[tilespmem:$0x17400] =	vst v63  }
0xfa: {  	s3 =	sadd.s32 s0, s17;
	s22 =	simm.s32 $0x7000  }
0xfb: {  	[tilespmem:s22], [sflag:$0x1] =	stream.linear.gather [hbm4b:s3+s6], $0x1000, $0x200038;
	[tilespmem:$0x17400] =	vst v63  }
0xfc: {  	s23 =	simm.s32 $0xF000;
	s1 =	sadd.s32 $0x1000, s3  }
0xfd: {  	[tilespmem:s23], [sflag:$0x1] =	stream.linear.gather [hbm4b:s1+s6], $0x1000, $0x200038;
	[tilespmem:$0x17400] =	vst v63  }
0xfe: {  	s29 =	sadd.s32 s0, s18;
	s3 =	simm.s32 $0x8000  }
0xff: {  	[tilespmem:s3], [sflag:$0x1] =	stream.linear.gather [hbm4b:s29+s6], $0x1000, $0x200038;
	[tilespmem:$0x17400] =	vst v63  }
0x100: {  	s22 =	simm.s32 $0x10000;
	s1 =	sadd.s32 $0x1000, s29  }
0x101: {  	[tilespmem:s22], [sflag:$0x1] =	stream.linear.gather [hbm4b:s1+s6], $0x1000, $0x200038;
	[tilespmem:$0x17400] =	vst v63  }
0x102: {  	s30 =	simm.s32 $0x0;
	s0 =	sadd.s32 s0, s19;
	s23 =	simm.s32 $0x9000  }
0x103: {  	[tilespmem:s23], [sflag:$0x1] =	stream.linear.gather [hbm4b:s0+s6], $0x1000, $0x200038;
	[tilespmem:$0x17400] =	vst v63  }
0x104: {  	s29 =	simm.s32 $0x11000;
	s0 =	sadd.s32 $0x1000, s0;
	s23 =	simm.s32 $0x0  }
0x105: {  	[tilespmem:s29], [sflag:$0x1] =	stream.linear.gather [hbm4b:s0+s6], $0x1000, $0x200038;
	[tilespmem:$0x17400] =	vst v63  }
.LBB2_20:
0x106: {  	_ =	swait.ge [sflag:s24], $0x2000  }
0x107: {  	s1 =	simm.s32 $0x0;
	[sflag:s24] =	ssyncset.done $0x0  }
0x108: {  	s3 =	simm.s32 $0x0;
	s29 =	simm.s32 $0x0;
	[sflag:s24] =	ssyncadd.s32 $0xFFFFE000  }
.LBB2_21:
0x109: {  	s0 =	sshll.u32 s3, $0x2;
	s2 =	sand.u32 $0x7, s1  }
0x10a: {  	s0 =	sand.u32 $0xFFFE0000, s0;
	s2 =	sshll.u32 s2, $0x9  }
0x10b: {  	s0 =	sor.u32 s2, s0  }
0x10c: {  	s0 =	sshrl.u32 s0, $0x2  }
0x10d: {  	s0 =	sadd.s32 s0, s21  }
0x10e: {  	v12 =	vmov s0;
	_ =	sdelay $0x3  }
0x10f: {  	s2 =	simm.s32 $0x0  }
0x110: {  	v13 =	vld.idx.msk [tilespmem:v12+s2+$0x10 ss:$0x1], $0xffff  }
0x111: {  	v14 =	vld.idx.msk [tilespmem:v12+s2+$0x0 ss:$0x1], $0xffff  }
0x112: {  	v15 =	vld.idx.msk [tilespmem:v12+s2+$0x20 ss:$0x1], $0xffff  }
0x113: {  	v16 =	vld.idx.msk [tilespmem:v12+s2+$0x30 ss:$0x1], $0xffff  }
0x114: {  	v17 =	vld.idx.msk [tilespmem:v12+s2+$0x40 ss:$0x1], $0xffff  }
0x115: {  	v18 =	vld.idx.msk [tilespmem:v12+s2+$0x50 ss:$0x1], $0xffff  }
0x116: {  	v19 =	vld.idx.msk [tilespmem:v12+s2+$0x60 ss:$0x1], $0xffff  }
0x117: {  	v20 =	vld.idx.msk [tilespmem:v12+s2+$0x70 ss:$0x1], $0xffff;
	_ =	sdelay $0x3  }
0x118: {  	v13 =	vmin.f32 v14, v13  }
0x119: {  	v14 =	vmin.f32 v15, v16;
	v15 =	vmin.f32 v17, v18;
	v16 =	vmin.f32 v19, v20  }
0x11a: {  	v13 =	vmin.f32 v13, v14;
	v14 =	vmin.f32 v15, v16  }
0x11b: {  	v13 =	vmin.f32 v13, v14  }
0x11c: {  	v14 =	vperm.xlane v13, v4;
	_ =	sdelay $0x1  }
0x11d: {  	v13 =	vmin.f32 v13, v14  }
0x11e: {  	v14 =	vperm.xlane v13, v0;
	_ =	sdelay $0x1  }
0x11f: {  	v15 =	vmov s29;
	v13 =	vmin.f32 v13, v14  }
0x120: {  	s22 =	sshll.u32 s30, $0x7;
	vm4 =	veq.s32 v15, v2;
	v14 =	vperm.xlane v13, v1  }
0x121: {  	v15 =	vor.u32 s22, v2  }
0x122: {  	v13 =	vmin.f32 v13, v14  }
0x123: {  	v14 =	vperm.xlane v13, v3;
	_ =	sdelay $0x1  }
0x124: {  	v13 =	vmin.f32 v13, v14  }
0x125: {  	s0 =	simm.s32 $0x400;
	[tilespmem:v15+s31+$0x0] =	vst.idx.msk vm4, v13  }
0x126: {  	v13 =	vld.idx.msk [tilespmem:v12+s0+$0x10 ss:$0x1], $0xffff  }
0x127: {  	v14 =	vld.idx.msk [tilespmem:v12+s0+$0x0 ss:$0x1], $0xffff  }
0x128: {  	v15 =	vld.idx.msk [tilespmem:v12+s0+$0x20 ss:$0x1], $0xffff  }
0x129: {  	v16 =	vld.idx.msk [tilespmem:v12+s0+$0x30 ss:$0x1], $0xffff  }
0x12a: {  	v17 =	vld.idx.msk [tilespmem:v12+s0+$0x40 ss:$0x1], $0xffff  }
0x12b: {  	v18 =	vld.idx.msk [tilespmem:v12+s0+$0x50 ss:$0x1], $0xffff  }
0x12c: {  	s2 =	simm.s32 $0x2000;
	s22 =	smov.u32 s30;
	v19 =	vld.idx.msk [tilespmem:v12+s0+$0x60 ss:$0x1], $0xffff  }
.LBB2_22:
0x12d: {  	p0 =	sne.s32 s2, $0x3000;
	v20 =	vld.idx.msk [tilespmem:v12+s0+$0x70 ss:$0x1], $0xffff;
	_ =	sdelay $0x4  }
0x12e: {  	v13 =	vmin.f32 v14, v13  }
0x12f: {  	v14 =	vmin.f32 v15, v16;
	v15 =	vmin.f32 v17, v18;
	v16 =	vmin.f32 v19, v20  }
0x130: {  	v13 =	vmin.f32 v13, v14;
	v14 =	vmin.f32 v15, v16  }
0x131: {  	v13 =	vmin.f32 v13, v14  }
0x132: {  	v14 =	vperm.xlane v13, v4;
	_ =	sdelay $0x1  }
0x133: {  	v13 =	vmin.f32 v13, v14  }
0x134: {  	v14 =	vperm.xlane v13, v0;
	_ =	sdelay $0x1  }
0x135: {  	s22 =	sadd.s32 $0x1, s22;
	v13 =	vmin.f32 v13, v14  }
0x136: {  	s0 =	sshll.u32 s22, $0x7;
	v14 =	vperm.xlane v13, v1  }
0x137: {  	v15 =	vor.u32 s0, v2  }
0x138: {  	v13 =	vmin.f32 v13, v14  }
0x139: {  	v14 =	vperm.xlane v13, v3;
	_ =	sdelay $0x1  }
0x13a: {  	v13 =	vmin.f32 v13, v14  }
0x13b: {  	s0 =	sshra.s32 s2, $0x2;
	[tilespmem:v15+s31+$0x0] =	vst.idx.msk vm4, v13  }
0x13c: {  	v13 =	vld.idx.msk [tilespmem:v12+s0+$0x10 ss:$0x1], $0xffff  }
0x13d: {  	v14 =	vld.idx.msk [tilespmem:v12+s0+$0x0 ss:$0x1], $0xffff  }
.Ltmp8:
0x13e: {  	v15 =	vld.idx.msk [tilespmem:v12+s0+$0x20 ss:$0x1], $0xffff;
	(pc) =	sbr.rel @p0 .LBB2_22-.Ltmp8, $4  }
0x13f: {  	v16 =	vld.idx.msk [tilespmem:v12+s0+$0x30 ss:$0x1], $0xffff  }
0x140: {  	v17 =	vld.idx.msk [tilespmem:v12+s0+$0x40 ss:$0x1], $0xffff  }
0x141: {  	v18 =	vld.idx.msk [tilespmem:v12+s0+$0x50 ss:$0x1], $0xffff  }
0x142: {  	s2 =	sadd.s32 $0x1000, s2;
	v19 =	vld.idx.msk [tilespmem:v12+s0+$0x60 ss:$0x1], $0xffff  }
0x143: {  	_ =	sdelay $0x3  }
0x144: {  	v12 =	vld.idx.msk [tilespmem:v12+s0+$0x70 ss:$0x1], $0xffff;
	_ =	sdelay $0x3  }
0x145: {  	v13 =	vmin.f32 v14, v13  }
0x146: {  	v61 =	vmin.f32 v15, v16;
	v62 =	vmin.f32 v17, v18;
	v12 =	vmin.f32 v19, v12  }
0x147: {  	v13 =	vmin.f32 v13, v61;
	v12 =	vmin.f32 v62, v12  }
0x148: {  	v12 =	vmin.f32 v13, v12  }
0x149: {  	v13 =	vperm.xlane v12, v4;
	_ =	sdelay $0x1  }
0x14a: {  	v12 =	vmin.f32 v12, v13  }
0x14b: {  	v13 =	vperm.xlane v12, v0;
	_ =	sdelay $0x1  }
0x14c: {  	s22 =	sadd.s32 $0x1, s22;
	v12 =	vmin.f32 v12, v13  }
0x14d: {  	s29 =	sadd.s32 $0x1, s29;
	s0 =	sshll.u32 s22, $0x7;
	v13 =	vperm.xlane v12, v1  }
0x14e: {  	p0 =	sne.s32 s29, $0x10;
	v63 =	vor.u32 s0, v2  }
.Ltmp9:
0x14f: {  	v12 =	vmin.f32 v12, v13;
	(pc) =	sbr.rel @p0 .LBB2_21-.Ltmp9, $3  }
0x150: {  	v13 =	vperm.xlane v12, v3;
	_ =	sdelay $0x1  }
0x151: {  	v12 =	vmin.f32 v12, v13  }
0x152: {  	s3 =	sadd.s32 $0x1000, s3;
	s1 =	sadd.s32 $0x1, s1;
	[tilespmem:v63+s31+$0x0] =	vst.idx.msk vm4, v12  }
0x153: {  	s23 =	sadd.s32 $0x1, s23  }
0x154: {  	p0 =	sne.s32 s23, $0x8  }
.Ltmp10:
0x155: {  	_ = 	snop;
	(pc) =	sbr.rel @p0 .LBB2_20-.Ltmp10, $2  }
0x156: {  	_ =	sdelay $0x2  }
0x157: {  	s30 =	sadd.s32 $0x4, s30;
	s21 =	sadd.s32 $0x1000, s21  }
0x158: {  	s0 =	simm.s32 $0x12000  }
0x159: {  	v19 =	vld [tilespmem:s0+$0x0];
	_ =	sdelay $0x3  }
0x15a: {  	v12 =	vimm.f32 $+Inf;
	s30 =	simm.s32 $0x12080  }
0x15b: {  	v16 =	vld [tilespmem:s30+$0x0];
	vm5 =	vlt.f32 v19, v12  }
0x15c: {  	s1 =	simm.s32 $0x0;
	v13 =	vimm.s32 $0x0;
	vm6 =	vlt.f32 v19, v12;
	vm4 =	vmmov vm5  }
0x15d: {  	v17 =	vnsel vm5, s1, v13;
	v14 =	vnsel vm5, s1, v13;
	v15 =	vsel vm5, s1, v13  }
0x15e: {  	v18 =	vsel vm5, v19, v12;
	v20 =	vsel vm5, v12, v19;
	v21 =	vsel vm5, v12, v19  }
0x15f: {  	v14 =	vsel vm5, v14, v13;
	v22 =	vnsel vm4, s1, v13;
	v24 =	vsel vm4, v12, v19  }
0x160: {  	v19 =	vsel vm4, v20, v12;
	v20 =	vsel vm5, v21, v12;
	vm7 =	vlt.f32 v16, v18  }
0x161: {  	s2 =	simm.s32 $0x2;
	s3 =	simm.s32 $0x12100;
	s1 =	simm.s32 $0x1;
	v21 =	vimm.s32 $0x0;
	v23 =	vmovc v18;
	vm5 =	vlt.f32 v16, v20;
	vm8 =	vlt.f32 v16, v19  }
.LBB2_26:
0x162: {  	v12 =	vsel vm6, v24, v12  }
0x163: {  	v25 =	vld [tilespmem:s3+$0x0];
	p0 =	sne.s32 s2, $0x1F;
	v13 =	vsel vm6, v22, v13;
	v21 =	vsel vm4, v17, v21;
	vm4 =	vmmov vm8;
	s0 =	smov.u32 s2;
	s2 =	sadd.s32 $0x1, s2  }
.Ltmp11:
0x164: {  	v17 =	vnsel vm5, s1, v14;
	v22 =	vnsel vm7, s1, v15;
	v15 =	vsel vm7, s1, v15;
	(pc) =	sbr.rel @p0 .LBB2_26-.Ltmp11, $4  }
0x165: {  	v18 =	vsel vm7, v16, v18;
	vm6 =	vlt.f32 v16, v12;
	v14 =	vsel vm5, v22, v14  }
0x166: {  	v26 =	vsel vm5, v20, v16;
	v27 =	vsel vm7, v23, v16;
	v22 =	vnsel vm4, s1, v21;
	v23 =	vmovc v18;
	s1 =	smov.u32 s0  }
0x167: {  	v24 =	vsel vm4, v19, v16;
	v19 =	vsel vm4, v26, v19;
	v20 =	vsel vm5, v27, v20  }
0x168: {  	s3 =	sadd.s32 $0x80, s3;
	vm7 =	vlt.f32 v25, v18;
	vm5 =	vlt.f32 v25, v20;
	vm8 =	vlt.f32 v25, v19;
	v16 =	vmovc v25  }
0x169: {  	v18 =	vsel vm6, v24, v12;
	v13 =	vsel vm6, v22, v13;
	v17 =	vsel vm4, v17, v21  }
0x16a: {  	vm4 =	vmmov vm8;
	v19 =	vnsel vm5, s1, v14;
	v20 =	vnsel vm7, s1, v15  }
0x16b: {  	v12 =	vsel vm7, s1, v15;
	vm6 =	vlt.f32 v16, v18;
	v15 =	vnsel vm4, s1, v17  }
0x16c: {  	v14 =	vsel vm5, v20, v14;
	v17 =	vsel vm4, v19, v17;
	v13 =	vsel vm6, v15, v13  }
0x16d: {  	vm4 =	vlt.s32 v12, v14;
	vm5 =	vlt.s32 v17, v13  }
0x16e: {  	v15 =	vsel vm4, v12, v14;
	v19 =	vsel vm5, v17, v13  }
0x16f: {  	vm4 =	vlt.s32 v15, v19  }
0x170: {  	v16 =	vsel vm4, v15, v19  }
0x171: {  	v18 =	vshll.u32 v16, $0xA  }
0x172: {  	v20 =	vadd.s32 v8, v18;
	_ =	sdelay $0x3  }
0x173: {  	s0 =	simm.s32 $0x0;
	v27 =	vadd.s32 v9, v18  }
0x174: {  	v18 =	vadd.s32 s0, v27;
	v22 =	vld.idx.msk [tilespmem:v20+s4+$0x0], $0xffff;
	_ =	sdelay $0x2  }
0x175: {  	v21 =	vimm.s32 $0x0;
	v29 =	vshll.u32 v16, $0x7  }
0x176: {  	s30 =	simm.s32 $0x1;
	v32 =	vimm.s32 $0x0;
	v28 =	vadd.s32 s0, v29;
	v20 =	vimm.f32 $+Inf  }
0x177: {  	v33 =	vadd.s32 s30, v27;
	v18 =	vld.idx.msk [tilespmem:v18+s4+$0x0], $0xffff;
	vm4 =	vlt.f32 v22, v20;
	vm6 =	vlt.f32 v22, v20  }
0x178: {  	vm7 =	vlt.f32 v22, v20;
	v25 =	vsel vm4, v28, v21;
	v30 =	vsel vm4, v21, v28  }
0x179: {  	v23 =	vsel vm4, v21, v28;
	v24 =	vsel vm4, v22, v20;
	v31 =	vsel vm4, v20, v22  }
0x17a: {  	v34 =	vsel vm7, v20, v22;
	v26 =	vsel vm4, v23, v21;
	v23 =	vsel vm4, v20, v22  }
0x17b: {  	v35 =	vsel vm7, v21, v28;
	v22 =	vsel vm7, v23, v20;
	v23 =	vsel vm4, v31, v20  }
0x17c: {  	s1 =	simm.s32 $0x2;
	v16 =	vadd.s32 s30, v29;
	vm5 =	vlt.f32 v18, v24;
	v28 =	vmovc v24;
	vm4 =	vlt.f32 v18, v23;
	v31 =	vmovc v25  }
.LBB2_28:
0x17d: {  	v36 =	vld.idx.msk [tilespmem:v33+s4+$0x0], $0xffff;
	p0 =	sne.s32 s1, $0x7F;
	v20 =	vsel vm6, v34, v20;
	v21 =	vsel vm6, v35, v21;
	v32 =	vsel vm7, v30, v32;
	s0 =	smov.u32 s1;
	s1 =	sadd.s32 $0x1, s1  }
0x17e: {  	v25 =	vsel vm5, v16, v25;
	v35 =	vmov v16;
	v16 =	vadd.s32 s0, v29  }
.Ltmp12:
0x17f: {  	v33 =	vadd.s32 s0, v27;
	v30 =	vsel vm4, v26, v35;
	v34 =	vsel vm5, v31, v35;
	v31 =	vmovc v25;
	(pc) =	sbr.rel @p0 .LBB2_28-.Ltmp12, $4  }
0x180: {  	v24 =	vsel vm5, v18, v24;
	vm6 =	vlt.f32 v18, v20;
	v26 =	vsel vm4, v34, v26  }
0x181: {  	vm7 =	vlt.f32 v18, v22;
	v37 =	vsel vm4, v23, v18;
	v38 =	vsel vm5, v28, v18;
	v28 =	vmovc v24  }
0x182: {  	v23 =	vsel vm4, v38, v23;
	v34 =	vsel vm7, v22, v18;
	v22 =	vsel vm7, v37, v22  }
0x183: {  	v35 =	vsel vm7, v32, v35;
	vm5 =	vlt.f32 v36, v24;
	vm4 =	vlt.f32 v36, v23;
	v18 =	vmovc v36  }
0x184: {  	vm8 =	vgt.s32 v12, v14;
	vm9 =	vgt.s32 v17, v13  }
0x185: {  	v12 =	vsel vm8, v12, v14;
	v13 =	vsel vm9, v17, v13  }
0x186: {  	vm8 =	vgt.s32 v15, v19;
	vm9 =	vlt.s32 v12, v13  }
0x187: {  	v14 =	vsel vm8, v15, v19;
	v15 =	vsel vm9, v12, v13  }
0x188: {  	vm8 =	vlt.s32 v15, v14  }
0x189: {  	v27 =	vsel vm8, v15, v14  }
0x18a: {  	v17 =	vshll.u32 v27, $0xA  }
0x18b: {  	v19 =	vadd.s32 v8, v17;
	_ =	sdelay $0x1  }
0x18c: {  	v20 =	vsel vm6, v34, v20;
	v21 =	vsel vm6, v35, v21;
	v29 =	vsel vm7, v30, v32  }
0x18d: {  	v30 =	vsel vm5, v16, v25;
	v25 =	vsel vm4, v26, v16;
	v31 =	vsel vm5, v31, v16  }
0x18e: {  	s0 =	simm.s32 $0x0;
	v63 =	vsel vm5, v18, v24;
	vm7 =	vlt.f32 v18, v22;
	v17 =	vadd.s32 v9, v17  }
0x18f: {  	s1 =	simm.s32 $0x1;
	vm6 =	vlt.f32 v18, v20;
	v62 =	vsel vm4, v31, v26;
	v24 =	vadd.s32 s0, v17;
	v33 =	vld.idx.msk [tilespmem:v19+s4+$0x0], $0xffff  }
0x190: {  	v26 =	vsel vm5, v28, v18;
	v16 =	vsel vm7, v29, v16;
	v31 =	vadd.s32 s1, v17  }
0x191: {  	v19 =	vsel vm4, v23, v18;
	v18 =	vsel vm7, v22, v18;
	v23 =	vsel vm4, v26, v23  }
0x192: {  	v26 =	vshll.u32 v27, $0x7;
	v22 =	vsel vm7, v19, v22;
	v19 =	vsel vm6, v18, v20  }
0x193: {  	v20 =	vsel vm6, v16, v21;
	v21 =	vsel vm7, v25, v29;
	v28 =	vadd.s32 s0, v26  }
0x194: {  	v18 =	vld.idx.msk [tilespmem:v24+s4+$0x0], $0xffff;
	vm4 =	vlt.f32 v33, v63;
	vm5 =	vlt.f32 v33, v23;
	vm6 =	vlt.f32 v33, v19  }
0x195: {  	vm7 =	vlt.f32 v33, v22;
	v25 =	vsel vm4, v28, v30;
	v29 =	vsel vm5, v62, v28  }
0x196: {  	v24 =	vsel vm4, v30, v28;
	v30 =	vsel vm5, v23, v33;
	v34 =	vsel vm4, v63, v33  }
0x197: {  	v32 =	vsel vm7, v22, v33;
	v27 =	vsel vm5, v24, v62;
	v24 =	vsel vm4, v33, v63  }
0x198: {  	v22 =	vsel vm7, v30, v22;
	v23 =	vsel vm5, v34, v23;
	v33 =	vsel vm7, v21, v28  }
0x199: {  	v16 =	vadd.s32 s1, v26;
	s1 =	simm.s32 $0x2;
	vm5 =	vlt.f32 v18, v24;
	vm4 =	vlt.f32 v18, v23;
	v28 =	vmovc v24;
	v30 =	vmovc v25  }
.LBB2_30:
0x19a: {  	v34 =	vld.idx.msk [tilespmem:v31+s4+$0x0], $0xffff;
	p0 =	sne.s32 s1, $0x7F;
	v19 =	vsel vm6, v32, v19;
	v20 =	vsel vm6, v33, v20;
	v21 =	vsel vm7, v29, v21;
	s0 =	smov.u32 s1;
	s1 =	sadd.s32 $0x1, s1  }
0x19b: {  	v25 =	vsel vm5, v16, v25;
	v33 =	vmov v16;
	v16 =	vadd.s32 s0, v26  }
.Ltmp13:
0x19c: {  	v31 =	vadd.s32 s0, v17;
	v29 =	vsel vm4, v27, v33;
	v32 =	vsel vm5, v30, v33;
	v30 =	vmovc v25;
	(pc) =	sbr.rel @p0 .LBB2_30-.Ltmp13, $4  }
0x19d: {  	v24 =	vsel vm5, v18, v24;
	vm6 =	vlt.f32 v18, v19;
	v27 =	vsel vm4, v32, v27  }
0x19e: {  	vm7 =	vlt.f32 v18, v22;
	v35 =	vsel vm4, v23, v18;
	v36 =	vsel vm5, v28, v18;
	v28 =	vmovc v24  }
0x19f: {  	v23 =	vsel vm4, v36, v23;
	v32 =	vsel vm7, v22, v18;
	v22 =	vsel vm7, v35, v22  }
0x1a0: {  	v33 =	vsel vm7, v21, v33;
	vm5 =	vlt.f32 v34, v24;
	vm4 =	vlt.f32 v34, v23;
	v18 =	vmovc v34  }
0x1a1: {  	vm8 =	vgt.s32 v15, v14  }
0x1a2: {  	v14 =	vsel vm8, v15, v14  }
0x1a3: {  	v15 =	vshll.u32 v14, $0xA  }
0x1a4: {  	v17 =	vadd.s32 v8, v15;
	_ =	sdelay $0x1  }
0x1a5: {  	v19 =	vsel vm6, v32, v19;
	v20 =	vsel vm6, v33, v20;
	v21 =	vsel vm7, v29, v21  }
0x1a6: {  	v25 =	vsel vm5, v16, v25;
	v29 =	vsel vm5, v30, v16;
	s0 =	simm.s32 $0x0;
	v15 =	vadd.s32 v9, v15  }
0x1a7: {  	v26 =	vsel vm4, v27, v16;
	v30 =	vsel vm4, v29, v27;
	v27 =	vadd.s32 s0, v15  }
0x1a8: {  	v62 =	vsel vm5, v18, v24;
	vm7 =	vlt.f32 v18, v22;
	v24 =	vsel vm5, v28, v18;
	v31 =	vld.idx.msk [tilespmem:v17+s4+$0x0], $0xffff  }
0x1a9: {  	vm6 =	vlt.f32 v18, v19;
	v63 =	vsel vm4, v24, v23;
	v16 =	vsel vm7, v21, v16  }
0x1aa: {  	s1 =	simm.s32 $0x1;
	v24 =	vshll.u32 v14, $0x7;
	v17 =	vsel vm4, v23, v18;
	v18 =	vsel vm7, v22, v18  }
0x1ab: {  	v29 =	vadd.s32 s1, v15;
	v28 =	vsel vm7, v17, v22;
	v17 =	vsel vm6, v18, v19  }
0x1ac: {  	v18 =	vsel vm6, v16, v20;
	v19 =	vsel vm7, v26, v21;
	v26 =	vadd.s32 s0, v24;
	v16 =	vld.idx.msk [tilespmem:v27+s4+$0x0], $0xffff  }
0x1ad: {  	vm4 =	vlt.f32 v31, v62;
	vm5 =	vlt.f32 v31, v63;
	vm6 =	vlt.f32 v31, v17  }
0x1ae: {  	vm7 =	vlt.f32 v31, v28;
	v23 =	vsel vm4, v26, v25;
	v27 =	vsel vm5, v30, v26  }
0x1af: {  	v20 =	vsel vm4, v25, v26;
	v22 =	vsel vm4, v31, v62;
	v21 =	vsel vm4, v62, v31  }
0x1b0: {  	v25 =	vsel vm5, v20, v30;
	v20 =	vsel vm5, v63, v31;
	v30 =	vsel vm7, v28, v31  }
0x1b1: {  	v21 =	vsel vm5, v21, v63;
	vm5 =	vlt.f32 v16, v22;
	v31 =	vsel vm7, v19, v26  }
0x1b2: {  	v14 =	vadd.s32 s1, v24;
	s1 =	simm.s32 $0x2;
	v26 =	vmovc v22;
	v20 =	vsel vm7, v20, v28;
	vm4 =	vlt.f32 v16, v21;
	v28 =	vmovc v23  }
.LBB2_32:
0x1b3: {  	v32 =	vld.idx.msk [tilespmem:v29+s4+$0x0], $0xffff;
	p0 =	sne.s32 s1, $0x7F;
	v17 =	vsel vm6, v30, v17;
	v18 =	vsel vm6, v31, v18;
	v19 =	vsel vm7, v27, v19;
	s0 =	smov.u32 s1;
	s1 =	sadd.s32 $0x1, s1  }
0x1b4: {  	v23 =	vsel vm5, v14, v23;
	v31 =	vmov v14;
	v14 =	vadd.s32 s0, v24  }
.Ltmp14:
0x1b5: {  	v29 =	vadd.s32 s0, v15;
	v27 =	vsel vm4, v25, v31;
	v30 =	vsel vm5, v28, v31;
	v28 =	vmovc v23;
	(pc) =	sbr.rel @p0 .LBB2_32-.Ltmp14, $4  }
0x1b6: {  	v22 =	vsel vm5, v16, v22;
	vm6 =	vlt.f32 v16, v17;
	v25 =	vsel vm4, v30, v25  }
0x1b7: {  	vm7 =	vlt.f32 v16, v20;
	v33 =	vsel vm4, v21, v16;
	v34 =	vsel vm5, v26, v16;
	v26 =	vmovc v22  }
0x1b8: {  	v21 =	vsel vm4, v34, v21;
	v30 =	vsel vm7, v20, v16;
	v20 =	vsel vm7, v33, v20  }
0x1b9: {  	v31 =	vsel vm7, v19, v31;
	vm5 =	vlt.f32 v32, v22;
	vm4 =	vlt.f32 v32, v21;
	v16 =	vmovc v32  }
0x1ba: {  	vm8 =	vgt.s32 v12, v13  }
0x1bb: {  	v12 =	vsel vm8, v12, v13  }
0x1bc: {  	v13 =	vshll.u32 v12, $0xA  }
0x1bd: {  	v15 =	vadd.s32 v8, v13;
	_ =	sdelay $0x1  }
0x1be: {  	v17 =	vsel vm6, v30, v17;
	v18 =	vsel vm6, v31, v18;
	v19 =	vsel vm7, v27, v19  }
0x1bf: {  	v23 =	vsel vm5, v14, v23;
	v27 =	vsel vm5, v28, v14;
	s0 =	simm.s32 $0x0;
	v13 =	vadd.s32 v9, v13  }
0x1c0: {  	v24 =	vsel vm4, v25, v14;
	v25 =	vsel vm4, v27, v25;
	v27 =	vadd.s32 s0, v13  }
0x1c1: {  	v22 =	vsel vm5, v16, v22;
	vm7 =	vlt.f32 v16, v20;
	v26 =	vsel vm5, v26, v16;
	v28 =	vld.idx.msk [tilespmem:v15+s4+$0x0], $0xffff  }
0x1c2: {  	vm6 =	vlt.f32 v16, v17;
	v26 =	vsel vm4, v26, v21;
	v15 =	vsel vm4, v21, v16  }
0x1c3: {  	v14 =	vsel vm7, v19, v14;
	v16 =	vsel vm7, v20, v16;
	v29 =	vsel vm7, v15, v20  }
0x1c4: {  	s1 =	simm.s32 $0x1;
	v15 =	vsel vm6, v16, v17;
	v16 =	vsel vm6, v14, v18;
	v20 =	vshll.u32 v12, $0x7  }
0x1c5: {  	v17 =	vsel vm7, v24, v19;
	v14 =	vld.idx.msk [tilespmem:v27+s4+$0x0], $0xffff;
	v27 =	vadd.s32 s1, v13;
	v30 =	vadd.s32 s0, v20  }
0x1c6: {  	v12 =	vadd.s32 s1, v20;
	vm4 =	vlt.f32 v28, v22;
	vm5 =	vlt.f32 v28, v26  }
0x1c7: {  	vm6 =	vlt.f32 v28, v15;
	vm7 =	vlt.f32 v28, v29;
	v21 =	vsel vm4, v30, v23  }
0x1c8: {  	v24 =	vsel vm5, v25, v30;
	v18 =	vsel vm4, v23, v30;
	v23 =	vsel vm4, v28, v22  }
0x1c9: {  	v22 =	vsel vm4, v22, v28;
	v19 =	vsel vm5, v18, v25;
	v18 =	vsel vm5, v26, v28  }
0x1ca: {  	v28 =	vsel vm7, v29, v28;
	v22 =	vsel vm5, v22, v26;
	vm5 =	vlt.f32 v14, v23;
	v25 =	vmovc v21  }
0x1cb: {  	s1 =	simm.s32 $0x2;
	v26 =	vmovc v23;
	v18 =	vsel vm7, v18, v29;
	vm4 =	vlt.f32 v14, v22;
	v29 =	vsel vm7, v17, v30  }
.LBB2_34:
0x1cc: {  	v30 =	vld.idx.msk [tilespmem:v27+s4+$0x0], $0xffff;
	p0 =	sne.s32 s1, $0x7F;
	v15 =	vsel vm6, v28, v15;
	v16 =	vsel vm6, v29, v16;
	v17 =	vsel vm7, v24, v17;
	s0 =	smov.u32 s1;
	s1 =	sadd.s32 $0x1, s1  }
0x1cd: {  	v21 =	vsel vm5, v12, v21;
	v29 =	vmov v12;
	v12 =	vadd.s32 s0, v20  }
.Ltmp15:
0x1ce: {  	v27 =	vadd.s32 s0, v13;
	v24 =	vsel vm4, v19, v29;
	v28 =	vsel vm5, v25, v29;
	v25 =	vmovc v21;
	(pc) =	sbr.rel @p0 .LBB2_34-.Ltmp15, $4  }
0x1cf: {  	v23 =	vsel vm5, v14, v23;
	vm6 =	vlt.f32 v14, v15;
	v19 =	vsel vm4, v28, v19  }
0x1d0: {  	vm7 =	vlt.f32 v14, v18;
	v31 =	vsel vm4, v22, v14;
	v32 =	vsel vm5, v26, v14;
	v26 =	vmovc v23  }
0x1d1: {  	v22 =	vsel vm4, v32, v22;
	v28 =	vsel vm7, v18, v14;
	v18 =	vsel vm7, v31, v18  }
0x1d2: {  	v29 =	vsel vm7, v17, v29;
	vm5 =	vlt.f32 v30, v23;
	vm4 =	vlt.f32 v30, v22;
	v14 =	vmovc v30  }
0x1d3: {  	v13 =	vmul.u32 $0x4, v2;
	_ =	sdelay $0x2  }
0x1d4: {  	v15 =	vsel vm6, v28, v15;
	v20 =	vor.u32 $0x1, v13  }
0x1d5: {  	v16 =	vsel vm6, v29, v16;
	v23 =	vsel vm5, v14, v23;
	v17 =	vsel vm7, v24, v17  }
0x1d6: {  	v21 =	vsel vm5, v12, v21;
	v57 =	vsel vm4, v19, v12;
	v56 =	vor.u32 $0x2, v13  }
0x1d7: {  	v25 =	vsel vm5, v25, v12;
	v26 =	vsel vm5, v26, v14;
	[tilespmem:v13+s25+$0x0] =	vst.idx.msk $0xffff, v23  }
0x1d8: {  	vm5 =	vlt.f32 v14, v18;
	v59 =	vsel vm4, v26, v22;
	[tilespmem:v13+s28+$0x0] =	vst.idx.msk $0xffff, v21;
	v13 =	vor.u32 $0x3, v13  }
0x1d9: {  	v60 =	vsel vm4, v22, v14;
	v58 =	vsel vm4, v25, v19;
	[tilespmem:v20+s25+$0x0] =	vst.idx.msk $0xffff, v59  }
0x1da: {  	vm4 =	vlt.f32 v14, v15;
	v21 =	vsel vm5, v60, v18;
	[tilespmem:v20+s28+$0x0] =	vst.idx.msk $0xffff, v58  }
0x1db: {  	v61 =	vsel vm5, v18, v14;
	v62 =	vsel vm5, v57, v17;
	[tilespmem:v56+s25+$0x0] =	vst.idx.msk $0xffff, v21  }
0x1dc: {  	v63 =	vsel vm5, v17, v12;
	v14 =	vsel vm4, v61, v15;
	[tilespmem:v56+s28+$0x0] =	vst.idx.msk $0xffff, v62  }
0x1dd: {  	s0 =	sshrl.u32 s11, $0x1;
	s1 =	rddreg [dreg:$0x5];
	v12 =	vsel vm4, v63, v16;
	[tilespmem:v13+s25+$0x0] =	vst.idx.msk $0xffff, v14  }
0x1de: {  	s1 =	sadd.s32 s1, s0;
	[tilespmem:v13+s28+$0x0] =	vst.idx.msk $0xffff, v12  }
0x1df: {  	[hbm4b:s1+s5] =	stream.linear.scatter [tilespmem:s25], [sflag:$0x4], $0x40, $0x200038;
	[tilespmem:$0x17400] =	vst v63  }
0x1e0: {  	_ =	swait.ge [sflag:s26], $0x40  }
0x1e1: {  	[sflag:s26] =	ssyncset.done $0x0  }
0x1e2: {  	s10 =	sadd.s32 $0x1, s10;
	[sflag:s26] =	ssyncadd.s32 $0xFFFFFFC0  }
0x1e3: {  	p0 =	sne.s32 s10, $0x8;
	s30 =	rddreg [dreg:$0x6]  }
.Ltmp16:
0x1e4: {  	s0 =	sadd.s32 s30, s0;
	(pc) =	sbr.rel @p0 .LBB2_19-.Ltmp16, $4  }
0x1e5: {  	[hbm4b:s0+s5] =	stream.linear.scatter [tilespmem:s28], [sflag:$0x4], $0x40, $0x200038;
	[tilespmem:$0x17400] =	vst v63  }
0x1e6: {  	_ =	swait.ge [sflag:s26], $0x40  }
0x1e7: {  	[sflag:s26] =	ssyncset.done $0x0  }
0x1e8: {  	[sflag:s26] =	ssyncadd.s32 $0xFFFFFFC0  }
0x1e9: {  	_ =	strace $0x90000049  }
0x1ea: {  	_ =	strace $0x8000004A;
	[tilespmem:$0x17000] =	vst v10  }
0x1eb: {  	[tilespmem:$0x17180] =	vst v11  }
0x1ec: {  	[tilespmem:$0x17010] =	vst v10  }
0x1ed: {  	[tilespmem:$0x17190] =	vst v11  }
0x1ee: {  	[tilespmem:$0x17020] =	vst v10  }
0x1ef: {  	[tilespmem:$0x171A0] =	vst v11  }
0x1f0: {  	[tilespmem:$0x17030] =	vst v10  }
0x1f1: {  	[tilespmem:$0x171B0] =	vst v11  }
0x1f2: {  	[tilespmem:$0x17040] =	vst v10  }
0x1f3: {  	[tilespmem:$0x171C0] =	vst v11  }
0x1f4: {  	[tilespmem:$0x17050] =	vst v10  }
0x1f5: {  	[tilespmem:$0x171D0] =	vst v11  }
0x1f6: {  	[tilespmem:$0x17060] =	vst v10  }
0x1f7: {  	[tilespmem:$0x171E0] =	vst v11  }
0x1f8: {  	[tilespmem:$0x17070] =	vst v10  }
0x1f9: {  	[tilespmem:$0x171F0] =	vst v11  }
0x1fa: {  	[tilespmem:$0x17080] =	vst v10  }
0x1fb: {  	[tilespmem:$0x17200] =	vst v11  }
0x1fc: {  	[tilespmem:$0x17090] =	vst v10  }
0x1fd: {  	[tilespmem:$0x17210] =	vst v11  }
0x1fe: {  	[tilespmem:$0x170A0] =	vst v10  }
0x1ff: {  	[tilespmem:$0x17220] =	vst v11  }
0x200: {  	[tilespmem:$0x170B0] =	vst v10  }
0x201: {  	[tilespmem:$0x17230] =	vst v11  }
0x202: {  	[tilespmem:$0x170C0] =	vst v10  }
0x203: {  	[tilespmem:$0x17240] =	vst v11  }
0x204: {  	[tilespmem:$0x170D0] =	vst v10  }
0x205: {  	[tilespmem:$0x17250] =	vst v11  }
0x206: {  	[tilespmem:$0x170E0] =	vst v10  }
0x207: {  	[tilespmem:$0x17260] =	vst v11  }
0x208: {  	[tilespmem:$0x170F0] =	vst v10  }
0x209: {  	[tilespmem:$0x17270] =	vst v11  }
0x20a: {  	[tilespmem:$0x17100] =	vst v10  }
0x20b: {  	[tilespmem:$0x17280] =	vst v11  }
0x20c: {  	[tilespmem:$0x17110] =	vst v10  }
0x20d: {  	[tilespmem:$0x17290] =	vst v11  }
0x20e: {  	[tilespmem:$0x17120] =	vst v10  }
0x20f: {  	[tilespmem:$0x172A0] =	vst v11  }
0x210: {  	[tilespmem:$0x17130] =	vst v10  }
0x211: {  	[tilespmem:$0x172B0] =	vst v11  }
0x212: {  	[tilespmem:$0x17140] =	vst v10  }
0x213: {  	[tilespmem:$0x172C0] =	vst v11  }
0x214: {  	[tilespmem:$0x17150] =	vst v10  }
0x215: {  	[tilespmem:$0x172D0] =	vst v11  }
0x216: {  	[tilespmem:$0x17160] =	vst v10  }
0x217: {  	[tilespmem:$0x172E0] =	vst v11  }
0x218: {  	[tilespmem:$0x17170] =	vst v10  }
0x219: {  	s0 =	simm.s32 $0x8000;
	s1 =	simm.s32 $0x400;
	s2 =	simm.s32 $0x13000;
	[tilespmem:$0x172F0] =	vst v11  }
0x21a: {  	[tilespmem:s2], [sflag:$0x1] =	stream.strided.gather [hbm4b:s20+s1], $0x2000, s0, s1, $0x200038;
	[tilespmem:$0x17400] =	vst v63  }
0x21b: {  	s3 =	simm.s32 $0x0;
	s1 =	simm.s32 $0x0  }
.LBB2_38:
0x21c: {  	s0 =	sand.u32 $0x1, s3  }
0x21d: {  	p0 =	seq.s32 s3, $0x1F;
	s3 =	sadd.s32 $0x1, s3;
	s2 =	sadd.s32 $0x1, s0  }
0x21e: {  	s6 =	sxor.u32 @!p0 $0x1, s0;
	s10 =	sshll.u32 @!p0 s3, $0xF;
	_ =	swait.ge [sflag:s2], $0x2000  }
0x21f: {  	s11 =	simm.s32 @!p0 $0x400;
	s21 =	simm.s32 @!p0 $0x8000;
	[sflag:s2] =	ssyncset.done $0x0  }
0x220: {  	s0 =	sshll.u32 s0, $0xD;
	[sflag:s2] =	ssyncadd.s32 $0xFFFFE000;
	s2 =	sshll.u32 @!p0 s6, $0xD  }
0x221: {  	s10 =	sadd.s32 @!p0 s10, s20;
	s6 =	sadd.s32 @!p0 $0x1, s6;
	s2 =	sadd.s32 @!p0 $0x13000, s2  }
0x222: {  	[tilespmem:s2], [sflag:s6] =	stream.strided.gather @!p0 [hbm4b:s10+s11], $0x2000, s21, s11, $0x200038;
	[tilespmem:$0x17400] =	vst v63  }
0x223: {  	s6 =	sadd.s32 $0x13000, s0;
	s10 =	simm.s32 $0x0  }
.LBB2_39:
0x224: {  	s11 =	sshll.u32 s10, $0x4  }
0x225: {  	v18 =	vmov s11  }
0x226: {  	v17 =	vld [tilespmem:s11+$0x17000]  }
0x227: {  	v15 =	vld [tilespmem:s11+$0x17080]  }
0x228: {  	v16 =	vld [tilespmem:s11+$0x17100]  }
0x229: {  	v14 =	vld [tilespmem:s11+$0x17180]  }
0x22a: {  	v21 =	vld.idx.msk [tilespmem:v18+s6+$0x0 ss:$0x1], $0xffff  }
0x22b: {  	v12 =	vld [tilespmem:s11+$0x17200]  }
0x22c: {  	s23 =	simm.s32 $0x1  }
0x22d: {  	s2 =	simm.s32 $0x2;
	s0 =	smin.u32 s23, $0x3F;
	v13 =	vld [tilespmem:s11+$0x17280]  }
0x22e: {  	s21 =	smin.u32 s2, $0x3F;
	s0 =	sshll.u32 s0, $0x7  }
0x22f: {  	s29 =	sadd.s32 $0x0, s1;
	s30 =	sshll.u32 s21, $0x7;
	s0 =	sadd.s32 s0, s6;
	vm6 =	vgt.f32 v21, v17;
	vm4 =	vgt.f32 v21, v15;
	vm5 =	vgt.f32 v21, v16  }
0x230: {  	s22 =	sor.u32 $0x80, s11;
	s21 =	sor.u32 $0x100, s11;
	s30 =	sadd.s32 s30, s6;
	v20 =	vld.idx.msk [tilespmem:v18+s0+$0x0 ss:$0x1], $0xffff;
	v23 =	vmovc v17;
	v24 =	vsel vm4, v15, v21;
	v22 =	vnsel vm4, s29, v12;
	v19 =	vsel vm6, s29, v14  }
.LBB2_40:
0x231: {  	p0 =	sne.s32 s2, $0x3F;
	v16 =	vsel vm5, v24, v16;
	v24 =	vnsel vm6, s29, v14;
	v17 =	vsel vm6, v21, v17;
	v14 =	vmovc v19;
	s0 =	smov.u32 s2;
	s2 =	sadd.s32 $0x1, s2  }
0x232: {  	v13 =	vsel vm5, v22, v13;
	v21 =	vsel vm6, v23, v21;
	s7 =	smov.u32 s30;
	s29 =	smin.u32 s2, $0x3F;
	v12 =	vsel vm4, v24, v12;
	v23 =	vmovc v17  }
.Ltmp17:
0x233: {  	v15 =	vsel vm4, v21, v15;
	s29 =	sshll.u32 s29, $0x7;
	(pc) =	sbr.rel @p0 .LBB2_40-.Ltmp17, $3  }
0x234: {  	s30 =	sadd.s32 s29, s6;
	_ =	sdelay $0x1  }
0x235: {  	s29 =	sadd.s32 s23, s1;
	s23 =	smov.u32 s0;
	vm6 =	vgt.f32 v20, v17;
	vm4 =	vgt.f32 v20, v15;
	vm5 =	vgt.f32 v20, v16;
	v21 =	vmovc v20  }
0x236: {  	v24 =	vsel vm4, v15, v21;
	v22 =	vnsel vm4, s29, v12;
	v19 =	vsel vm6, s29, v19;
	v20 =	vld.idx.msk [tilespmem:v18+s7+$0x0 ss:$0x1], $0xffff  }
0x237: {  	_ =	sdelay $0x1  }
0x238: {  	v17 =	vsel vm6, v21, v17  }
0x239: {  	v18 =	vsel vm6, v23, v21;
	v16 =	vsel vm5, v24, v16;
	v14 =	vnsel vm6, s29, v14  }
0x23a: {  	v15 =	vsel vm4, v18, v15;
	v12 =	vsel vm4, v14, v12;
	vm7 =	vgt.f32 v20, v17  }
0x23b: {  	s10 =	sadd.s32 $0x1, s10;
	vm8 =	vgt.f32 v20, v15;
	v60 =	vsel vm7, v20, v17;
	v17 =	vsel vm7, v17, v20  }
0x23c: {  	s0 =	sadd.s32 s23, s1;
	p0 =	seq.s32 s10, $0x8;
	vm9 =	vgt.f32 v20, v16;
	v17 =	vsel vm8, v17, v15;
	v15 =	vsel vm8, v15, v20;
	[tilespmem:s11+$0x17000] =	vst v60  }
.Ltmp18:
0x23d: {  	v13 =	vsel vm5, v22, v13;
	v63 =	vnsel vm8, s0, v12;
	v15 =	vsel vm9, v15, v16;
	[tilespmem:s22+$0x17000] =	vst v17;
	(pc) =	sbr.rel @!p0 .LBB2_39-.Ltmp18, $4  }
0x23e: {  	v13 =	vsel vm9, v63, v13;
	[tilespmem:s21+$0x17000] =	vst v15  }
0x23f: {  	v61 =	vsel vm7, s0, v19;
	v62 =	vnsel vm7, s0, v19;
	[tilespmem:s21+$0x17180] =	vst v13  }
0x240: {  	v12 =	vsel vm8, v62, v12;
	[tilespmem:s11+$0x17180] =	vst v61  }
0x241: {  	[tilespmem:s22+$0x17180] =	vst v12  }
0x242: {  	p0 =	seq.s32 s3, $0x20  }
.Ltmp19:
0x243: {  	_ = 	snop;
	(pc) =	sbr.rel @!p0 .LBB2_38-.Ltmp19, $2  }
0x244: {  	_ =	sdelay $0x2  }
0x245: {  	s1 =	sadd.s32 $0x40, s1  }
0x246: {  	s0 =	rddreg [dreg:$0xd];
	s1 =	simm.s32 $0x17000  }
0x247: {  	[hbm4b:s0+s5] =	stream.linear.scatter [tilespmem:s1], [sflag:$0x4], $0x180, $0x200038;
	[tilespmem:$0x17400] =	vst v63  }
0x248: {  	_ =	swait.ge [sflag:s26], $0x180  }
0x249: {  	[sflag:s26] =	ssyncset.done $0x0  }
0x24a: {  	s22 =	simm.s32 $0x17180;
	s21 =	rddreg [dreg:$0xe];
	[sflag:s26] =	ssyncadd.s32 $0xFFFFFE80  }
0x24b: {  	[hbm4b:s21+s5] =	stream.linear.scatter [tilespmem:s22], [sflag:$0x4], $0x180, $0x200038;
	[tilespmem:$0x17400] =	vst v63  }
0x24c: {  	_ =	swait.ge [sflag:s26], $0x180  }
0x24d: {  	s23 =	rddreg [dreg:$0x10]  }
0x24e: {  	s30 =	rddreg [dreg:$0xf];
	s1 =	sadd.s32 $0x1, s23  }
0x24f: {  	[sflag:s26] =	ssyncset.done $0x0;
	p0 =	sne.s32 s1, s30  }
.Ltmp20:
0x250: {  	[sflag:s26] =	ssyncadd.s32 $0xFFFFFE80;
	(pc) =	sbr.rel @p0 .LBB2_1-.Ltmp20, $4  }
0x251: {  	_ =	strace $0x9000004A  }
0x252: {  	s23 =	rddreg [dreg:$0x0]  }
0x253: {  	s7 =	rddreg [dreg:$0x1]  }
0x254: {  	s29 =	rddreg [dreg:$0xa]  }
0x255: {  	_ =	sfence.sel $0x180000  }
0x256: {  	[bflag:$0x0] =	sbarrier.arrive $0xFFFF  }
0x257: {  	_ =	strace $0x90000047  }
0x258: {  	s0 =	stileid.u32;
	[bflag:$0x2] =	sbarrier.arrive $0xFFFF  }
0x259: {  	p0 =	sne.s32 s0, $0x0;
	s0 =	rddreg [dreg:$0x9]  }
0x25a: {  	s0 =	sadd.s32 @!p0 $0x100000, s0  }
0x25b: {  	[sflag:s0] =	ssyncadd.tile.s32 @!p0 $0x1;
	_ =	shalt  }
.Lfunc_end2:
_tile_overlayer_lowered:
.L_overlay_start_2:
0x25c: {  	(tag) =	ssettag $0x2  }
0x25d: {  	s0 =	rddreg [dreg:$0x0];
	s2 =	stileid.u32  }
0x25e: {  	s1 =	rddreg [dreg:$0x1];
	p0 =	sne.s32 s2, $0x0  }
0x25f: {  	s3 =	rddreg [dreg:$0x2];
	[bflag:$0x3] =	sbarrier.arrive $0xFFFF;
	s2 =	simm.s32 @!p0 $0x1C04  }
0x260: {  	[timem:s3], [sflag:s2] =	dma.local @!p0 [hbm:s0], s1  }
0x261: {  	s0 =	simm.s32 @!p0 $0x4  }
0x262: {  	_ =	swait.ge @!p0 [sflag:s0], s1  }
0x263: {  	s1 =	ssub.s32 @!p0 $0x0, s1;
	[sflag:s0] =	ssyncset.done @!p0 $0x0  }
0x264: {  	[sflag:s0] =	ssyncadd.s32 @!p0 s1  }
0x265: {  	[bflag:$0x3] =	sbarrier.arrive $0xFFFF  }
0x266: {  	_ =	shalt  }

</sc_bundles>
